<compile_context>
chip_gen: v7x
topology: tpu7x:2x2x1
jax: 0.10.2.dev20260603
libtpu: 0.0.44.dev20260713+nightly
codegen_flags: <defaults>
</compile_context>

<pallas_src>
import functools
import math

import jax
import jax.numpy as jnp
from jax import lax
from jax.experimental import pallas as pl
from jax.experimental.pallas import tpu as pltpu
from jax.experimental.pallas import tpu_sc as plsc

D = 128
SCALE = math.sqrt(float(D))

NC = 2
NS = 16
NW = NC * NS

B_TOTAL = 1024 * 200
B_PER_W = B_TOTAL // NW
CHUNK = 200
SPLITS = ((0, 128), (128, 72))
NCHUNK = B_PER_W // CHUNK
ROW_UNROLL = 4


def _emb_body(x_hbm, table_hbm, out_hbm, idx_v,
              gbuf0, gbuf1, sbuf0, sbuf1,
              gsem0, gsem1, ssem0, ssem1):
    gbuf = (gbuf0, gbuf1)
    sbuf = (sbuf0, sbuf1)
    gsem = (gsem0, gsem1)
    ssem = (ssem0, ssem1)

    wid = lax.axis_index("s") * NC + lax.axis_index("c")
    base = wid * B_PER_W
    pltpu.sync_copy(x_hbm.at[pl.ds(base, B_PER_W)], idx_v)

    def g_start(j, b):
        off = pl.multiple_of(j * CHUNK, 8)
        for lo, n in SPLITS:
            pltpu.async_copy(
                table_hbm.at[idx_v.at[pl.ds(off + lo, n)]],
                gbuf[b].at[pl.ds(lo, n)], gsem[b])

    def g_wait(b):
        for lo, n in SPLITS:
            pltpu.make_async_copy(
                table_hbm.at[idx_v.at[pl.ds(lo, n)]],
                gbuf[b].at[pl.ds(lo, n)], gsem[b]).wait()

    def s_start(j, b):
        off = pl.multiple_of(j * CHUNK, 8)
        pltpu.async_copy(sbuf[b], out_hbm.at[pl.ds(base + off, CHUNK)],
                         ssem[b])

    def s_wait(b):
        pltpu.make_async_copy(sbuf[b], out_hbm.at[pl.ds(base, CHUNK)],
                              ssem[b]).wait()

    def scale(b):
        gb, sb = gbuf[b], sbuf[b]

        def srow(i, carry):
            r0 = i * ROW_UNROLL
            for dr in range(ROW_UNROLL):
                r = r0 + dr
                for c in range(D // 16):
                    sl = pl.ds(c * 16, 16)
                    sb[r, sl] = gb[r, sl] * SCALE
            return carry

        lax.fori_loop(0, CHUNK // ROW_UNROLL, srow, 0)

    g_start(0, 0)

    def body(i, carry):
        j0 = i * 2
        for b in range(2):
            j = j0 + b
            g_wait(b)
            g_start(j + 1, 1 - b)

            @pl.when(j >= 2)
            def _():
                s_wait(b)

            scale(b)
            s_start(j, b)
        return carry

    lax.fori_loop(0, (NCHUNK - 2) // 2, body, 0)

    g_wait(0)
    g_start(NCHUNK - 1, 1)
    s_wait(0)
    scale(0)
    s_start(NCHUNK - 2, 0)
    g_wait(1)
    s_wait(1)
    scale(1)
    s_start(NCHUNK - 1, 1)
    s_wait(0)
    s_wait(1)


_emb = functools.partial(
    pl.kernel,
    mesh=plsc.VectorSubcoreMesh(core_axis_name="c", subcore_axis_name="s"),
    out_type=jax.ShapeDtypeStruct((B_TOTAL, D), jnp.float32),
    scratch_types=[
        pltpu.VMEM((B_PER_W,), jnp.int32),
        pltpu.VMEM((CHUNK, D), jnp.float32),
        pltpu.VMEM((CHUNK, D), jnp.float32),
        pltpu.VMEM((CHUNK, D), jnp.float32),
        pltpu.VMEM((CHUNK, D), jnp.float32),
        pltpu.SemaphoreType.DMA,
        pltpu.SemaphoreType.DMA,
        pltpu.SemaphoreType.DMA,
        pltpu.SemaphoreType.DMA,
    ],
)(_emb_body)


def kernel(x, table):
    xf = x.reshape(-1).astype(jnp.int32)
    out = _emb(xf, table)
    return out.reshape(x.shape + (D,))

# --- scband reference (transcript-rebuilt; emitter-appended) ---
"""Pipeline reference for scband-input-embedding-19112604467275 (READ-ONLY COPY).

The authoritative reference and input builder live on the scoring server;
editing this copy changes nothing except your own understanding.
"""

import jax, jax.numpy as jnp
import numpy as np
import math

VOCAB_SIZE = 100000
EMBEDDING_DIM = 128
BATCH = 1024
SEQ_LEN = 200

def setup_inputs(seed: int = 0) -> dict:
    key = jax.random.key(seed)
    k1, k2 = jax.random.split(key)
    x = jax.random.randint(k1, (BATCH, SEQ_LEN), 0, VOCAB_SIZE, dtype=jnp.int64 if jax.config.jax_enable_x64 else jnp.int32)
    table = jax.random.normal(k2, (VOCAB_SIZE, EMBEDDING_DIM), dtype=jnp.float32)
    return {"x": x, "table": table}

def reference(x, table):
    scale = math.sqrt(EMBEDDING_DIM)
    out = jnp.take(table, x, axis=0) * scale
    return out

if __name__ == "__main__":
    import jax
    _d = setup_inputs()
    print(jax.jit(kernel)(*tuple(_d.values())))

</pallas_src>

<mosaic_0001>
#map = affine_map<(d0, d1) -> (0)>
#map1 = affine_map<(d0, d1) -> (0, 0)>
module attributes {stable_mosaic.version = 14 : i64} {
  func.func @_emb_body(%arg0: i32, %arg1: i32, %arg2: memref<204800xi32, #tpu.memory_space<hbm>>, %arg3: memref<100000x128xf32, #tpu.memory_space<hbm>>, %arg4: memref<204800x128xf32, #tpu.memory_space<hbm>>, %arg5: memref<6400xi32, #tpu.memory_space<vmem>>, %arg6: memref<200x128xf32, #tpu.memory_space<vmem>>, %arg7: memref<200x128xf32, #tpu.memory_space<vmem>>, %arg8: memref<200x128xf32, #tpu.memory_space<vmem>>, %arg9: memref<200x128xf32, #tpu.memory_space<vmem>>, %arg10: memref<!tpu.dma_semaphore, #tpu.memory_space<semaphore_mem>>, %arg11: memref<!tpu.dma_semaphore, #tpu.memory_space<semaphore_mem>>, %arg12: memref<!tpu.dma_semaphore, #tpu.memory_space<semaphore_mem>>, %arg13: memref<!tpu.dma_semaphore, #tpu.memory_space<semaphore_mem>>) attributes {dimension_semantics = [#tpu.dimension_semantics<core_parallel>, #tpu.dimension_semantics<subcore_parallel>], iteration_bounds = array<i64: 2, 16>, scalar_prefetch = 0 : i64, scratch_operands = 9 : i64, tpu.core_type = #tpu.core_type<sc_vector_subcore>, window_params = [{transform_indices = #map}, {transform_indices = #map1}, {transform_indices = #map1}]} {
    %mul3A = arith.constant 2 : i32
    %mul3A_0 = arith.muli %arg1, %mul3A : i32
    %add3A = arith.addi %mul3A_0, %arg0 : i32
    %mul3A_1 = arith.constant 6400 : i32
    %mul3A_2 = arith.muli %add3A, %mul3A_1 : i32
    "tpu.region"() ({
      %run_scoped3A = tpu.sem_alloc : memref<!tpu.dma_semaphore, #tpu.memory_space<semaphore_mem>>
      %dma_start3A_119 = tpu.memref_slice %arg2[%mul3A_2] : memref<204800xi32, #tpu.memory_space<hbm>> -> memref<6400xi32, #tpu.memory_space<hbm>>
      %dma_start3A_120 = tpu.memref_slice %arg2[%mul3A_2] : memref<204800xi32, #tpu.memory_space<hbm>> -> memref<6400xi32, #tpu.memory_space<hbm>>
      tpu.enqueue_dma source(%dma_start3A_120 : memref<6400xi32, #tpu.memory_space<hbm>>) target(%arg5 : memref<6400xi32, #tpu.memory_space<vmem>>) target_semaphore(%run_scoped3A : memref<!tpu.dma_semaphore, #tpu.memory_space<semaphore_mem>>)
      %dma_wait3A_121 = tpu.memref_slice %arg2[%mul3A_2] : memref<204800xi32, #tpu.memory_space<hbm>> -> memref<6400xi32, #tpu.memory_space<hbm>>
      %dma_wait3A_122 = tpu.memref_slice %arg2[%mul3A_2] : memref<204800xi32, #tpu.memory_space<hbm>> -> memref<6400xi32, #tpu.memory_space<hbm>>
      tpu.wait_dma2 semaphore(%run_scoped3A : memref<!tpu.dma_semaphore, #tpu.memory_space<semaphore_mem>>) src(%dma_wait3A_122 : memref<6400xi32, #tpu.memory_space<hbm>>) dst(%arg5 : memref<6400xi32, #tpu.memory_space<vmem>>)
      tpu.yield
    }) : () -> ()
    %multiple_of3A = arith.constant 0 : i32
    %multiple_of3A_3 = tpu.assume_multiple %multiple_of3A, 8 : i32
    %add3A_4 = arith.constant 0 : i32
    %add3A_5 = arith.addi %multiple_of3A_3, %add3A_4 : i32
    %dma_start3A = arith.constant 0 : i32
    %dma_start3A_6 = arith.constant 0 : i32
    %dma_start3A_7 = tpu.memref_slice %arg6[%dma_start3A, %dma_start3A_6] : memref<200x128xf32, #tpu.memory_space<vmem>> -> memref<128x128xf32, #tpu.memory_space<vmem>>
    %dma_start3A_8 = tpu.memref_slice %arg5[%add3A_5] : memref<6400xi32, #tpu.memory_space<vmem>> -> memref<128xi32, #tpu.memory_space<vmem>>
    %dma_start3A_9 = arith.constant 0 : i32
    %dma_start3A_10 = arith.constant 0 : i32
    %dma_start3A_11 = tpu.memref_slice %arg3[%dma_start3A_9, %dma_start3A_10] : memref<100000x128xf32, #tpu.memory_space<hbm>> -> memref<100000x128xf32, #tpu.memory_space<hbm>>
    tpu.enqueue_indirect_dma source(%dma_start3A_11 : memref<100000x128xf32, #tpu.memory_space<hbm>>) target(%dma_start3A_7 : memref<128x128xf32, #tpu.memory_space<vmem>>) offsets(%dma_start3A_8 : memref<128xi32, #tpu.memory_space<vmem>>) semaphore(%arg10 : memref<!tpu.dma_semaphore, #tpu.memory_space<semaphore_mem>>)
    %add3A_12 = arith.constant 128 : i32
    %add3A_13 = arith.addi %multiple_of3A_3, %add3A_12 : i32
    %dma_start3A_14 = arith.constant 128 : i32
    %dma_start3A_15 = arith.constant 0 : i32
    %dma_start3A_16 = tpu.memref_slice %arg6[%dma_start3A_14, %dma_start3A_15] : memref<200x128xf32, #tpu.memory_space<vmem>> -> memref<72x128xf32, #tpu.memory_space<vmem>>
    %dma_start3A_17 = tpu.memref_slice %arg5[%add3A_13] : memref<6400xi32, #tpu.memory_space<vmem>> -> memref<72xi32, #tpu.memory_space<vmem>>
    %dma_start3A_18 = arith.constant 0 : i32
    %dma_start3A_19 = arith.constant 0 : i32
    %dma_start3A_20 = tpu.memref_slice %arg3[%dma_start3A_18, %dma_start3A_19] : memref<100000x128xf32, #tpu.memory_space<hbm>> -> memref<100000x128xf32, #tpu.memory_space<hbm>>
    tpu.enqueue_indirect_dma source(%dma_start3A_20 : memref<100000x128xf32, #tpu.memory_space<hbm>>) target(%dma_start3A_16 : memref<72x128xf32, #tpu.memory_space<vmem>>) offsets(%dma_start3A_17 : memref<72xi32, #tpu.memory_space<vmem>>) semaphore(%arg10 : memref<!tpu.dma_semaphore, #tpu.memory_space<semaphore_mem>>)
    %scan3A = arith.constant 0 : i32
    %scan3A_21 = arith.constant 0 : i32
    %scan3A_22 = arith.constant 15 : i32
    %scan3A_23 = arith.addi %scan3A_21, %scan3A_22 : i32
    %scan3A_24 = arith.constant 1 : i32
    scf.for %scan3A_119 = %scan3A_21 to %scan3A_23 step %scan3A_24  : i32 {
      %mul3A_120 = arith.constant 2 : i32
      %mul3A_121 = arith.muli %scan3A_119, %mul3A_120 : i32
      %add3A_122 = arith.constant 0 : i32
      %add3A_123 = arith.addi %mul3A_121, %add3A_122 : i32
      %dma_wait3A_124 = arith.constant 0 : i32
      %dma_wait3A_125 = arith.constant 0 : i32
      %dma_wait3A_126 = tpu.memref_slice %arg6[%dma_wait3A_124, %dma_wait3A_125] : memref<200x128xf32, #tpu.memory_space<vmem>> -> memref<128x128xf32, #tpu.memory_space<vmem>>
      %dma_wait3A_127 = arith.constant 0 : i32
      %dma_wait3A_128 = tpu.memref_slice %arg5[%dma_wait3A_127] : memref<6400xi32, #tpu.memory_space<vmem>> -> memref<128xi32, #tpu.memory_space<vmem>>
      %dma_wait3A_129 = arith.constant 0 : i32
      %dma_wait3A_130 = arith.constant 0 : i32
      %dma_wait3A_131 = tpu.memref_slice %arg3[%dma_wait3A_129, %dma_wait3A_130] : memref<100000x128xf32, #tpu.memory_space<hbm>> -> memref<100000x128xf32, #tpu.memory_space<hbm>>
      tpu.wait_indirect_dma semaphore(%arg10 : memref<!tpu.dma_semaphore, #tpu.memory_space<semaphore_mem>>) src(%dma_wait3A_131 : memref<100000x128xf32, #tpu.memory_space<hbm>>) dst(%dma_wait3A_126 : memref<128x128xf32, #tpu.memory_space<vmem>>)
      %dma_wait3A_132 = arith.constant 128 : i32
      %dma_wait3A_133 = arith.constant 0 : i32
      %dma_wait3A_134 = tpu.memref_slice %arg6[%dma_wait3A_132, %dma_wait3A_133] : memref<200x128xf32, #tpu.memory_space<vmem>> -> memref<72x128xf32, #tpu.memory_space<vmem>>
      %dma_wait3A_135 = arith.constant 128 : i32
      %dma_wait3A_136 = tpu.memref_slice %arg5[%dma_wait3A_135] : memref<6400xi32, #tpu.memory_space<vmem>> -> memref<72xi32, #tpu.memory_space<vmem>>
      %dma_wait3A_137 = arith.constant 0 : i32
      %dma_wait3A_138 = arith.constant 0 : i32
      %dma_wait3A_139 = tpu.memref_slice %arg3[%dma_wait3A_137, %dma_wait3A_138] : memref<100000x128xf32, #tpu.memory_space<hbm>> -> memref<100000x128xf32, #tpu.memory_space<hbm>>
      tpu.wait_indirect_dma semaphore(%arg10 : memref<!tpu.dma_semaphore, #tpu.memory_space<semaphore_mem>>) src(%dma_wait3A_139 : memref<100000x128xf32, #tpu.memory_space<hbm>>) dst(%dma_wait3A_134 : memref<72x128xf32, #tpu.memory_space<vmem>>)
      %add3A_140 = arith.constant 1 : i32
      %add3A_141 = arith.addi %add3A_123, %add3A_140 : i32
      %mul3A_142 = arith.constant 200 : i32
      %mul3A_143 = arith.muli %add3A_141, %mul3A_142 : i32
      %multiple_of3A_144 = tpu.assume_multiple %mul3A_143, 8 : i32
      %add3A_145 = arith.constant 0 : i32
      %add3A_146 = arith.addi %multiple_of3A_144, %add3A_145 : i32
      %dma_start3A_147 = arith.constant 0 : i32
      %dma_start3A_148 = arith.constant 0 : i32
      %dma_start3A_149 = tpu.memref_slice %arg7[%dma_start3A_147, %dma_start3A_148] : memref<200x128xf32, #tpu.memory_space<vmem>> -> memref<128x128xf32, #tpu.memory_space<vmem>>
      %dma_start3A_150 = tpu.memref_slice %arg5[%add3A_146] : memref<6400xi32, #tpu.memory_space<vmem>> -> memref<128xi32, #tpu.memory_space<vmem>>
      %dma_start3A_151 = arith.constant 0 : i32
      %dma_start3A_152 = arith.constant 0 : i32
      %dma_start3A_153 = tpu.memref_slice %arg3[%dma_start3A_151, %dma_start3A_152] : memref<100000x128xf32, #tpu.memory_space<hbm>> -> memref<100000x128xf32, #tpu.memory_space<hbm>>
      tpu.enqueue_indirect_dma source(%dma_start3A_153 : memref<100000x128xf32, #tpu.memory_space<hbm>>) target(%dma_start3A_149 : memref<128x128xf32, #tpu.memory_space<vmem>>) offsets(%dma_start3A_150 : memref<128xi32, #tpu.memory_space<vmem>>) semaphore(%arg11 : memref<!tpu.dma_semaphore, #tpu.memory_space<semaphore_mem>>)
      %add3A_154 = arith.constant 128 : i32
      %add3A_155 = arith.addi %multiple_of3A_144, %add3A_154 : i32
      %dma_start3A_156 = arith.constant 128 : i32
      %dma_start3A_157 = arith.constant 0 : i32
      %dma_start3A_158 = tpu.memref_slice %arg7[%dma_start3A_156, %dma_start3A_157] : memref<200x128xf32, #tpu.memory_space<vmem>> -> memref<72x128xf32, #tpu.memory_space<vmem>>
      %dma_start3A_159 = tpu.memref_slice %arg5[%add3A_155] : memref<6400xi32, #tpu.memory_space<vmem>> -> memref<72xi32, #tpu.memory_space<vmem>>
      %dma_start3A_160 = arith.constant 0 : i32
      %dma_start3A_161 = arith.constant 0 : i32
      %dma_start3A_162 = tpu.memref_slice %arg3[%dma_start3A_160, %dma_start3A_161] : memref<100000x128xf32, #tpu.memory_space<hbm>> -> memref<100000x128xf32, #tpu.memory_space<hbm>>
      tpu.enqueue_indirect_dma source(%dma_start3A_162 : memref<100000x128xf32, #tpu.memory_space<hbm>>) target(%dma_start3A_158 : memref<72x128xf32, #tpu.memory_space<vmem>>) offsets(%dma_start3A_159 : memref<72xi32, #tpu.memory_space<vmem>>) semaphore(%arg11 : memref<!tpu.dma_semaphore, #tpu.memory_space<semaphore_mem>>)
      %ge3A = arith.constant 2 : i32
      %ge3A_163 = arith.cmpi sge, %add3A_123, %ge3A : i32
      %convert_element_type3A = arith.extui %ge3A_163 : i1 to i32
      %cond3A = arith.constant 0 : i32
      %cond3A_164 = arith.cmpi ne, %convert_element_type3A, %cond3A : i32
      scf.if %cond3A_164 {
        %dma_wait3A_239 = arith.constant 0 : i32
        %dma_wait3A_240 = tpu.memref_slice %arg4[%mul3A_2, %dma_wait3A_239] : memref<204800x128xf32, #tpu.memory_space<hbm>> -> memref<200x128xf32, #tpu.memory_space<hbm>>
        %dma_wait3A_241 = arith.constant 0 : i32
        %dma_wait3A_242 = tpu.memref_slice %arg4[%mul3A_2, %dma_wait3A_241] : memref<204800x128xf32, #tpu.memory_space<hbm>> -> memref<200x128xf32, #tpu.memory_space<hbm>>
        tpu.wait_dma2 semaphore(%arg12 : memref<!tpu.dma_semaphore, #tpu.memory_space<semaphore_mem>>) src(%arg8 : memref<200x128xf32, #tpu.memory_space<vmem>>) dst(%dma_wait3A_242 : memref<200x128xf32, #tpu.memory_space<hbm>>)
      } else {
      }
      %scan3A_165 = arith.constant 0 : i32
      %scan3A_166 = arith.constant 0 : i32
      %scan3A_167 = arith.constant 50 : i32
      %scan3A_168 = arith.addi %scan3A_166, %scan3A_167 : i32
      %scan3A_169 = arith.constant 1 : i32
      scf.for %scan3A_239 = %scan3A_166 to %scan3A_168 step %scan3A_169  : i32 {
        %mul3A_240 = arith.constant 4 : i32
        %mul3A_241 = arith.muli %scan3A_239, %mul3A_240 : i32
        %add3A_242 = arith.constant 0 : i32
        %add3A_243 = arith.addi %mul3A_241, %add3A_242 : i32
        %get3A = arith.index_cast %add3A_243 : i32 to index
        %get3A_244 = arith.constant 0 : index
        %get3A_245 = tpu.vector_load %arg6[%get3A, %get3A_244] {strides = array<i32>} : memref<200x128xf32, #tpu.memory_space<vmem>>, vector<1x16xf32>,
        %get3A_246 = vector.shape_cast %get3A_245 : vector<1x16xf32> to vector<16xf32>
        %mul3A_247 = arith.constant 11.3137083 : f32
        %mul3A_248 = vector.broadcast %mul3A_247 : f32 to vector<16xf32>
        %mul3A_249 = arith.mulf %get3A_246, %mul3A_248 : vector<16xf32>
        %swap3A = arith.index_cast %add3A_243 : i32 to index
        %swap3A_250 = arith.constant 0 : index
        %swap3A_251 = tpu.vector_load %arg8[%swap3A, %swap3A_250] {strides = array<i32>} : memref<200x128xf32, #tpu.memory_space<vmem>>, vector<1x16xf32>,
        %swap3A_252 = vector.shape_cast %swap3A_251 : vector<1x16xf32> to vector<16xf32>
        %swap3A_253 = vector.shape_cast %mul3A_249 : vector<16xf32> to vector<1x16xf32>
        tpu.vector_store %arg8[%swap3A, %swap3A_250], %swap3A_253 {strides = array<i32>} : memref<200x128xf32, #tpu.memory_space<vmem>>, vector<1x16xf32>,
        %get3A_254 = arith.index_cast %add3A_243 : i32 to index
        %get3A_255 = arith.constant 16 : index
        %get3A_256 = tpu.vector_load %arg6[%get3A_254, %get3A_255] {strides = array<i32>} : memref<200x128xf32, #tpu.memory_space<vmem>>, vector<1x16xf32>,
        %get3A_257 = vector.shape_cast %get3A_256 : vector<1x16xf32> to vector<16xf32>
        %mul3A_258 = arith.constant 11.3137083 : f32
        %mul3A_259 = vector.broadcast %mul3A_258 : f32 to vector<16xf32>
        %mul3A_260 = arith.mulf %get3A_257, %mul3A_259 : vector<16xf32>
        %swap3A_261 = arith.index_cast %add3A_243 : i32 to index
        %swap3A_262 = arith.constant 16 : index
        %swap3A_263 = tpu.vector_load %arg8[%swap3A_261, %swap3A_262] {strides = array<i32>} : memref<200x128xf32, #tpu.memory_space<vmem>>, vector<1x16xf32>,
        %swap3A_264 = vector.shape_cast %swap3A_263 : vector<1x16xf32> to vector<16xf32>
        %swap3A_265 = vector.shape_cast %mul3A_260 : vector<16xf32> to vector<1x16xf32>
        tpu.vector_store %arg8[%swap3A_261, %swap3A_262], %swap3A_265 {strides = array<i32>} : memref<200x128xf32, #tpu.memory_space<vmem>>, vector<1x16xf32>,
        %get3A_266 = arith.index_cast %add3A_243 : i32 to index
        %get3A_267 = arith.constant 32 : index
        %get3A_268 = tpu.vector_load %arg6[%get3A_266, %get3A_267] {strides = array<i32>} : memref<200x128xf32, #tpu.memory_space<vmem>>, vector<1x16xf32>,
        %get3A_269 = vector.shape_cast %get3A_268 : vector<1x16xf32> to vector<16xf32>
        %mul3A_270 = arith.constant 11.3137083 : f32
        %mul3A_271 = vector.broadcast %mul3A_270 : f32 to vector<16xf32>
        %mul3A_272 = arith.mulf %get3A_269, %mul3A_271 : vector<16xf32>
        %swap3A_273 = arith.index_cast %add3A_243 : i32 to index
        %swap3A_274 = arith.constant 32 : index
        %swap3A_275 = tpu.vector_load %arg8[%swap3A_273, %swap3A_274] {strides = array<i32>} : memref<200x128xf32, #tpu.memory_space<vmem>>, vector<1x16xf32>,
        %swap3A_276 = vector.shape_cast %swap3A_275 : vector<1x16xf32> to vector<16xf32>
        %swap3A_277 = vector.shape_cast %mul3A_272 : vector<16xf32> to vector<1x16xf32>
        tpu.vector_store %arg8[%swap3A_273, %swap3A_274], %swap3A_277 {strides = array<i32>} : memref<200x128xf32, #tpu.memory_space<vmem>>, vector<1x16xf32>,
        %get3A_278 = arith.index_cast %add3A_243 : i32 to index
        %get3A_279 = arith.constant 48 : index
        %get3A_280 = tpu.vector_load %arg6[%get3A_278, %get3A_279] {strides = array<i32>} : memref<200x128xf32, #tpu.memory_space<vmem>>, vector<1x16xf32>,
        %get3A_281 = vector.shape_cast %get3A_280 : vector<1x16xf32> to vector<16xf32>
        %mul3A_282 = arith.constant 11.3137083 : f32
        %mul3A_283 = vector.broadcast %mul3A_282 : f32 to vector<16xf32>
        %mul3A_284 = arith.mulf %get3A_281, %mul3A_283 : vector<16xf32>
        %swap3A_285 = arith.index_cast %add3A_243 : i32 to index
        %swap3A_286 = arith.constant 48 : index
        %swap3A_287 = tpu.vector_load %arg8[%swap3A_285, %swap3A_286] {strides = array<i32>} : memref<200x128xf32, #tpu.memory_space<vmem>>, vector<1x16xf32>,
        %swap3A_288 = vector.shape_cast %swap3A_287 : vector<1x16xf32> to vector<16xf32>
        %swap3A_289 = vector.shape_cast %mul3A_284 : vector<16xf32> to vector<1x16xf32>
        tpu.vector_store %arg8[%swap3A_285, %swap3A_286], %swap3A_289 {strides = array<i32>} : memref<200x128xf32, #tpu.memory_space<vmem>>, vector<1x16xf32>,
        %get3A_290 = arith.index_cast %add3A_243 : i32 to index
        %get3A_291 = arith.constant 64 : index
        %get3A_292 = tpu.vector_load %arg6[%get3A_290, %get3A_291] {strides = array<i32>} : memref<200x128xf32, #tpu.memory_space<vmem>>, vector<1x16xf32>,
        %get3A_293 = vector.shape_cast %get3A_292 : vector<1x16xf32> to vector<16xf32>
        %mul3A_294 = arith.constant 11.3137083 : f32
        %mul3A_295 = vector.broadcast %mul3A_294 : f32 to vector<16xf32>
        %mul3A_296 = arith.mulf %get3A_293, %mul3A_295 : vector<16xf32>
        %swap3A_297 = arith.index_cast %add3A_243 : i32 to index
        %swap3A_298 = arith.constant 64 : index
        %swap3A_299 = tpu.vector_load %arg8[%swap3A_297, %swap3A_298] {strides = array<i32>} : memref<200x128xf32, #tpu.memory_space<vmem>>, vector<1x16xf32>,
        %swap3A_300 = vector.shape_cast %swap3A_299 : vector<1x16xf32> to vector<16xf32>
        %swap3A_301 = vector.shape_cast %mul3A_296 : vector<16xf32> to vector<1x16xf32>
        tpu.vector_store %arg8[%swap3A_297, %swap3A_298], %swap3A_301 {strides = array<i32>} : memref<200x128xf32, #tpu.memory_space<vmem>>, vector<1x16xf32>,
        %get3A_302 = arith.index_cast %add3A_243 : i32 to index
        %get3A_303 = arith.constant 80 : index
        %get3A_304 = tpu.vector_load %arg6[%get3A_302, %get3A_303] {strides = array<i32>} : memref<200x128xf32, #tpu.memory_space<vmem>>, vector<1x16xf32>,
        %get3A_305 = vector.shape_cast %get3A_304 : vector<1x16xf32> to vector<16xf32>
        %mul3A_306 = arith.constant 11.3137083 : f32
        %mul3A_307 = vector.broadcast %mul3A_306 : f32 to vector<16xf32>
        %mul3A_308 = arith.mulf %get3A_305, %mul3A_307 : vector<16xf32>
        %swap3A_309 = arith.index_cast %add3A_243 : i32 to index
        %swap3A_310 = arith.constant 80 : index
        %swap3A_311 = tpu.vector_load %arg8[%swap3A_309, %swap3A_310] {strides = array<i32>} : memref<200x128xf32, #tpu.memory_space<vmem>>, vector<1x16xf32>,
        %swap3A_312 = vector.shape_cast %swap3A_311 : vector<1x16xf32> to vector<16xf32>
        %swap3A_313 = vector.shape_cast %mul3A_308 : vector<16xf32> to vector<1x16xf32>
        tpu.vector_store %arg8[%swap3A_309, %swap3A_310], %swap3A_313 {strides = array<i32>} : memref<200x128xf32, #tpu.memory_space<vmem>>, vector<1x16xf32>,
        %get3A_314 = arith.index_cast %add3A_243 : i32 to index
        %get3A_315 = arith.constant 96 : index
        %get3A_316 = tpu.vector_load %arg6[%get3A_314, %get3A_315] {strides = array<i32>} : memref<200x128xf32, #tpu.memory_space<vmem>>, vector<1x16xf32>,
        %get3A_317 = vector.shape_cast %get3A_316 : vector<1x16xf32> to vector<16xf32>
        %mul3A_318 = arith.constant 11.3137083 : f32
        %mul3A_319 = vector.broadcast %mul3A_318 : f32 to vector<16xf32>
        %mul3A_320 = arith.mulf %get3A_317, %mul3A_319 : vector<16xf32>
        %swap3A_321 = arith.index_cast %add3A_243 : i32 to index
        %swap3A_322 = arith.constant 96 : index
        %swap3A_323 = tpu.vector_load %arg8[%swap3A_321, %swap3A_322] {strides = array<i32>} : memref<200x128xf32, #tpu.memory_space<vmem>>, vector<1x16xf32>,
        %swap3A_324 = vector.shape_cast %swap3A_323 : vector<1x16xf32> to vector<16xf32>
        %swap3A_325 = vector.shape_cast %mul3A_320 : vector<16xf32> to vector<1x16xf32>
        tpu.vector_store %arg8[%swap3A_321, %swap3A_322], %swap3A_325 {strides = array<i32>} : memref<200x128xf32, #tpu.memory_space<vmem>>, vector<1x16xf32>,
        %get3A_326 = arith.index_cast %add3A_243 : i32 to index
        %get3A_327 = arith.constant 112 : index
        %get3A_328 = tpu.vector_load %arg6[%get3A_326, %get3A_327] {strides = array<i32>} : memref<200x128xf32, #tpu.memory_space<vmem>>, vector<1x16xf32>,
        %get3A_329 = vector.shape_cast %get3A_328 : vector<1x16xf32> to vector<16xf32>
        %mul3A_330 = arith.constant 11.3137083 : f32
        %mul3A_331 = vector.broadcast %mul3A_330 : f32 to vector<16xf32>
        %mul3A_332 = arith.mulf %get3A_329, %mul3A_331 : vector<16xf32>
        %swap3A_333 = arith.index_cast %add3A_243 : i32 to index
        %swap3A_334 = arith.constant 112 : index
        %swap3A_335 = tpu.vector_load %arg8[%swap3A_333, %swap3A_334] {strides = array<i32>} : memref<200x128xf32, #tpu.memory_space<vmem>>, vector<1x16xf32>,
        %swap3A_336 = vector.shape_cast %swap3A_335 : vector<1x16xf32> to vector<16xf32>
        %swap3A_337 = vector.shape_cast %mul3A_332 : vector<16xf32> to vector<1x16xf32>
        tpu.vector_store %arg8[%swap3A_333, %swap3A_334], %swap3A_337 {strides = array<i32>} : memref<200x128xf32, #tpu.memory_space<vmem>>, vector<1x16xf32>,
        %add3A_338 = arith.constant 1 : i32
        %add3A_339 = arith.addi %mul3A_241, %add3A_338 : i32
        %get3A_340 = arith.index_cast %add3A_339 : i32 to index
        %get3A_341 = arith.constant 0 : index
        %get3A_342 = tpu.vector_load %arg6[%get3A_340, %get3A_341] {strides = array<i32>} : memref<200x128xf32, #tpu.memory_space<vmem>>, vector<1x16xf32>,
        %get3A_343 = vector.shape_cast %get3A_342 : vector<1x16xf32> to vector<16xf32>
        %mul3A_344 = arith.constant 11.3137083 : f32
        %mul3A_345 = vector.broadcast %mul3A_344 : f32 to vector<16xf32>
        %mul3A_346 = arith.mulf %get3A_343, %mul3A_345 : vector<16xf32>
        %swap3A_347 = arith.index_cast %add3A_339 : i32 to index
        %swap3A_348 = arith.constant 0 : index
        %swap3A_349 = tpu.vector_load %arg8[%swap3A_347, %swap3A_348] {strides = array<i32>} : memref<200x128xf32, #tpu.memory_space<vmem>>, vector<1x16xf32>,
        %swap3A_350 = vector.shape_cast %swap3A_349 : vector<1x16xf32> to vector<16xf32>
        %swap3A_351 = vector.shape_cast %mul3A_346 : vector<16xf32> to vector<1x16xf32>
        tpu.vector_store %arg8[%swap3A_347, %swap3A_348], %swap3A_351 {strides = array<i32>} : memref<200x128xf32, #tpu.memory_space<vmem>>, vector<1x16xf32>,
        %get3A_352 = arith.index_cast %add3A_339 : i32 to index
        %get3A_353 = arith.constant 16 : index
        %get3A_354 = tpu.vector_load %arg6[%get3A_352, %get3A_353] {strides = array<i32>} : memref<200x128xf32, #tpu.memory_space<vmem>>, vector<1x16xf32>,
        %get3A_355 = vector.shape_cast %get3A_354 : vector<1x16xf32> to vector<16xf32>
        %mul3A_356 = arith.constant 11.3137083 : f32
        %mul3A_357 = vector.broadcast %mul3A_356 : f32 to vector<16xf32>
        %mul3A_358 = arith.mulf %get3A_355, %mul3A_357 : vector<16xf32>
        %swap3A_359 = arith.index_cast %add3A_339 : i32 to index
        %swap3A_360 = arith.constant 16 : index
        %swap3A_361 = tpu.vector_load %arg8[%swap3A_359, %swap3A_360] {strides = array<i32>} : memref<200x128xf32, #tpu.memory_space<vmem>>, vector<1x16xf32>,
        %swap3A_362 = vector.shape_cast %swap3A_361 : vector<1x16xf32> to vector<16xf32>
        %swap3A_363 = vector.shape_cast %mul3A_358 : vector<16xf32> to vector<1x16xf32>
        tpu.vector_store %arg8[%swap3A_359, %swap3A_360], %swap3A_363 {strides = array<i32>} : memref<200x128xf32, #tpu.memory_space<vmem>>, vector<1x16xf32>,
        %get3A_364 = arith.index_cast %add3A_339 : i32 to index
        %get3A_365 = arith.constant 32 : index
        %get3A_366 = tpu.vector_load %arg6[%get3A_364, %get3A_365] {strides = array<i32>} : memref<200x128xf32, #tpu.memory_space<vmem>>, vector<1x16xf32>,
        %get3A_367 = vector.shape_cast %get3A_366 : vector<1x16xf32> to vector<16xf32>
        %mul3A_368 = arith.constant 11.3137083 : f32
        %mul3A_369 = vector.broadcast %mul3A_368 : f32 to vector<16xf32>
        %mul3A_370 = arith.mulf %get3A_367, %mul3A_369 : vector<16xf32>
        %swap3A_371 = arith.index_cast %add3A_339 : i32 to index
        %swap3A_372 = arith.constant 32 : index
        %swap3A_373 = tpu.vector_load %arg8[%swap3A_371, %swap3A_372] {strides = array<i32>} : memref<200x128xf32, #tpu.memory_space<vmem>>, vector<1x16xf32>,
        %swap3A_374 = vector.shape_cast %swap3A_373 : vector<1x16xf32> to vector<16xf32>
        %swap3A_375 = vector.shape_cast %mul3A_370 : vector<16xf32> to vector<1x16xf32>
        tpu.vector_store %arg8[%swap3A_371, %swap3A_372], %swap3A_375 {strides = array<i32>} : memref<200x128xf32, #tpu.memory_space<vmem>>, vector<1x16xf32>,
        %get3A_376 = arith.index_cast %add3A_339 : i32 to index
        %get3A_377 = arith.constant 48 : index
        %get3A_378 = tpu.vector_load %arg6[%get3A_376, %get3A_377] {strides = array<i32>} : memref<200x128xf32, #tpu.memory_space<vmem>>, vector<1x16xf32>,
        %get3A_379 = vector.shape_cast %get3A_378 : vector<1x16xf32> to vector<16xf32>
        %mul3A_380 = arith.constant 11.3137083 : f32
        %mul3A_381 = vector.broadcast %mul3A_380 : f32 to vector<16xf32>
        %mul3A_382 = arith.mulf %get3A_379, %mul3A_381 : vector<16xf32>
        %swap3A_383 = arith.index_cast %add3A_339 : i32 to index
        %swap3A_384 = arith.constant 48 : index
        %swap3A_385 = tpu.vector_load %arg8[%swap3A_383, %swap3A_384] {strides = array<i32>} : memref<200x128xf32, #tpu.memory_space<vmem>>, vector<1x16xf32>,
        %swap3A_386 = vector.shape_cast %swap3A_385 : vector<1x16xf32> to vector<16xf32>
        %swap3A_387 = vector.shape_cast %mul3A_382 : vector<16xf32> to vector<1x16xf32>
        tpu.vector_store %arg8[%swap3A_383, %swap3A_384], %swap3A_387 {strides = array<i32>} : memref<200x128xf32, #tpu.memory_space<vmem>>, vector<1x16xf32>,
        %get3A_388 = arith.index_cast %add3A_339 : i32 to index
        %get3A_389 = arith.constant 64 : index
        %get3A_390 = tpu.vector_load %arg6[%get3A_388, %get3A_389] {strides = array<i32>} : memref<200x128xf32, #tpu.memory_space<vmem>>, vector<1x16xf32>,
        %get3A_391 = vector.shape_cast %get3A_390 : vector<1x16xf32> to vector<16xf32>
        %mul3A_392 = arith.constant 11.3137083 : f32
        %mul3A_393 = vector.broadcast %mul3A_392 : f32 to vector<16xf32>
        %mul3A_394 = arith.mulf %get3A_391, %mul3A_393 : vector<16xf32>
        %swap3A_395 = arith.index_cast %add3A_339 : i32 to index
        %swap3A_396 = arith.constant 64 : index
        %swap3A_397 = tpu.vector_load %arg8[%swap3A_395, %swap3A_396] {strides = array<i32>} : memref<200x128xf32, #tpu.memory_space<vmem>>, vector<1x16xf32>,
        %swap3A_398 = vector.shape_cast %swap3A_397 : vector<1x16xf32> to vector<16xf32>
        %swap3A_399 = vector.shape_cast %mul3A_394 : vector<16xf32> to vector<1x16xf32>
        tpu.vector_store %arg8[%swap3A_395, %swap3A_396], %swap3A_399 {strides = array<i32>} : memref<200x128xf32, #tpu.memory_space<vmem>>, vector<1x16xf32>,
        %get3A_400 = arith.index_cast %add3A_339 : i32 to index
        %get3A_401 = arith.constant 80 : index
        %get3A_402 = tpu.vector_load %arg6[%get3A_400, %get3A_401] {strides = array<i32>} : memref<200x128xf32, #tpu.memory_space<vmem>>, vector<1x16xf32>,
        %get3A_403 = vector.shape_cast %get3A_402 : vector<1x16xf32> to vector<16xf32>
        %mul3A_404 = arith.constant 11.3137083 : f32
        %mul3A_405 = vector.broadcast %mul3A_404 : f32 to vector<16xf32>
        %mul3A_406 = arith.mulf %get3A_403, %mul3A_405 : vector<16xf32>
        %swap3A_407 = arith.index_cast %add3A_339 : i32 to index
        %swap3A_408 = arith.constant 80 : index
        %swap3A_409 = tpu.vector_load %arg8[%swap3A_407, %swap3A_408] {strides = array<i32>} : memref<200x128xf32, #tpu.memory_space<vmem>>, vector<1x16xf32>,
        %swap3A_410 = vector.shape_cast %swap3A_409 : vector<1x16xf32> to vector<16xf32>
        %swap3A_411 = vector.shape_cast %mul3A_406 : vector<16xf32> to vector<1x16xf32>
        tpu.vector_store %arg8[%swap3A_407, %swap3A_408], %swap3A_411 {strides = array<i32>} : memref<200x128xf32, #tpu.memory_space<vmem>>, vector<1x16xf32>,
        %get3A_412 = arith.index_cast %add3A_339 : i32 to index
        %get3A_413 = arith.constant 96 : index
        %get3A_414 = tpu.vector_load %arg6[%get3A_412, %get3A_413] {strides = array<i32>} : memref<200x128xf32, #tpu.memory_space<vmem>>, vector<1x16xf32>,
        %get3A_415 = vector.shape_cast %get3A_414 : vector<1x16xf32> to vector<16xf32>
        %mul3A_416 = arith.constant 11.3137083 : f32
        %mul3A_417 = vector.broadcast %mul3A_416 : f32 to vector<16xf32>
        %mul3A_418 = arith.mulf %get3A_415, %mul3A_417 : vector<16xf32>
        %swap3A_419 = arith.index_cast %add3A_339 : i32 to index
        %swap3A_420 = arith.constant 96 : index
        %swap3A_421 = tpu.vector_load %arg8[%swap3A_419, %swap3A_420] {strides = array<i32>} : memref<200x128xf32, #tpu.memory_space<vmem>>, vector<1x16xf32>,
        %swap3A_422 = vector.shape_cast %swap3A_421 : vector<1x16xf32> to vector<16xf32>
        %swap3A_423 = vector.shape_cast %mul3A_418 : vector<16xf32> to vector<1x16xf32>
        tpu.vector_store %arg8[%swap3A_419, %swap3A_420], %swap3A_423 {strides = array<i32>} : memref<200x128xf32, #tpu.memory_space<vmem>>, vector<1x16xf32>,
        %get3A_424 = arith.index_cast %add3A_339 : i32 to index
        %get3A_425 = arith.constant 112 : index
        %get3A_426 = tpu.vector_load %arg6[%get3A_424, %get3A_425] {strides = array<i32>} : memref<200x128xf32, #tpu.memory_space<vmem>>, vector<1x16xf32>,
        %get3A_427 = vector.shape_cast %get3A_426 : vector<1x16xf32> to vector<16xf32>
        %mul3A_428 = arith.constant 11.3137083 : f32
        %mul3A_429 = vector.broadcast %mul3A_428 : f32 to vector<16xf32>
        %mul3A_430 = arith.mulf %get3A_427, %mul3A_429 : vector<16xf32>
        %swap3A_431 = arith.index_cast %add3A_339 : i32 to index
        %swap3A_432 = arith.constant 112 : index
        %swap3A_433 = tpu.vector_load %arg8[%swap3A_431, %swap3A_432] {strides = array<i32>} : memref<200x128xf32, #tpu.memory_space<vmem>>, vector<1x16xf32>,
        %swap3A_434 = vector.shape_cast %swap3A_433 : vector<1x16xf32> to vector<16xf32>
        %swap3A_435 = vector.shape_cast %mul3A_430 : vector<16xf32> to vector<1x16xf32>
        tpu.vector_store %arg8[%swap3A_431, %swap3A_432], %swap3A_435 {strides = array<i32>} : memref<200x128xf32, #tpu.memory_space<vmem>>, vector<1x16xf32>,
        %add3A_436 = arith.constant 2 : i32
        %add3A_437 = arith.addi %mul3A_241, %add3A_436 : i32
        %get3A_438 = arith.index_cast %add3A_437 : i32 to index
        %get3A_439 = arith.constant 0 : index
        %get3A_440 = tpu.vector_load %arg6[%get3A_438, %get3A_439] {strides = array<i32>} : memref<200x128xf32, #tpu.memory_space<vmem>>, vector<1x16xf32>,
        %get3A_441 = vector.shape_cast %get3A_440 : vector<1x16xf32> to vector<16xf32>
        %mul3A_442 = arith.constant 11.3137083 : f32
        %mul3A_443 = vector.broadcast %mul3A_442 : f32 to vector<16xf32>
        %mul3A_444 = arith.mulf %get3A_441, %mul3A_443 : vector<16xf32>
        %swap3A_445 = arith.index_cast %add3A_437 : i32 to index
        %swap3A_446 = arith.constant 0 : index
        %swap3A_447 = tpu.vector_load %arg8[%swap3A_445, %swap3A_446] {strides = array<i32>} : memref<200x128xf32, #tpu.memory_space<vmem>>, vector<1x16xf32>,
        %swap3A_448 = vector.shape_cast %swap3A_447 : vector<1x16xf32> to vector<16xf32>
        %swap3A_449 = vector.shape_cast %mul3A_444 : vector<16xf32> to vector<1x16xf32>
        tpu.vector_store %arg8[%swap3A_445, %swap3A_446], %swap3A_449 {strides = array<i32>} : memref<200x128xf32, #tpu.memory_space<vmem>>, vector<1x16xf32>,
        %get3A_450 = arith.index_cast %add3A_437 : i32 to index
        %get3A_451 = arith.constant 16 : index
        %get3A_452 = tpu.vector_load %arg6[%get3A_450, %get3A_451] {strides = array<i32>} : memref<200x128xf32, #tpu.memory_space<vmem>>, vector<1x16xf32>,
        %get3A_453 = vector.shape_cast %get3A_452 : vector<1x16xf32> to vector<16xf32>
        %mul3A_454 = arith.constant 11.3137083 : f32
        %mul3A_455 = vector.broadcast %mul3A_454 : f32 to vector<16xf32>
        %mul3A_456 = arith.mulf %get3A_453, %mul3A_455 : vector<16xf32>
        %swap3A_457 = arith.index_cast %add3A_437 : i32 to index
        %swap3A_458 = arith.constant 16 : index
        %swap3A_459 = tpu.vector_load %arg8[%swap3A_457, %swap3A_458] {strides = array<i32>} : memref<200x128xf32, #tpu.memory_space<vmem>>, vector<1x16xf32>,
        %swap3A_460 = vector.shape_cast %swap3A_459 : vector<1x16xf32> to vector<16xf32>
        %swap3A_461 = vector.shape_cast %mul3A_456 : vector<16xf32> to vector<1x16xf32>
        tpu.vector_store %arg8[%swap3A_457, %swap3A_458], %swap3A_461 {strides = array<i32>} : memref<200x128xf32, #tpu.memory_space<vmem>>, vector<1x16xf32>,
        %get3A_462 = arith.index_cast %add3A_437 : i32 to index
        %get3A_463 = arith.constant 32 : index
        %get3A_464 = tpu.vector_load %arg6[%get3A_462, %get3A_463] {strides = array<i32>} : memref<200x128xf32, #tpu.memory_space<vmem>>, vector<1x16xf32>,
        %get3A_465 = vector.shape_cast %get3A_464 : vector<1x16xf32> to vector<16xf32>
        %mul3A_466 = arith.constant 11.3137083 : f32
        %mul3A_467 = vector.broadcast %mul3A_466 : f32 to vector<16xf32>
        %mul3A_468 = arith.mulf %get3A_465, %mul3A_467 : vector<16xf32>
        %swap3A_469 = arith.index_cast %add3A_437 : i32 to index
        %swap3A_470 = arith.constant 32 : index
        %swap3A_471 = tpu.vector_load %arg8[%swap3A_469, %swap3A_470] {strides = array<i32>} : memref<200x128xf32, #tpu.memory_space<vmem>>, vector<1x16xf32>,
        %swap3A_472 = vector.shape_cast %swap3A_471 : vector<1x16xf32> to vector<16xf32>
        %swap3A_473 = vector.shape_cast %mul3A_468 : vector<16xf32> to vector<1x16xf32>
        tpu.vector_store %arg8[%swap3A_469, %swap3A_470], %swap3A_473 {strides = array<i32>} : memref<200x128xf32, #tpu.memory_space<vmem>>, vector<1x16xf32>,
        %get3A_474 = arith.index_cast %add3A_437 : i32 to index
        %get3A_475 = arith.constant 48 : index
        %get3A_476 = tpu.vector_load %arg6[%get3A_474, %get3A_475] {strides = array<i32>} : memref<200x128xf32, #tpu.memory_space<vmem>>, vector<1x16xf32>,
        %get3A_477 = vector.shape_cast %get3A_476 : vector<1x16xf32> to vector<16xf32>
        %mul3A_478 = arith.constant 11.3137083 : f32
        %mul3A_479 = vector.broadcast %mul3A_478 : f32 to vector<16xf32>
        %mul3A_480 = arith.mulf %get3A_477, %mul3A_479 : vector<16xf32>
        %swap3A_481 = arith.index_cast %add3A_437 : i32 to index
        %swap3A_482 = arith.constant 48 : index
        %swap3A_483 = tpu.vector_load %arg8[%swap3A_481, %swap3A_482] {strides = array<i32>} : memref<200x128xf32, #tpu.memory_space<vmem>>, vector<1x16xf32>,
        %swap3A_484 = vector.shape_cast %swap3A_483 : vector<1x16xf32> to vector<16xf32>
        %swap3A_485 = vector.shape_cast %mul3A_480 : vector<16xf32> to vector<1x16xf32>
        tpu.vector_store %arg8[%swap3A_481, %swap3A_482], %swap3A_485 {strides = array<i32>} : memref<200x128xf32, #tpu.memory_space<vmem>>, vector<1x16xf32>,
        %get3A_486 = arith.index_cast %add3A_437 : i32 to index
        %get3A_487 = arith.constant 64 : index
        %get3A_488 = tpu.vector_load %arg6[%get3A_486, %get3A_487] {strides = array<i32>} : memref<200x128xf32, #tpu.memory_space<vmem>>, vector<1x16xf32>,
        %get3A_489 = vector.shape_cast %get3A_488 : vector<1x16xf32> to vector<16xf32>
        %mul3A_490 = arith.constant 11.3137083 : f32
        %mul3A_491 = vector.broadcast %mul3A_490 : f32 to vector<16xf32>
        %mul3A_492 = arith.mulf %get3A_489, %mul3A_491 : vector<16xf32>
        %swap3A_493 = arith.index_cast %add3A_437 : i32 to index
        %swap3A_494 = arith.constant 64 : index
        %swap3A_495 = tpu.vector_load %arg8[%swap3A_493, %swap3A_494] {strides = array<i32>} : memref<200x128xf32, #tpu.memory_space<vmem>>, vector<1x16xf32>,
        %swap3A_496 = vector.shape_cast %swap3A_495 : vector<1x16xf32> to vector<16xf32>
        %swap3A_497 = vector.shape_cast %mul3A_492 : vector<16xf32> to vector<1x16xf32>
        tpu.vector_store %arg8[%swap3A_493, %swap3A_494], %swap3A_497 {strides = array<i32>} : memref<200x128xf32, #tpu.memory_space<vmem>>, vector<1x16xf32>,
        %get3A_498 = arith.index_cast %add3A_437 : i32 to index
        %get3A_499 = arith.constant 80 : index
        %get3A_500 = tpu.vector_load %arg6[%get3A_498, %get3A_499] {strides = array<i32>} : memref<200x128xf32, #tpu.memory_space<vmem>>, vector<1x16xf32>,
        %get3A_501 = vector.shape_cast %get3A_500 : vector<1x16xf32> to vector<16xf32>
        %mul3A_502 = arith.constant 11.3137083 : f32
        %mul3A_503 = vector.broadcast %mul3A_502 : f32 to vector<16xf32>
        %mul3A_504 = arith.mulf %get3A_501, %mul3A_503 : vector<16xf32>
        %swap3A_505 = arith.index_cast %add3A_437 : i32 to index
        %swap3A_506 = arith.constant 80 : index
        %swap3A_507 = tpu.vector_load %arg8[%swap3A_505, %swap3A_506] {strides = array<i32>} : memref<200x128xf32, #tpu.memory_space<vmem>>, vector<1x16xf32>,
        %swap3A_508 = vector.shape_cast %swap3A_507 : vector<1x16xf32> to vector<16xf32>
        %swap3A_509 = vector.shape_cast %mul3A_504 : vector<16xf32> to vector<1x16xf32>
        tpu.vector_store %arg8[%swap3A_505, %swap3A_506], %swap3A_509 {strides = array<i32>} : memref<200x128xf32, #tpu.memory_space<vmem>>, vector<1x16xf32>,
        %get3A_510 = arith.index_cast %add3A_437 : i32 to index
        %get3A_511 = arith.constant 96 : index
        %get3A_512 = tpu.vector_load %arg6[%get3A_510, %get3A_511] {strides = array<i32>} : memref<200x128xf32, #tpu.memory_space<vmem>>, vector<1x16xf32>,
        %get3A_513 = vector.shape_cast %get3A_512 : vector<1x16xf32> to vector<16xf32>
        %mul3A_514 = arith.constant 11.3137083 : f32
        %mul3A_515 = vector.broadcast %mul3A_514 : f32 to vector<16xf32>
        %mul3A_516 = arith.mulf %get3A_513, %mul3A_515 : vector<16xf32>
        %swap3A_517 = arith.index_cast %add3A_437 : i32 to index
        %swap3A_518 = arith.constant 96 : index
        %swap3A_519 = tpu.vector_load %arg8[%swap3A_517, %swap3A_518] {strides = array<i32>} : memref<200x128xf32, #tpu.memory_space<vmem>>, vector<1x16xf32>,
        %swap3A_520 = vector.shape_cast %swap3A_519 : vector<1x16xf32> to vector<16xf32>
        %swap3A_521 = vector.shape_cast %mul3A_516 : vector<16xf32> to vector<1x16xf32>
        tpu.vector_store %arg8[%swap3A_517, %swap3A_518], %swap3A_521 {strides = array<i32>} : memref<200x128xf32, #tpu.memory_space<vmem>>, vector<1x16xf32>,
        %get3A_522 = arith.index_cast %add3A_437 : i32 to index
        %get3A_523 = arith.constant 112 : index
        %get3A_524 = tpu.vector_load %arg6[%get3A_522, %get3A_523] {strides = array<i32>} : memref<200x128xf32, #tpu.memory_space<vmem>>, vector<1x16xf32>,
        %get3A_525 = vector.shape_cast %get3A_524 : vector<1x16xf32> to vector<16xf32>
        %mul3A_526 = arith.constant 11.3137083 : f32
        %mul3A_527 = vector.broadcast %mul3A_526 : f32 to vector<16xf32>
        %mul3A_528 = arith.mulf %get3A_525, %mul3A_527 : vector<16xf32>
        %swap3A_529 = arith.index_cast %add3A_437 : i32 to index
        %swap3A_530 = arith.constant 112 : index
        %swap3A_531 = tpu.vector_load %arg8[%swap3A_529, %swap3A_530] {strides = array<i32>} : memref<200x128xf32, #tpu.memory_space<vmem>>, vector<1x16xf32>,
        %swap3A_532 = vector.shape_cast %swap3A_531 : vector<1x16xf32> to vector<16xf32>
        %swap3A_533 = vector.shape_cast %mul3A_528 : vector<16xf32> to vector<1x16xf32>
        tpu.vector_store %arg8[%swap3A_529, %swap3A_530], %swap3A_533 {strides = array<i32>} : memref<200x128xf32, #tpu.memory_space<vmem>>, vector<1x16xf32>,
        %add3A_534 = arith.constant 3 : i32
        %add3A_535 = arith.addi %mul3A_241, %add3A_534 : i32
        %get3A_536 = arith.index_cast %add3A_535 : i32 to index
        %get3A_537 = arith.constant 0 : index
        %get3A_538 = tpu.vector_load %arg6[%get3A_536, %get3A_537] {strides = array<i32>} : memref<200x128xf32, #tpu.memory_space<vmem>>, vector<1x16xf32>,
        %get3A_539 = vector.shape_cast %get3A_538 : vector<1x16xf32> to vector<16xf32>
        %mul3A_540 = arith.constant 11.3137083 : f32
        %mul3A_541 = vector.broadcast %mul3A_540 : f32 to vector<16xf32>
        %mul3A_542 = arith.mulf %get3A_539, %mul3A_541 : vector<16xf32>
        %swap3A_543 = arith.index_cast %add3A_535 : i32 to index
        %swap3A_544 = arith.constant 0 : index
        %swap3A_545 = tpu.vector_load %arg8[%swap3A_543, %swap3A_544] {strides = array<i32>} : memref<200x128xf32, #tpu.memory_space<vmem>>, vector<1x16xf32>,
        %swap3A_546 = vector.shape_cast %swap3A_545 : vector<1x16xf32> to vector<16xf32>
        %swap3A_547 = vector.shape_cast %mul3A_542 : vector<16xf32> to vector<1x16xf32>
        tpu.vector_store %arg8[%swap3A_543, %swap3A_544], %swap3A_547 {strides = array<i32>} : memref<200x128xf32, #tpu.memory_space<vmem>>, vector<1x16xf32>,
        %get3A_548 = arith.index_cast %add3A_535 : i32 to index
        %get3A_549 = arith.constant 16 : index
        %get3A_550 = tpu.vector_load %arg6[%get3A_548, %get3A_549] {strides = array<i32>} : memref<200x128xf32, #tpu.memory_space<vmem>>, vector<1x16xf32>,
        %get3A_551 = vector.shape_cast %get3A_550 : vector<1x16xf32> to vector<16xf32>
        %mul3A_552 = arith.constant 11.3137083 : f32
        %mul3A_553 = vector.broadcast %mul3A_552 : f32 to vector<16xf32>
        %mul3A_554 = arith.mulf %get3A_551, %mul3A_553 : vector<16xf32>
        %swap3A_555 = arith.index_cast %add3A_535 : i32 to index
        %swap3A_556 = arith.constant 16 : index
        %swap3A_557 = tpu.vector_load %arg8[%swap3A_555, %swap3A_556] {strides = array<i32>} : memref<200x128xf32, #tpu.memory_space<vmem>>, vector<1x16xf32>,
        %swap3A_558 = vector.shape_cast %swap3A_557 : vector<1x16xf32> to vector<16xf32>
        %swap3A_559 = vector.shape_cast %mul3A_554 : vector<16xf32> to vector<1x16xf32>
        tpu.vector_store %arg8[%swap3A_555, %swap3A_556], %swap3A_559 {strides = array<i32>} : memref<200x128xf32, #tpu.memory_space<vmem>>, vector<1x16xf32>,
        %get3A_560 = arith.index_cast %add3A_535 : i32 to index
        %get3A_561 = arith.constant 32 : index
        %get3A_562 = tpu.vector_load %arg6[%get3A_560, %get3A_561] {strides = array<i32>} : memref<200x128xf32, #tpu.memory_space<vmem>>, vector<1x16xf32>,
        %get3A_563 = vector.shape_cast %get3A_562 : vector<1x16xf32> to vector<16xf32>
        %mul3A_564 = arith.constant 11.3137083 : f32
        %mul3A_565 = vector.broadcast %mul3A_564 : f32 to vector<16xf32>
        %mul3A_566 = arith.mulf %get3A_563, %mul3A_565 : vector<16xf32>
        %swap3A_567 = arith.index_cast %add3A_535 : i32 to index
        %swap3A_568 = arith.constant 32 : index
        %swap3A_569 = tpu.vector_load %arg8[%swap3A_567, %swap3A_568] {strides = array<i32>} : memref<200x128xf32, #tpu.memory_space<vmem>>, vector<1x16xf32>,
        %swap3A_570 = vector.shape_cast %swap3A_569 : vector<1x16xf32> to vector<16xf32>
        %swap3A_571 = vector.shape_cast %mul3A_566 : vector<16xf32> to vector<1x16xf32>
        tpu.vector_store %arg8[%swap3A_567, %swap3A_568], %swap3A_571 {strides = array<i32>} : memref<200x128xf32, #tpu.memory_space<vmem>>, vector<1x16xf32>,
        %get3A_572 = arith.index_cast %add3A_535 : i32 to index
        %get3A_573 = arith.constant 48 : index
        %get3A_574 = tpu.vector_load %arg6[%get3A_572, %get3A_573] {strides = array<i32>} : memref<200x128xf32, #tpu.memory_space<vmem>>, vector<1x16xf32>,
        %get3A_575 = vector.shape_cast %get3A_574 : vector<1x16xf32> to vector<16xf32>
        %mul3A_576 = arith.constant 11.3137083 : f32
        %mul3A_577 = vector.broadcast %mul3A_576 : f32 to vector<16xf32>
        %mul3A_578 = arith.mulf %get3A_575, %mul3A_577 : vector<16xf32>
        %swap3A_579 = arith.index_cast %add3A_535 : i32 to index
        %swap3A_580 = arith.constant 48 : index
        %swap3A_581 = tpu.vector_load %arg8[%swap3A_579, %swap3A_580] {strides = array<i32>} : memref<200x128xf32, #tpu.memory_space<vmem>>, vector<1x16xf32>,
        %swap3A_582 = vector.shape_cast %swap3A_581 : vector<1x16xf32> to vector<16xf32>
        %swap3A_583 = vector.shape_cast %mul3A_578 : vector<16xf32> to vector<1x16xf32>
        tpu.vector_store %arg8[%swap3A_579, %swap3A_580], %swap3A_583 {strides = array<i32>} : memref<200x128xf32, #tpu.memory_space<vmem>>, vector<1x16xf32>,
        %get3A_584 = arith.index_cast %add3A_535 : i32 to index
        %get3A_585 = arith.constant 64 : index
        %get3A_586 = tpu.vector_load %arg6[%get3A_584, %get3A_585] {strides = array<i32>} : memref<200x128xf32, #tpu.memory_space<vmem>>, vector<1x16xf32>,
        %get3A_587 = vector.shape_cast %get3A_586 : vector<1x16xf32> to vector<16xf32>
        %mul3A_588 = arith.constant 11.3137083 : f32
        %mul3A_589 = vector.broadcast %mul3A_588 : f32 to vector<16xf32>
        %mul3A_590 = arith.mulf %get3A_587, %mul3A_589 : vector<16xf32>
        %swap3A_591 = arith.index_cast %add3A_535 : i32 to index
        %swap3A_592 = arith.constant 64 : index
        %swap3A_593 = tpu.vector_load %arg8[%swap3A_591, %swap3A_592] {strides = array<i32>} : memref<200x128xf32, #tpu.memory_space<vmem>>, vector<1x16xf32>,
        %swap3A_594 = vector.shape_cast %swap3A_593 : vector<1x16xf32> to vector<16xf32>
        %swap3A_595 = vector.shape_cast %mul3A_590 : vector<16xf32> to vector<1x16xf32>
        tpu.vector_store %arg8[%swap3A_591, %swap3A_592], %swap3A_595 {strides = array<i32>} : memref<200x128xf32, #tpu.memory_space<vmem>>, vector<1x16xf32>,
        %get3A_596 = arith.index_cast %add3A_535 : i32 to index
        %get3A_597 = arith.constant 80 : index
        %get3A_598 = tpu.vector_load %arg6[%get3A_596, %get3A_597] {strides = array<i32>} : memref<200x128xf32, #tpu.memory_space<vmem>>, vector<1x16xf32>,
        %get3A_599 = vector.shape_cast %get3A_598 : vector<1x16xf32> to vector<16xf32>
        %mul3A_600 = arith.constant 11.3137083 : f32
        %mul3A_601 = vector.broadcast %mul3A_600 : f32 to vector<16xf32>
        %mul3A_602 = arith.mulf %get3A_599, %mul3A_601 : vector<16xf32>
        %swap3A_603 = arith.index_cast %add3A_535 : i32 to index
        %swap3A_604 = arith.constant 80 : index
        %swap3A_605 = tpu.vector_load %arg8[%swap3A_603, %swap3A_604] {strides = array<i32>} : memref<200x128xf32, #tpu.memory_space<vmem>>, vector<1x16xf32>,
        %swap3A_606 = vector.shape_cast %swap3A_605 : vector<1x16xf32> to vector<16xf32>
        %swap3A_607 = vector.shape_cast %mul3A_602 : vector<16xf32> to vector<1x16xf32>
        tpu.vector_store %arg8[%swap3A_603, %swap3A_604], %swap3A_607 {strides = array<i32>} : memref<200x128xf32, #tpu.memory_space<vmem>>, vector<1x16xf32>,
        %get3A_608 = arith.index_cast %add3A_535 : i32 to index
        %get3A_609 = arith.constant 96 : index
        %get3A_610 = tpu.vector_load %arg6[%get3A_608, %get3A_609] {strides = array<i32>} : memref<200x128xf32, #tpu.memory_space<vmem>>, vector<1x16xf32>,
        %get3A_611 = vector.shape_cast %get3A_610 : vector<1x16xf32> to vector<16xf32>
        %mul3A_612 = arith.constant 11.3137083 : f32
        %mul3A_613 = vector.broadcast %mul3A_612 : f32 to vector<16xf32>
        %mul3A_614 = arith.mulf %get3A_611, %mul3A_613 : vector<16xf32>
        %swap3A_615 = arith.index_cast %add3A_535 : i32 to index
        %swap3A_616 = arith.constant 96 : index
        %swap3A_617 = tpu.vector_load %arg8[%swap3A_615, %swap3A_616] {strides = array<i32>} : memref<200x128xf32, #tpu.memory_space<vmem>>, vector<1x16xf32>,
        %swap3A_618 = vector.shape_cast %swap3A_617 : vector<1x16xf32> to vector<16xf32>
        %swap3A_619 = vector.shape_cast %mul3A_614 : vector<16xf32> to vector<1x16xf32>
        tpu.vector_store %arg8[%swap3A_615, %swap3A_616], %swap3A_619 {strides = array<i32>} : memref<200x128xf32, #tpu.memory_space<vmem>>, vector<1x16xf32>,
        %get3A_620 = arith.index_cast %add3A_535 : i32 to index
        %get3A_621 = arith.constant 112 : index
        %get3A_622 = tpu.vector_load %arg6[%get3A_620, %get3A_621] {strides = array<i32>} : memref<200x128xf32, #tpu.memory_space<vmem>>, vector<1x16xf32>,
        %get3A_623 = vector.shape_cast %get3A_622 : vector<1x16xf32> to vector<16xf32>
        %mul3A_624 = arith.constant 11.3137083 : f32
        %mul3A_625 = vector.broadcast %mul3A_624 : f32 to vector<16xf32>
        %mul3A_626 = arith.mulf %get3A_623, %mul3A_625 : vector<16xf32>
        %swap3A_627 = arith.index_cast %add3A_535 : i32 to index
        %swap3A_628 = arith.constant 112 : index
        %swap3A_629 = tpu.vector_load %arg8[%swap3A_627, %swap3A_628] {strides = array<i32>} : memref<200x128xf32, #tpu.memory_space<vmem>>, vector<1x16xf32>,
        %swap3A_630 = vector.shape_cast %swap3A_629 : vector<1x16xf32> to vector<16xf32>
        %swap3A_631 = vector.shape_cast %mul3A_626 : vector<16xf32> to vector<1x16xf32>
        tpu.vector_store %arg8[%swap3A_627, %swap3A_628], %swap3A_631 {strides = array<i32>} : memref<200x128xf32, #tpu.memory_space<vmem>>, vector<1x16xf32>,
      }
      %scan3A_170 = arith.constant 50 : i32
      %mul3A_171 = arith.constant 200 : i32
      %mul3A_172 = arith.muli %add3A_123, %mul3A_171 : i32
      %multiple_of3A_173 = tpu.assume_multiple %mul3A_172, 8 : i32
      %add3A_174 = arith.addi %mul3A_2, %multiple_of3A_173 : i32
      %dma_start3A_175 = arith.constant 0 : i32
      %dma_start3A_176 = tpu.memref_slice %arg4[%add3A_174, %dma_start3A_175] : memref<204800x128xf32, #tpu.memory_space<hbm>> -> memref<200x128xf32, #tpu.memory_space<hbm>>
      %dma_start3A_177 = arith.constant 0 : i32
      %dma_start3A_178 = tpu.memref_slice %arg4[%add3A_174, %dma_start3A_177] : memref<204800x128xf32, #tpu.memory_space<hbm>> -> memref<200x128xf32, #tpu.memory_space<hbm>>
      tpu.enqueue_dma source(%arg8 : memref<200x128xf32, #tpu.memory_space<vmem>>) target(%dma_start3A_178 : memref<200x128xf32, #tpu.memory_space<hbm>>) target_semaphore(%arg12 : memref<!tpu.dma_semaphore, #tpu.memory_space<semaphore_mem>>)
      %add3A_179 = arith.constant 1 : i32
      %add3A_180 = arith.addi %mul3A_121, %add3A_179 : i32
      %dma_wait3A_181 = arith.constant 0 : i32
      %dma_wait3A_182 = arith.constant 0 : i32
      %dma_wait3A_183 = tpu.memref_slice %arg7[%dma_wait3A_181, %dma_wait3A_182] : memref<200x128xf32, #tpu.memory_space<vmem>> -> memref<128x128xf32, #tpu.memory_space<vmem>>
      %dma_wait3A_184 = arith.constant 0 : i32
      %dma_wait3A_185 = tpu.memref_slice %arg5[%dma_wait3A_184] : memref<6400xi32, #tpu.memory_space<vmem>> -> memref<128xi32, #tpu.memory_space<vmem>>
      %dma_wait3A_186 = arith.constant 0 : i32
      %dma_wait3A_187 = arith.constant 0 : i32
      %dma_wait3A_188 = tpu.memref_slice %arg3[%dma_wait3A_186, %dma_wait3A_187] : memref<100000x128xf32, #tpu.memory_space<hbm>> -> memref<100000x128xf32, #tpu.memory_space<hbm>>
      tpu.wait_indirect_dma semaphore(%arg11 : memref<!tpu.dma_semaphore, #tpu.memory_space<semaphore_mem>>) src(%dma_wait3A_188 : memref<100000x128xf32, #tpu.memory_space<hbm>>) dst(%dma_wait3A_183 : memref<128x128xf32, #tpu.memory_space<vmem>>)
      %dma_wait3A_189 = arith.constant 128 : i32
      %dma_wait3A_190 = arith.constant 0 : i32
      %dma_wait3A_191 = tpu.memref_slice %arg7[%dma_wait3A_189, %dma_wait3A_190] : memref<200x128xf32, #tpu.memory_space<vmem>> -> memref<72x128xf32, #tpu.memory_space<vmem>>
      %dma_wait3A_192 = arith.constant 128 : i32
      %dma_wait3A_193 = tpu.memref_slice %arg5[%dma_wait3A_192] : memref<6400xi32, #tpu.memory_space<vmem>> -> memref<72xi32, #tpu.memory_space<vmem>>
      %dma_wait3A_194 = arith.constant 0 : i32
      %dma_wait3A_195 = arith.constant 0 : i32
      %dma_wait3A_196 = tpu.memref_slice %arg3[%dma_wait3A_194, %dma_wait3A_195] : memref<100000x128xf32, #tpu.memory_space<hbm>> -> memref<100000x128xf32, #tpu.memory_space<hbm>>
      tpu.wait_indirect_dma semaphore(%arg11 : memref<!tpu.dma_semaphore, #tpu.memory_space<semaphore_mem>>) src(%dma_wait3A_196 : memref<100000x128xf32, #tpu.memory_space<hbm>>) dst(%dma_wait3A_191 : memref<72x128xf32, #tpu.memory_space<vmem>>)
      %add3A_197 = arith.constant 1 : i32
      %add3A_198 = arith.addi %add3A_180, %add3A_197 : i32
      %mul3A_199 = arith.constant 200 : i32
      %mul3A_200 = arith.muli %add3A_198, %mul3A_199 : i32
      %multiple_of3A_201 = tpu.assume_multiple %mul3A_200, 8 : i32
      %add3A_202 = arith.constant 0 : i32
      %add3A_203 = arith.addi %multiple_of3A_201, %add3A_202 : i32
      %dma_start3A_204 = arith.constant 0 : i32
      %dma_start3A_205 = arith.constant 0 : i32
      %dma_start3A_206 = tpu.memref_slice %arg6[%dma_start3A_204, %dma_start3A_205] : memref<200x128xf32, #tpu.memory_space<vmem>> -> memref<128x128xf32, #tpu.memory_space<vmem>>
      %dma_start3A_207 = tpu.memref_slice %arg5[%add3A_203] : memref<6400xi32, #tpu.memory_space<vmem>> -> memref<128xi32, #tpu.memory_space<vmem>>
      %dma_start3A_208 = arith.constant 0 : i32
      %dma_start3A_209 = arith.constant 0 : i32
      %dma_start3A_210 = tpu.memref_slice %arg3[%dma_start3A_208, %dma_start3A_209] : memref<100000x128xf32, #tpu.memory_space<hbm>> -> memref<100000x128xf32, #tpu.memory_space<hbm>>
      tpu.enqueue_indirect_dma source(%dma_start3A_210 : memref<100000x128xf32, #tpu.memory_space<hbm>>) target(%dma_start3A_206 : memref<128x128xf32, #tpu.memory_space<vmem>>) offsets(%dma_start3A_207 : memref<128xi32, #tpu.memory_space<vmem>>) semaphore(%arg10 : memref<!tpu.dma_semaphore, #tpu.memory_space<semaphore_mem>>)
      %add3A_211 = arith.constant 128 : i32
      %add3A_212 = arith.addi %multiple_of3A_201, %add3A_211 : i32
      %dma_start3A_213 = arith.constant 128 : i32
      %dma_start3A_214 = arith.constant 0 : i32
      %dma_start3A_215 = tpu.memref_slice %arg6[%dma_start3A_213, %dma_start3A_214] : memref<200x128xf32, #tpu.memory_space<vmem>> -> memref<72x128xf32, #tpu.memory_space<vmem>>
      %dma_start3A_216 = tpu.memref_slice %arg5[%add3A_212] : memref<6400xi32, #tpu.memory_space<vmem>> -> memref<72xi32, #tpu.memory_space<vmem>>
      %dma_start3A_217 = arith.constant 0 : i32
      %dma_start3A_218 = arith.constant 0 : i32
      %dma_start3A_219 = tpu.memref_slice %arg3[%dma_start3A_217, %dma_start3A_218] : memref<100000x128xf32, #tpu.memory_space<hbm>> -> memref<100000x128xf32, #tpu.memory_space<hbm>>
      tpu.enqueue_indirect_dma source(%dma_start3A_219 : memref<100000x128xf32, #tpu.memory_space<hbm>>) target(%dma_start3A_215 : memref<72x128xf32, #tpu.memory_space<vmem>>) offsets(%dma_start3A_216 : memref<72xi32, #tpu.memory_space<vmem>>) semaphore(%arg10 : memref<!tpu.dma_semaphore, #tpu.memory_space<semaphore_mem>>)
      %ge3A_220 = arith.constant 2 : i32
      %ge3A_221 = arith.cmpi sge, %add3A_180, %ge3A_220 : i32
      %convert_element_type3A_222 = arith.extui %ge3A_221 : i1 to i32
      %cond3A_223 = arith.constant 0 : i32
      %cond3A_224 = arith.cmpi ne, %convert_element_type3A_222, %cond3A_223 : i32
      scf.if %cond3A_224 {
        %dma_wait3A_239 = arith.constant 0 : i32
        %dma_wait3A_240 = tpu.memref_slice %arg4[%mul3A_2, %dma_wait3A_239] : memref<204800x128xf32, #tpu.memory_space<hbm>> -> memref<200x128xf32, #tpu.memory_space<hbm>>
        %dma_wait3A_241 = arith.constant 0 : i32
        %dma_wait3A_242 = tpu.memref_slice %arg4[%mul3A_2, %dma_wait3A_241] : memref<204800x128xf32, #tpu.memory_space<hbm>> -> memref<200x128xf32, #tpu.memory_space<hbm>>
        tpu.wait_dma2 semaphore(%arg13 : memref<!tpu.dma_semaphore, #tpu.memory_space<semaphore_mem>>) src(%arg9 : memref<200x128xf32, #tpu.memory_space<vmem>>) dst(%dma_wait3A_242 : memref<200x128xf32, #tpu.memory_space<hbm>>)
      } else {
      }
      %scan3A_225 = arith.constant 0 : i32
      %scan3A_226 = arith.constant 0 : i32
      %scan3A_227 = arith.constant 50 : i32
      %scan3A_228 = arith.addi %scan3A_226, %scan3A_227 : i32
      %scan3A_229 = arith.constant 1 : i32
      scf.for %scan3A_239 = %scan3A_226 to %scan3A_228 step %scan3A_229  : i32 {
        %mul3A_240 = arith.constant 4 : i32
        %mul3A_241 = arith.muli %scan3A_239, %mul3A_240 : i32
        %add3A_242 = arith.constant 0 : i32
        %add3A_243 = arith.addi %mul3A_241, %add3A_242 : i32
        %get3A = arith.index_cast %add3A_243 : i32 to index
        %get3A_244 = arith.constant 0 : index
        %get3A_245 = tpu.vector_load %arg7[%get3A, %get3A_244] {strides = array<i32>} : memref<200x128xf32, #tpu.memory_space<vmem>>, vector<1x16xf32>,
        %get3A_246 = vector.shape_cast %get3A_245 : vector<1x16xf32> to vector<16xf32>
        %mul3A_247 = arith.constant 11.3137083 : f32
        %mul3A_248 = vector.broadcast %mul3A_247 : f32 to vector<16xf32>
        %mul3A_249 = arith.mulf %get3A_246, %mul3A_248 : vector<16xf32>
        %swap3A = arith.index_cast %add3A_243 : i32 to index
        %swap3A_250 = arith.constant 0 : index
        %swap3A_251 = tpu.vector_load %arg9[%swap3A, %swap3A_250] {strides = array<i32>} : memref<200x128xf32, #tpu.memory_space<vmem>>, vector<1x16xf32>,
        %swap3A_252 = vector.shape_cast %swap3A_251 : vector<1x16xf32> to vector<16xf32>
        %swap3A_253 = vector.shape_cast %mul3A_249 : vector<16xf32> to vector<1x16xf32>
        tpu.vector_store %arg9[%swap3A, %swap3A_250], %swap3A_253 {strides = array<i32>} : memref<200x128xf32, #tpu.memory_space<vmem>>, vector<1x16xf32>,
        %get3A_254 = arith.index_cast %add3A_243 : i32 to index
        %get3A_255 = arith.constant 16 : index
        %get3A_256 = tpu.vector_load %arg7[%get3A_254, %get3A_255] {strides = array<i32>} : memref<200x128xf32, #tpu.memory_space<vmem>>, vector<1x16xf32>,
        %get3A_257 = vector.shape_cast %get3A_256 : vector<1x16xf32> to vector<16xf32>
        %mul3A_258 = arith.constant 11.3137083 : f32
        %mul3A_259 = vector.broadcast %mul3A_258 : f32 to vector<16xf32>
        %mul3A_260 = arith.mulf %get3A_257, %mul3A_259 : vector<16xf32>
        %swap3A_261 = arith.index_cast %add3A_243 : i32 to index
        %swap3A_262 = arith.constant 16 : index
        %swap3A_263 = tpu.vector_load %arg9[%swap3A_261, %swap3A_262] {strides = array<i32>} : memref<200x128xf32, #tpu.memory_space<vmem>>, vector<1x16xf32>,
        %swap3A_264 = vector.shape_cast %swap3A_263 : vector<1x16xf32> to vector<16xf32>
        %swap3A_265 = vector.shape_cast %mul3A_260 : vector<16xf32> to vector<1x16xf32>
        tpu.vector_store %arg9[%swap3A_261, %swap3A_262], %swap3A_265 {strides = array<i32>} : memref<200x128xf32, #tpu.memory_space<vmem>>, vector<1x16xf32>,
        %get3A_266 = arith.index_cast %add3A_243 : i32 to index
        %get3A_267 = arith.constant 32 : index
        %get3A_268 = tpu.vector_load %arg7[%get3A_266, %get3A_267] {strides = array<i32>} : memref<200x128xf32, #tpu.memory_space<vmem>>, vector<1x16xf32>,
        %get3A_269 = vector.shape_cast %get3A_268 : vector<1x16xf32> to vector<16xf32>
        %mul3A_270 = arith.constant 11.3137083 : f32
        %mul3A_271 = vector.broadcast %mul3A_270 : f32 to vector<16xf32>
        %mul3A_272 = arith.mulf %get3A_269, %mul3A_271 : vector<16xf32>
        %swap3A_273 = arith.index_cast %add3A_243 : i32 to index
        %swap3A_274 = arith.constant 32 : index
        %swap3A_275 = tpu.vector_load %arg9[%swap3A_273, %swap3A_274] {strides = array<i32>} : memref<200x128xf32, #tpu.memory_space<vmem>>, vector<1x16xf32>,
        %swap3A_276 = vector.shape_cast %swap3A_275 : vector<1x16xf32> to vector<16xf32>
        %swap3A_277 = vector.shape_cast %mul3A_272 : vector<16xf32> to vector<1x16xf32>
        tpu.vector_store %arg9[%swap3A_273, %swap3A_274], %swap3A_277 {strides = array<i32>} : memref<200x128xf32, #tpu.memory_space<vmem>>, vector<1x16xf32>,
        %get3A_278 = arith.index_cast %add3A_243 : i32 to index
        %get3A_279 = arith.constant 48 : index
        %get3A_280 = tpu.vector_load %arg7[%get3A_278, %get3A_279] {strides = array<i32>} : memref<200x128xf32, #tpu.memory_space<vmem>>, vector<1x16xf32>,
        %get3A_281 = vector.shape_cast %get3A_280 : vector<1x16xf32> to vector<16xf32>
        %mul3A_282 = arith.constant 11.3137083 : f32
        %mul3A_283 = vector.broadcast %mul3A_282 : f32 to vector<16xf32>
        %mul3A_284 = arith.mulf %get3A_281, %mul3A_283 : vector<16xf32>
        %swap3A_285 = arith.index_cast %add3A_243 : i32 to index
        %swap3A_286 = arith.constant 48 : index
        %swap3A_287 = tpu.vector_load %arg9[%swap3A_285, %swap3A_286] {strides = array<i32>} : memref<200x128xf32, #tpu.memory_space<vmem>>, vector<1x16xf32>,
        %swap3A_288 = vector.shape_cast %swap3A_287 : vector<1x16xf32> to vector<16xf32>
        %swap3A_289 = vector.shape_cast %mul3A_284 : vector<16xf32> to vector<1x16xf32>
        tpu.vector_store %arg9[%swap3A_285, %swap3A_286], %swap3A_289 {strides = array<i32>} : memref<200x128xf32, #tpu.memory_space<vmem>>, vector<1x16xf32>,
        %get3A_290 = arith.index_cast %add3A_243 : i32 to index
        %get3A_291 = arith.constant 64 : index
        %get3A_292 = tpu.vector_load %arg7[%get3A_290, %get3A_291] {strides = array<i32>} : memref<200x128xf32, #tpu.memory_space<vmem>>, vector<1x16xf32>,
        %get3A_293 = vector.shape_cast %get3A_292 : vector<1x16xf32> to vector<16xf32>
        %mul3A_294 = arith.constant 11.3137083 : f32
        %mul3A_295 = vector.broadcast %mul3A_294 : f32 to vector<16xf32>
        %mul3A_296 = arith.mulf %get3A_293, %mul3A_295 : vector<16xf32>
        %swap3A_297 = arith.index_cast %add3A_243 : i32 to index
        %swap3A_298 = arith.constant 64 : index
        %swap3A_299 = tpu.vector_load %arg9[%swap3A_297, %swap3A_298] {strides = array<i32>} : memref<200x128xf32, #tpu.memory_space<vmem>>, vector<1x16xf32>,
        %swap3A_300 = vector.shape_cast %swap3A_299 : vector<1x16xf32> to vector<16xf32>
        %swap3A_301 = vector.shape_cast %mul3A_296 : vector<16xf32> to vector<1x16xf32>
        tpu.vector_store %arg9[%swap3A_297, %swap3A_298], %swap3A_301 {strides = array<i32>} : memref<200x128xf32, #tpu.memory_space<vmem>>, vector<1x16xf32>,
        %get3A_302 = arith.index_cast %add3A_243 : i32 to index
        %get3A_303 = arith.constant 80 : index
        %get3A_304 = tpu.vector_load %arg7[%get3A_302, %get3A_303] {strides = array<i32>} : memref<200x128xf32, #tpu.memory_space<vmem>>, vector<1x16xf32>,
        %get3A_305 = vector.shape_cast %get3A_304 : vector<1x16xf32> to vector<16xf32>
        %mul3A_306 = arith.constant 11.3137083 : f32
        %mul3A_307 = vector.broadcast %mul3A_306 : f32 to vector<16xf32>
        %mul3A_308 = arith.mulf %get3A_305, %mul3A_307 : vector<16xf32>
        %swap3A_309 = arith.index_cast %add3A_243 : i32 to index
        %swap3A_310 = arith.constant 80 : index
        %swap3A_311 = tpu.vector_load %arg9[%swap3A_309, %swap3A_310] {strides = array<i32>} : memref<200x128xf32, #tpu.memory_space<vmem>>, vector<1x16xf32>,
        %swap3A_312 = vector.shape_cast %swap3A_311 : vector<1x16xf32> to vector<16xf32>
        %swap3A_313 = vector.shape_cast %mul3A_308 : vector<16xf32> to vector<1x16xf32>
        tpu.vector_store %arg9[%swap3A_309, %swap3A_310], %swap3A_313 {strides = array<i32>} : memref<200x128xf32, #tpu.memory_space<vmem>>, vector<1x16xf32>,
        %get3A_314 = arith.index_cast %add3A_243 : i32 to index
        %get3A_315 = arith.constant 96 : index
        %get3A_316 = tpu.vector_load %arg7[%get3A_314, %get3A_315] {strides = array<i32>} : memref<200x128xf32, #tpu.memory_space<vmem>>, vector<1x16xf32>,
        %get3A_317 = vector.shape_cast %get3A_316 : vector<1x16xf32> to vector<16xf32>
        %mul3A_318 = arith.constant 11.3137083 : f32
        %mul3A_319 = vector.broadcast %mul3A_318 : f32 to vector<16xf32>
        %mul3A_320 = arith.mulf %get3A_317, %mul3A_319 : vector<16xf32>
        %swap3A_321 = arith.index_cast %add3A_243 : i32 to index
        %swap3A_322 = arith.constant 96 : index
        %swap3A_323 = tpu.vector_load %arg9[%swap3A_321, %swap3A_322] {strides = array<i32>} : memref<200x128xf32, #tpu.memory_space<vmem>>, vector<1x16xf32>,
        %swap3A_324 = vector.shape_cast %swap3A_323 : vector<1x16xf32> to vector<16xf32>
        %swap3A_325 = vector.shape_cast %mul3A_320 : vector<16xf32> to vector<1x16xf32>
        tpu.vector_store %arg9[%swap3A_321, %swap3A_322], %swap3A_325 {strides = array<i32>} : memref<200x128xf32, #tpu.memory_space<vmem>>, vector<1x16xf32>,
        %get3A_326 = arith.index_cast %add3A_243 : i32 to index
        %get3A_327 = arith.constant 112 : index
        %get3A_328 = tpu.vector_load %arg7[%get3A_326, %get3A_327] {strides = array<i32>} : memref<200x128xf32, #tpu.memory_space<vmem>>, vector<1x16xf32>,
        %get3A_329 = vector.shape_cast %get3A_328 : vector<1x16xf32> to vector<16xf32>
        %mul3A_330 = arith.constant 11.3137083 : f32
        %mul3A_331 = vector.broadcast %mul3A_330 : f32 to vector<16xf32>
        %mul3A_332 = arith.mulf %get3A_329, %mul3A_331 : vector<16xf32>
        %swap3A_333 = arith.index_cast %add3A_243 : i32 to index
        %swap3A_334 = arith.constant 112 : index
        %swap3A_335 = tpu.vector_load %arg9[%swap3A_333, %swap3A_334] {strides = array<i32>} : memref<200x128xf32, #tpu.memory_space<vmem>>, vector<1x16xf32>,
        %swap3A_336 = vector.shape_cast %swap3A_335 : vector<1x16xf32> to vector<16xf32>
        %swap3A_337 = vector.shape_cast %mul3A_332 : vector<16xf32> to vector<1x16xf32>
        tpu.vector_store %arg9[%swap3A_333, %swap3A_334], %swap3A_337 {strides = array<i32>} : memref<200x128xf32, #tpu.memory_space<vmem>>, vector<1x16xf32>,
        %add3A_338 = arith.constant 1 : i32
        %add3A_339 = arith.addi %mul3A_241, %add3A_338 : i32
        %get3A_340 = arith.index_cast %add3A_339 : i32 to index
        %get3A_341 = arith.constant 0 : index
        %get3A_342 = tpu.vector_load %arg7[%get3A_340, %get3A_341] {strides = array<i32>} : memref<200x128xf32, #tpu.memory_space<vmem>>, vector<1x16xf32>,
        %get3A_343 = vector.shape_cast %get3A_342 : vector<1x16xf32> to vector<16xf32>
        %mul3A_344 = arith.constant 11.3137083 : f32
        %mul3A_345 = vector.broadcast %mul3A_344 : f32 to vector<16xf32>
        %mul3A_346 = arith.mulf %get3A_343, %mul3A_345 : vector<16xf32>
        %swap3A_347 = arith.index_cast %add3A_339 : i32 to index
        %swap3A_348 = arith.constant 0 : index
        %swap3A_349 = tpu.vector_load %arg9[%swap3A_347, %swap3A_348] {strides = array<i32>} : memref<200x128xf32, #tpu.memory_space<vmem>>, vector<1x16xf32>,
        %swap3A_350 = vector.shape_cast %swap3A_349 : vector<1x16xf32> to vector<16xf32>
        %swap3A_351 = vector.shape_cast %mul3A_346 : vector<16xf32> to vector<1x16xf32>
        tpu.vector_store %arg9[%swap3A_347, %swap3A_348], %swap3A_351 {strides = array<i32>} : memref<200x128xf32, #tpu.memory_space<vmem>>, vector<1x16xf32>,
        %get3A_352 = arith.index_cast %add3A_339 : i32 to index
        %get3A_353 = arith.constant 16 : index
        %get3A_354 = tpu.vector_load %arg7[%get3A_352, %get3A_353] {strides = array<i32>} : memref<200x128xf32, #tpu.memory_space<vmem>>, vector<1x16xf32>,
        %get3A_355 = vector.shape_cast %get3A_354 : vector<1x16xf32> to vector<16xf32>
        %mul3A_356 = arith.constant 11.3137083 : f32
        %mul3A_357 = vector.broadcast %mul3A_356 : f32 to vector<16xf32>
        %mul3A_358 = arith.mulf %get3A_355, %mul3A_357 : vector<16xf32>
        %swap3A_359 = arith.index_cast %add3A_339 : i32 to index
        %swap3A_360 = arith.constant 16 : index
        %swap3A_361 = tpu.vector_load %arg9[%swap3A_359, %swap3A_360] {strides = array<i32>} : memref<200x128xf32, #tpu.memory_space<vmem>>, vector<1x16xf32>,
        %swap3A_362 = vector.shape_cast %swap3A_361 : vector<1x16xf32> to vector<16xf32>
        %swap3A_363 = vector.shape_cast %mul3A_358 : vector<16xf32> to vector<1x16xf32>
        tpu.vector_store %arg9[%swap3A_359, %swap3A_360], %swap3A_363 {strides = array<i32>} : memref<200x128xf32, #tpu.memory_space<vmem>>, vector<1x16xf32>,
        %get3A_364 = arith.index_cast %add3A_339 : i32 to index
        %get3A_365 = arith.constant 32 : index
        %get3A_366 = tpu.vector_load %arg7[%get3A_364, %get3A_365] {strides = array<i32>} : memref<200x128xf32, #tpu.memory_space<vmem>>, vector<1x16xf32>,
        %get3A_367 = vector.shape_cast %get3A_366 : vector<1x16xf32> to vector<16xf32>
        %mul3A_368 = arith.constant 11.3137083 : f32
        %mul3A_369 = vector.broadcast %mul3A_368 : f32 to vector<16xf32>
        %mul3A_370 = arith.mulf %get3A_367, %mul3A_369 : vector<16xf32>
        %swap3A_371 = arith.index_cast %add3A_339 : i32 to index
        %swap3A_372 = arith.constant 32 : index
        %swap3A_373 = tpu.vector_load %arg9[%swap3A_371, %swap3A_372] {strides = array<i32>} : memref<200x128xf32, #tpu.memory_space<vmem>>, vector<1x16xf32>,
        %swap3A_374 = vector.shape_cast %swap3A_373 : vector<1x16xf32> to vector<16xf32>
        %swap3A_375 = vector.shape_cast %mul3A_370 : vector<16xf32> to vector<1x16xf32>
        tpu.vector_store %arg9[%swap3A_371, %swap3A_372], %swap3A_375 {strides = array<i32>} : memref<200x128xf32, #tpu.memory_space<vmem>>, vector<1x16xf32>,
        %get3A_376 = arith.index_cast %add3A_339 : i32 to index
        %get3A_377 = arith.constant 48 : index
        %get3A_378 = tpu.vector_load %arg7[%get3A_376, %get3A_377] {strides = array<i32>} : memref<200x128xf32, #tpu.memory_space<vmem>>, vector<1x16xf32>,
        %get3A_379 = vector.shape_cast %get3A_378 : vector<1x16xf32> to vector<16xf32>
        %mul3A_380 = arith.constant 11.3137083 : f32
        %mul3A_381 = vector.broadcast %mul3A_380 : f32 to vector<16xf32>
        %mul3A_382 = arith.mulf %get3A_379, %mul3A_381 : vector<16xf32>
        %swap3A_383 = arith.index_cast %add3A_339 : i32 to index
        %swap3A_384 = arith.constant 48 : index
        %swap3A_385 = tpu.vector_load %arg9[%swap3A_383, %swap3A_384] {strides = array<i32>} : memref<200x128xf32, #tpu.memory_space<vmem>>, vector<1x16xf32>,
        %swap3A_386 = vector.shape_cast %swap3A_385 : vector<1x16xf32> to vector<16xf32>
        %swap3A_387 = vector.shape_cast %mul3A_382 : vector<16xf32> to vector<1x16xf32>
        tpu.vector_store %arg9[%swap3A_383, %swap3A_384], %swap3A_387 {strides = array<i32>} : memref<200x128xf32, #tpu.memory_space<vmem>>, vector<1x16xf32>,
        %get3A_388 = arith.index_cast %add3A_339 : i32 to index
        %get3A_389 = arith.constant 64 : index
        %get3A_390 = tpu.vector_load %arg7[%get3A_388, %get3A_389] {strides = array<i32>} : memref<200x128xf32, #tpu.memory_space<vmem>>, vector<1x16xf32>,
        %get3A_391 = vector.shape_cast %get3A_390 : vector<1x16xf32> to vector<16xf32>
        %mul3A_392 = arith.constant 11.3137083 : f32
        %mul3A_393 = vector.broadcast %mul3A_392 : f32 to vector<16xf32>
        %mul3A_394 = arith.mulf %get3A_391, %mul3A_393 : vector<16xf32>
        %swap3A_395 = arith.index_cast %add3A_339 : i32 to index
        %swap3A_396 = arith.constant 64 : index
        %swap3A_397 = tpu.vector_load %arg9[%swap3A_395, %swap3A_396] {strides = array<i32>} : memref<200x128xf32, #tpu.memory_space<vmem>>, vector<1x16xf32>,
        %swap3A_398 = vector.shape_cast %swap3A_397 : vector<1x16xf32> to vector<16xf32>
        %swap3A_399 = vector.shape_cast %mul3A_394 : vector<16xf32> to vector<1x16xf32>
        tpu.vector_store %arg9[%swap3A_395, %swap3A_396], %swap3A_399 {strides = array<i32>} : memref<200x128xf32, #tpu.memory_space<vmem>>, vector<1x16xf32>,
        %get3A_400 = arith.index_cast %add3A_339 : i32 to index
        %get3A_401 = arith.constant 80 : index
        %get3A_402 = tpu.vector_load %arg7[%get3A_400, %get3A_401] {strides = array<i32>} : memref<200x128xf32, #tpu.memory_space<vmem>>, vector<1x16xf32>,
        %get3A_403 = vector.shape_cast %get3A_402 : vector<1x16xf32> to vector<16xf32>
        %mul3A_404 = arith.constant 11.3137083 : f32
        %mul3A_405 = vector.broadcast %mul3A_404 : f32 to vector<16xf32>
        %mul3A_406 = arith.mulf %get3A_403, %mul3A_405 : vector<16xf32>
        %swap3A_407 = arith.index_cast %add3A_339 : i32 to index
        %swap3A_408 = arith.constant 80 : index
        %swap3A_409 = tpu.vector_load %arg9[%swap3A_407, %swap3A_408] {strides = array<i32>} : memref<200x128xf32, #tpu.memory_space<vmem>>, vector<1x16xf32>,
        %swap3A_410 = vector.shape_cast %swap3A_409 : vector<1x16xf32> to vector<16xf32>
        %swap3A_411 = vector.shape_cast %mul3A_406 : vector<16xf32> to vector<1x16xf32>
        tpu.vector_store %arg9[%swap3A_407, %swap3A_408], %swap3A_411 {strides = array<i32>} : memref<200x128xf32, #tpu.memory_space<vmem>>, vector<1x16xf32>,
        %get3A_412 = arith.index_cast %add3A_339 : i32 to index
        %get3A_413 = arith.constant 96 : index
        %get3A_414 = tpu.vector_load %arg7[%get3A_412, %get3A_413] {strides = array<i32>} : memref<200x128xf32, #tpu.memory_space<vmem>>, vector<1x16xf32>,
        %get3A_415 = vector.shape_cast %get3A_414 : vector<1x16xf32> to vector<16xf32>
        %mul3A_416 = arith.constant 11.3137083 : f32
        %mul3A_417 = vector.broadcast %mul3A_416 : f32 to vector<16xf32>
        %mul3A_418 = arith.mulf %get3A_415, %mul3A_417 : vector<16xf32>
        %swap3A_419 = arith.index_cast %add3A_339 : i32 to index
        %swap3A_420 = arith.constant 96 : index
        %swap3A_421 = tpu.vector_load %arg9[%swap3A_419, %swap3A_420] {strides = array<i32>} : memref<200x128xf32, #tpu.memory_space<vmem>>, vector<1x16xf32>,
        %swap3A_422 = vector.shape_cast %swap3A_421 : vector<1x16xf32> to vector<16xf32>
        %swap3A_423 = vector.shape_cast %mul3A_418 : vector<16xf32> to vector<1x16xf32>
        tpu.vector_store %arg9[%swap3A_419, %swap3A_420], %swap3A_423 {strides = array<i32>} : memref<200x128xf32, #tpu.memory_space<vmem>>, vector<1x16xf32>,
        %get3A_424 = arith.index_cast %add3A_339 : i32 to index
        %get3A_425 = arith.constant 112 : index
        %get3A_426 = tpu.vector_load %arg7[%get3A_424, %get3A_425] {strides = array<i32>} : memref<200x128xf32, #tpu.memory_space<vmem>>, vector<1x16xf32>,
        %get3A_427 = vector.shape_cast %get3A_426 : vector<1x16xf32> to vector<16xf32>
        %mul3A_428 = arith.constant 11.3137083 : f32
        %mul3A_429 = vector.broadcast %mul3A_428 : f32 to vector<16xf32>
        %mul3A_430 = arith.mulf %get3A_427, %mul3A_429 : vector<16xf32>
        %swap3A_431 = arith.index_cast %add3A_339 : i32 to index
        %swap3A_432 = arith.constant 112 : index
        %swap3A_433 = tpu.vector_load %arg9[%swap3A_431, %swap3A_432] {strides = array<i32>} : memref<200x128xf32, #tpu.memory_space<vmem>>, vector<1x16xf32>,
        %swap3A_434 = vector.shape_cast %swap3A_433 : vector<1x16xf32> to vector<16xf32>
        %swap3A_435 = vector.shape_cast %mul3A_430 : vector<16xf32> to vector<1x16xf32>
        tpu.vector_store %arg9[%swap3A_431, %swap3A_432], %swap3A_435 {strides = array<i32>} : memref<200x128xf32, #tpu.memory_space<vmem>>, vector<1x16xf32>,
        %add3A_436 = arith.constant 2 : i32
        %add3A_437 = arith.addi %mul3A_241, %add3A_436 : i32
        %get3A_438 = arith.index_cast %add3A_437 : i32 to index
        %get3A_439 = arith.constant 0 : index
        %get3A_440 = tpu.vector_load %arg7[%get3A_438, %get3A_439] {strides = array<i32>} : memref<200x128xf32, #tpu.memory_space<vmem>>, vector<1x16xf32>,
        %get3A_441 = vector.shape_cast %get3A_440 : vector<1x16xf32> to vector<16xf32>
        %mul3A_442 = arith.constant 11.3137083 : f32
        %mul3A_443 = vector.broadcast %mul3A_442 : f32 to vector<16xf32>
        %mul3A_444 = arith.mulf %get3A_441, %mul3A_443 : vector<16xf32>
        %swap3A_445 = arith.index_cast %add3A_437 : i32 to index
        %swap3A_446 = arith.constant 0 : index
        %swap3A_447 = tpu.vector_load %arg9[%swap3A_445, %swap3A_446] {strides = array<i32>} : memref<200x128xf32, #tpu.memory_space<vmem>>, vector<1x16xf32>,
        %swap3A_448 = vector.shape_cast %swap3A_447 : vector<1x16xf32> to vector<16xf32>
        %swap3A_449 = vector.shape_cast %mul3A_444 : vector<16xf32> to vector<1x16xf32>
        tpu.vector_store %arg9[%swap3A_445, %swap3A_446], %swap3A_449 {strides = array<i32>} : memref<200x128xf32, #tpu.memory_space<vmem>>, vector<1x16xf32>,
        %get3A_450 = arith.index_cast %add3A_437 : i32 to index
        %get3A_451 = arith.constant 16 : index
        %get3A_452 = tpu.vector_load %arg7[%get3A_450, %get3A_451] {strides = array<i32>} : memref<200x128xf32, #tpu.memory_space<vmem>>, vector<1x16xf32>,
        %get3A_453 = vector.shape_cast %get3A_452 : vector<1x16xf32> to vector<16xf32>
        %mul3A_454 = arith.constant 11.3137083 : f32
        %mul3A_455 = vector.broadcast %mul3A_454 : f32 to vector<16xf32>
        %mul3A_456 = arith.mulf %get3A_453, %mul3A_455 : vector<16xf32>
        %swap3A_457 = arith.index_cast %add3A_437 : i32 to index
        %swap3A_458 = arith.constant 16 : index
        %swap3A_459 = tpu.vector_load %arg9[%swap3A_457, %swap3A_458] {strides = array<i32>} : memref<200x128xf32, #tpu.memory_space<vmem>>, vector<1x16xf32>,
        %swap3A_460 = vector.shape_cast %swap3A_459 : vector<1x16xf32> to vector<16xf32>
        %swap3A_461 = vector.shape_cast %mul3A_456 : vector<16xf32> to vector<1x16xf32>
        tpu.vector_store %arg9[%swap3A_457, %swap3A_458], %swap3A_461 {strides = array<i32>} : memref<200x128xf32, #tpu.memory_space<vmem>>, vector<1x16xf32>,
        %get3A_462 = arith.index_cast %add3A_437 : i32 to index
        %get3A_463 = arith.constant 32 : index
        %get3A_464 = tpu.vector_load %arg7[%get3A_462, %get3A_463] {strides = array<i32>} : memref<200x128xf32, #tpu.memory_space<vmem>>, vector<1x16xf32>,
        %get3A_465 = vector.shape_cast %get3A_464 : vector<1x16xf32> to vector<16xf32>
        %mul3A_466 = arith.constant 11.3137083 : f32
        %mul3A_467 = vector.broadcast %mul3A_466 : f32 to vector<16xf32>
        %mul3A_468 = arith.mulf %get3A_465, %mul3A_467 : vector<16xf32>
        %swap3A_469 = arith.index_cast %add3A_437 : i32 to index
        %swap3A_470 = arith.constant 32 : index
        %swap3A_471 = tpu.vector_load %arg9[%swap3A_469, %swap3A_470] {strides = array<i32>} : memref<200x128xf32, #tpu.memory_space<vmem>>, vector<1x16xf32>,
        %swap3A_472 = vector.shape_cast %swap3A_471 : vector<1x16xf32> to vector<16xf32>
        %swap3A_473 = vector.shape_cast %mul3A_468 : vector<16xf32> to vector<1x16xf32>
        tpu.vector_store %arg9[%swap3A_469, %swap3A_470], %swap3A_473 {strides = array<i32>} : memref<200x128xf32, #tpu.memory_space<vmem>>, vector<1x16xf32>,
        %get3A_474 = arith.index_cast %add3A_437 : i32 to index
        %get3A_475 = arith.constant 48 : index
        %get3A_476 = tpu.vector_load %arg7[%get3A_474, %get3A_475] {strides = array<i32>} : memref<200x128xf32, #tpu.memory_space<vmem>>, vector<1x16xf32>,
        %get3A_477 = vector.shape_cast %get3A_476 : vector<1x16xf32> to vector<16xf32>
        %mul3A_478 = arith.constant 11.3137083 : f32
        %mul3A_479 = vector.broadcast %mul3A_478 : f32 to vector<16xf32>
        %mul3A_480 = arith.mulf %get3A_477, %mul3A_479 : vector<16xf32>
        %swap3A_481 = arith.index_cast %add3A_437 : i32 to index
        %swap3A_482 = arith.constant 48 : index
        %swap3A_483 = tpu.vector_load %arg9[%swap3A_481, %swap3A_482] {strides = array<i32>} : memref<200x128xf32, #tpu.memory_space<vmem>>, vector<1x16xf32>,
        %swap3A_484 = vector.shape_cast %swap3A_483 : vector<1x16xf32> to vector<16xf32>
        %swap3A_485 = vector.shape_cast %mul3A_480 : vector<16xf32> to vector<1x16xf32>
        tpu.vector_store %arg9[%swap3A_481, %swap3A_482], %swap3A_485 {strides = array<i32>} : memref<200x128xf32, #tpu.memory_space<vmem>>, vector<1x16xf32>,
        %get3A_486 = arith.index_cast %add3A_437 : i32 to index
        %get3A_487 = arith.constant 64 : index
        %get3A_488 = tpu.vector_load %arg7[%get3A_486, %get3A_487] {strides = array<i32>} : memref<200x128xf32, #tpu.memory_space<vmem>>, vector<1x16xf32>,
        %get3A_489 = vector.shape_cast %get3A_488 : vector<1x16xf32> to vector<16xf32>
        %mul3A_490 = arith.constant 11.3137083 : f32
        %mul3A_491 = vector.broadcast %mul3A_490 : f32 to vector<16xf32>
        %mul3A_492 = arith.mulf %get3A_489, %mul3A_491 : vector<16xf32>
        %swap3A_493 = arith.index_cast %add3A_437 : i32 to index
        %swap3A_494 = arith.constant 64 : index
        %swap3A_495 = tpu.vector_load %arg9[%swap3A_493, %swap3A_494] {strides = array<i32>} : memref<200x128xf32, #tpu.memory_space<vmem>>, vector<1x16xf32>,
        %swap3A_496 = vector.shape_cast %swap3A_495 : vector<1x16xf32> to vector<16xf32>
        %swap3A_497 = vector.shape_cast %mul3A_492 : vector<16xf32> to vector<1x16xf32>
        tpu.vector_store %arg9[%swap3A_493, %swap3A_494], %swap3A_497 {strides = array<i32>} : memref<200x128xf32, #tpu.memory_space<vmem>>, vector<1x16xf32>,
        %get3A_498 = arith.index_cast %add3A_437 : i32 to index
        %get3A_499 = arith.constant 80 : index
        %get3A_500 = tpu.vector_load %arg7[%get3A_498, %get3A_499] {strides = array<i32>} : memref<200x128xf32, #tpu.memory_space<vmem>>, vector<1x16xf32>,
        %get3A_501 = vector.shape_cast %get3A_500 : vector<1x16xf32> to vector<16xf32>
        %mul3A_502 = arith.constant 11.3137083 : f32
        %mul3A_503 = vector.broadcast %mul3A_502 : f32 to vector<16xf32>
        %mul3A_504 = arith.mulf %get3A_501, %mul3A_503 : vector<16xf32>
        %swap3A_505 = arith.index_cast %add3A_437 : i32 to index
        %swap3A_506 = arith.constant 80 : index
        %swap3A_507 = tpu.vector_load %arg9[%swap3A_505, %swap3A_506] {strides = array<i32>} : memref<200x128xf32, #tpu.memory_space<vmem>>, vector<1x16xf32>,
        %swap3A_508 = vector.shape_cast %swap3A_507 : vector<1x16xf32> to vector<16xf32>
        %swap3A_509 = vector.shape_cast %mul3A_504 : vector<16xf32> to vector<1x16xf32>
        tpu.vector_store %arg9[%swap3A_505, %swap3A_506], %swap3A_509 {strides = array<i32>} : memref<200x128xf32, #tpu.memory_space<vmem>>, vector<1x16xf32>,
        %get3A_510 = arith.index_cast %add3A_437 : i32 to index
        %get3A_511 = arith.constant 96 : index
        %get3A_512 = tpu.vector_load %arg7[%get3A_510, %get3A_511] {strides = array<i32>} : memref<200x128xf32, #tpu.memory_space<vmem>>, vector<1x16xf32>,
        %get3A_513 = vector.shape_cast %get3A_512 : vector<1x16xf32> to vector<16xf32>
        %mul3A_514 = arith.constant 11.3137083 : f32
        %mul3A_515 = vector.broadcast %mul3A_514 : f32 to vector<16xf32>
        %mul3A_516 = arith.mulf %get3A_513, %mul3A_515 : vector<16xf32>
        %swap3A_517 = arith.index_cast %add3A_437 : i32 to index
        %swap3A_518 = arith.constant 96 : index
        %swap3A_519 = tpu.vector_load %arg9[%swap3A_517, %swap3A_518] {strides = array<i32>} : memref<200x128xf32, #tpu.memory_space<vmem>>, vector<1x16xf32>,
        %swap3A_520 = vector.shape_cast %swap3A_519 : vector<1x16xf32> to vector<16xf32>
        %swap3A_521 = vector.shape_cast %mul3A_516 : vector<16xf32> to vector<1x16xf32>
        tpu.vector_store %arg9[%swap3A_517, %swap3A_518], %swap3A_521 {strides = array<i32>} : memref<200x128xf32, #tpu.memory_space<vmem>>, vector<1x16xf32>,
        %get3A_522 = arith.index_cast %add3A_437 : i32 to index
        %get3A_523 = arith.constant 112 : index
        %get3A_524 = tpu.vector_load %arg7[%get3A_522, %get3A_523] {strides = array<i32>} : memref<200x128xf32, #tpu.memory_space<vmem>>, vector<1x16xf32>,
        %get3A_525 = vector.shape_cast %get3A_524 : vector<1x16xf32> to vector<16xf32>
        %mul3A_526 = arith.constant 11.3137083 : f32
        %mul3A_527 = vector.broadcast %mul3A_526 : f32 to vector<16xf32>
        %mul3A_528 = arith.mulf %get3A_525, %mul3A_527 : vector<16xf32>
        %swap3A_529 = arith.index_cast %add3A_437 : i32 to index
        %swap3A_530 = arith.constant 112 : index
        %swap3A_531 = tpu.vector_load %arg9[%swap3A_529, %swap3A_530] {strides = array<i32>} : memref<200x128xf32, #tpu.memory_space<vmem>>, vector<1x16xf32>,
        %swap3A_532 = vector.shape_cast %swap3A_531 : vector<1x16xf32> to vector<16xf32>
        %swap3A_533 = vector.shape_cast %mul3A_528 : vector<16xf32> to vector<1x16xf32>
        tpu.vector_store %arg9[%swap3A_529, %swap3A_530], %swap3A_533 {strides = array<i32>} : memref<200x128xf32, #tpu.memory_space<vmem>>, vector<1x16xf32>,
        %add3A_534 = arith.constant 3 : i32
        %add3A_535 = arith.addi %mul3A_241, %add3A_534 : i32
        %get3A_536 = arith.index_cast %add3A_535 : i32 to index
        %get3A_537 = arith.constant 0 : index
        %get3A_538 = tpu.vector_load %arg7[%get3A_536, %get3A_537] {strides = array<i32>} : memref<200x128xf32, #tpu.memory_space<vmem>>, vector<1x16xf32>,
        %get3A_539 = vector.shape_cast %get3A_538 : vector<1x16xf32> to vector<16xf32>
        %mul3A_540 = arith.constant 11.3137083 : f32
        %mul3A_541 = vector.broadcast %mul3A_540 : f32 to vector<16xf32>
        %mul3A_542 = arith.mulf %get3A_539, %mul3A_541 : vector<16xf32>
        %swap3A_543 = arith.index_cast %add3A_535 : i32 to index
        %swap3A_544 = arith.constant 0 : index
        %swap3A_545 = tpu.vector_load %arg9[%swap3A_543, %swap3A_544] {strides = array<i32>} : memref<200x128xf32, #tpu.memory_space<vmem>>, vector<1x16xf32>,
        %swap3A_546 = vector.shape_cast %swap3A_545 : vector<1x16xf32> to vector<16xf32>
        %swap3A_547 = vector.shape_cast %mul3A_542 : vector<16xf32> to vector<1x16xf32>
        tpu.vector_store %arg9[%swap3A_543, %swap3A_544], %swap3A_547 {strides = array<i32>} : memref<200x128xf32, #tpu.memory_space<vmem>>, vector<1x16xf32>,
        %get3A_548 = arith.index_cast %add3A_535 : i32 to index
        %get3A_549 = arith.constant 16 : index
        %get3A_550 = tpu.vector_load %arg7[%get3A_548, %get3A_549] {strides = array<i32>} : memref<200x128xf32, #tpu.memory_space<vmem>>, vector<1x16xf32>,
        %get3A_551 = vector.shape_cast %get3A_550 : vector<1x16xf32> to vector<16xf32>
        %mul3A_552 = arith.constant 11.3137083 : f32
        %mul3A_553 = vector.broadcast %mul3A_552 : f32 to vector<16xf32>
        %mul3A_554 = arith.mulf %get3A_551, %mul3A_553 : vector<16xf32>
        %swap3A_555 = arith.index_cast %add3A_535 : i32 to index
        %swap3A_556 = arith.constant 16 : index
        %swap3A_557 = tpu.vector_load %arg9[%swap3A_555, %swap3A_556] {strides = array<i32>} : memref<200x128xf32, #tpu.memory_space<vmem>>, vector<1x16xf32>,
        %swap3A_558 = vector.shape_cast %swap3A_557 : vector<1x16xf32> to vector<16xf32>
        %swap3A_559 = vector.shape_cast %mul3A_554 : vector<16xf32> to vector<1x16xf32>
        tpu.vector_store %arg9[%swap3A_555, %swap3A_556], %swap3A_559 {strides = array<i32>} : memref<200x128xf32, #tpu.memory_space<vmem>>, vector<1x16xf32>,
        %get3A_560 = arith.index_cast %add3A_535 : i32 to index
        %get3A_561 = arith.constant 32 : index
        %get3A_562 = tpu.vector_load %arg7[%get3A_560, %get3A_561] {strides = array<i32>} : memref<200x128xf32, #tpu.memory_space<vmem>>, vector<1x16xf32>,
        %get3A_563 = vector.shape_cast %get3A_562 : vector<1x16xf32> to vector<16xf32>
        %mul3A_564 = arith.constant 11.3137083 : f32
        %mul3A_565 = vector.broadcast %mul3A_564 : f32 to vector<16xf32>
        %mul3A_566 = arith.mulf %get3A_563, %mul3A_565 : vector<16xf32>
        %swap3A_567 = arith.index_cast %add3A_535 : i32 to index
        %swap3A_568 = arith.constant 32 : index
        %swap3A_569 = tpu.vector_load %arg9[%swap3A_567, %swap3A_568] {strides = array<i32>} : memref<200x128xf32, #tpu.memory_space<vmem>>, vector<1x16xf32>,
        %swap3A_570 = vector.shape_cast %swap3A_569 : vector<1x16xf32> to vector<16xf32>
        %swap3A_571 = vector.shape_cast %mul3A_566 : vector<16xf32> to vector<1x16xf32>
        tpu.vector_store %arg9[%swap3A_567, %swap3A_568], %swap3A_571 {strides = array<i32>} : memref<200x128xf32, #tpu.memory_space<vmem>>, vector<1x16xf32>,
        %get3A_572 = arith.index_cast %add3A_535 : i32 to index
        %get3A_573 = arith.constant 48 : index
        %get3A_574 = tpu.vector_load %arg7[%get3A_572, %get3A_573] {strides = array<i32>} : memref<200x128xf32, #tpu.memory_space<vmem>>, vector<1x16xf32>,
        %get3A_575 = vector.shape_cast %get3A_574 : vector<1x16xf32> to vector<16xf32>
        %mul3A_576 = arith.constant 11.3137083 : f32
        %mul3A_577 = vector.broadcast %mul3A_576 : f32 to vector<16xf32>
        %mul3A_578 = arith.mulf %get3A_575, %mul3A_577 : vector<16xf32>
        %swap3A_579 = arith.index_cast %add3A_535 : i32 to index
        %swap3A_580 = arith.constant 48 : index
        %swap3A_581 = tpu.vector_load %arg9[%swap3A_579, %swap3A_580] {strides = array<i32>} : memref<200x128xf32, #tpu.memory_space<vmem>>, vector<1x16xf32>,
        %swap3A_582 = vector.shape_cast %swap3A_581 : vector<1x16xf32> to vector<16xf32>
        %swap3A_583 = vector.shape_cast %mul3A_578 : vector<16xf32> to vector<1x16xf32>
        tpu.vector_store %arg9[%swap3A_579, %swap3A_580], %swap3A_583 {strides = array<i32>} : memref<200x128xf32, #tpu.memory_space<vmem>>, vector<1x16xf32>,
        %get3A_584 = arith.index_cast %add3A_535 : i32 to index
        %get3A_585 = arith.constant 64 : index
        %get3A_586 = tpu.vector_load %arg7[%get3A_584, %get3A_585] {strides = array<i32>} : memref<200x128xf32, #tpu.memory_space<vmem>>, vector<1x16xf32>,
        %get3A_587 = vector.shape_cast %get3A_586 : vector<1x16xf32> to vector<16xf32>
        %mul3A_588 = arith.constant 11.3137083 : f32
        %mul3A_589 = vector.broadcast %mul3A_588 : f32 to vector<16xf32>
        %mul3A_590 = arith.mulf %get3A_587, %mul3A_589 : vector<16xf32>
        %swap3A_591 = arith.index_cast %add3A_535 : i32 to index
        %swap3A_592 = arith.constant 64 : index
        %swap3A_593 = tpu.vector_load %arg9[%swap3A_591, %swap3A_592] {strides = array<i32>} : memref<200x128xf32, #tpu.memory_space<vmem>>, vector<1x16xf32>,
        %swap3A_594 = vector.shape_cast %swap3A_593 : vector<1x16xf32> to vector<16xf32>
        %swap3A_595 = vector.shape_cast %mul3A_590 : vector<16xf32> to vector<1x16xf32>
        tpu.vector_store %arg9[%swap3A_591, %swap3A_592], %swap3A_595 {strides = array<i32>} : memref<200x128xf32, #tpu.memory_space<vmem>>, vector<1x16xf32>,
        %get3A_596 = arith.index_cast %add3A_535 : i32 to index
        %get3A_597 = arith.constant 80 : index
        %get3A_598 = tpu.vector_load %arg7[%get3A_596, %get3A_597] {strides = array<i32>} : memref<200x128xf32, #tpu.memory_space<vmem>>, vector<1x16xf32>,
        %get3A_599 = vector.shape_cast %get3A_598 : vector<1x16xf32> to vector<16xf32>
        %mul3A_600 = arith.constant 11.3137083 : f32
        %mul3A_601 = vector.broadcast %mul3A_600 : f32 to vector<16xf32>
        %mul3A_602 = arith.mulf %get3A_599, %mul3A_601 : vector<16xf32>
        %swap3A_603 = arith.index_cast %add3A_535 : i32 to index
        %swap3A_604 = arith.constant 80 : index
        %swap3A_605 = tpu.vector_load %arg9[%swap3A_603, %swap3A_604] {strides = array<i32>} : memref<200x128xf32, #tpu.memory_space<vmem>>, vector<1x16xf32>,
        %swap3A_606 = vector.shape_cast %swap3A_605 : vector<1x16xf32> to vector<16xf32>
        %swap3A_607 = vector.shape_cast %mul3A_602 : vector<16xf32> to vector<1x16xf32>
        tpu.vector_store %arg9[%swap3A_603, %swap3A_604], %swap3A_607 {strides = array<i32>} : memref<200x128xf32, #tpu.memory_space<vmem>>, vector<1x16xf32>,
        %get3A_608 = arith.index_cast %add3A_535 : i32 to index
        %get3A_609 = arith.constant 96 : index
        %get3A_610 = tpu.vector_load %arg7[%get3A_608, %get3A_609] {strides = array<i32>} : memref<200x128xf32, #tpu.memory_space<vmem>>, vector<1x16xf32>,
        %get3A_611 = vector.shape_cast %get3A_610 : vector<1x16xf32> to vector<16xf32>
        %mul3A_612 = arith.constant 11.3137083 : f32
        %mul3A_613 = vector.broadcast %mul3A_612 : f32 to vector<16xf32>
        %mul3A_614 = arith.mulf %get3A_611, %mul3A_613 : vector<16xf32>
        %swap3A_615 = arith.index_cast %add3A_535 : i32 to index
        %swap3A_616 = arith.constant 96 : index
        %swap3A_617 = tpu.vector_load %arg9[%swap3A_615, %swap3A_616] {strides = array<i32>} : memref<200x128xf32, #tpu.memory_space<vmem>>, vector<1x16xf32>,
        %swap3A_618 = vector.shape_cast %swap3A_617 : vector<1x16xf32> to vector<16xf32>
        %swap3A_619 = vector.shape_cast %mul3A_614 : vector<16xf32> to vector<1x16xf32>
        tpu.vector_store %arg9[%swap3A_615, %swap3A_616], %swap3A_619 {strides = array<i32>} : memref<200x128xf32, #tpu.memory_space<vmem>>, vector<1x16xf32>,
        %get3A_620 = arith.index_cast %add3A_535 : i32 to index
        %get3A_621 = arith.constant 112 : index
        %get3A_622 = tpu.vector_load %arg7[%get3A_620, %get3A_621] {strides = array<i32>} : memref<200x128xf32, #tpu.memory_space<vmem>>, vector<1x16xf32>,
        %get3A_623 = vector.shape_cast %get3A_622 : vector<1x16xf32> to vector<16xf32>
        %mul3A_624 = arith.constant 11.3137083 : f32
        %mul3A_625 = vector.broadcast %mul3A_624 : f32 to vector<16xf32>
        %mul3A_626 = arith.mulf %get3A_623, %mul3A_625 : vector<16xf32>
        %swap3A_627 = arith.index_cast %add3A_535 : i32 to index
        %swap3A_628 = arith.constant 112 : index
        %swap3A_629 = tpu.vector_load %arg9[%swap3A_627, %swap3A_628] {strides = array<i32>} : memref<200x128xf32, #tpu.memory_space<vmem>>, vector<1x16xf32>,
        %swap3A_630 = vector.shape_cast %swap3A_629 : vector<1x16xf32> to vector<16xf32>
        %swap3A_631 = vector.shape_cast %mul3A_626 : vector<16xf32> to vector<1x16xf32>
        tpu.vector_store %arg9[%swap3A_627, %swap3A_628], %swap3A_631 {strides = array<i32>} : memref<200x128xf32, #tpu.memory_space<vmem>>, vector<1x16xf32>,
      }
      %scan3A_230 = arith.constant 50 : i32
      %mul3A_231 = arith.constant 200 : i32
      %mul3A_232 = arith.muli %add3A_180, %mul3A_231 : i32
      %multiple_of3A_233 = tpu.assume_multiple %mul3A_232, 8 : i32
      %add3A_234 = arith.addi %mul3A_2, %multiple_of3A_233 : i32
      %dma_start3A_235 = arith.constant 0 : i32
      %dma_start3A_236 = tpu.memref_slice %arg4[%add3A_234, %dma_start3A_235] : memref<204800x128xf32, #tpu.memory_space<hbm>> -> memref<200x128xf32, #tpu.memory_space<hbm>>
      %dma_start3A_237 = arith.constant 0 : i32
      %dma_start3A_238 = tpu.memref_slice %arg4[%add3A_234, %dma_start3A_237] : memref<204800x128xf32, #tpu.memory_space<hbm>> -> memref<200x128xf32, #tpu.memory_space<hbm>>
      tpu.enqueue_dma source(%arg9 : memref<200x128xf32, #tpu.memory_space<vmem>>) target(%dma_start3A_238 : memref<200x128xf32, #tpu.memory_space<hbm>>) target_semaphore(%arg13 : memref<!tpu.dma_semaphore, #tpu.memory_space<semaphore_mem>>)
    }
    %scan3A_25 = arith.constant 15 : i32
    %dma_wait3A = arith.constant 0 : i32
    %dma_wait3A_26 = arith.constant 0 : i32
    %dma_wait3A_27 = tpu.memref_slice %arg6[%dma_wait3A, %dma_wait3A_26] : memref<200x128xf32, #tpu.memory_space<vmem>> -> memref<128x128xf32, #tpu.memory_space<vmem>>
    %dma_wait3A_28 = arith.constant 0 : i32
    %dma_wait3A_29 = tpu.memref_slice %arg5[%dma_wait3A_28] : memref<6400xi32, #tpu.memory_space<vmem>> -> memref<128xi32, #tpu.memory_space<vmem>>
    %dma_wait3A_30 = arith.constant 0 : i32
    %dma_wait3A_31 = arith.constant 0 : i32
    %dma_wait3A_32 = tpu.memref_slice %arg3[%dma_wait3A_30, %dma_wait3A_31] : memref<100000x128xf32, #tpu.memory_space<hbm>> -> memref<100000x128xf32, #tpu.memory_space<hbm>>
    tpu.wait_indirect_dma semaphore(%arg10 : memref<!tpu.dma_semaphore, #tpu.memory_space<semaphore_mem>>) src(%dma_wait3A_32 : memref<100000x128xf32, #tpu.memory_space<hbm>>) dst(%dma_wait3A_27 : memref<128x128xf32, #tpu.memory_space<vmem>>)
    %dma_wait3A_33 = arith.constant 128 : i32
    %dma_wait3A_34 = arith.constant 0 : i32
    %dma_wait3A_35 = tpu.memref_slice %arg6[%dma_wait3A_33, %dma_wait3A_34] : memref<200x128xf32, #tpu.memory_space<vmem>> -> memref<72x128xf32, #tpu.memory_space<vmem>>
    %dma_wait3A_36 = arith.constant 128 : i32
    %dma_wait3A_37 = tpu.memref_slice %arg5[%dma_wait3A_36] : memref<6400xi32, #tpu.memory_space<vmem>> -> memref<72xi32, #tpu.memory_space<vmem>>
    %dma_wait3A_38 = arith.constant 0 : i32
    %dma_wait3A_39 = arith.constant 0 : i32
    %dma_wait3A_40 = tpu.memref_slice %arg3[%dma_wait3A_38, %dma_wait3A_39] : memref<100000x128xf32, #tpu.memory_space<hbm>> -> memref<100000x128xf32, #tpu.memory_space<hbm>>
    tpu.wait_indirect_dma semaphore(%arg10 : memref<!tpu.dma_semaphore, #tpu.memory_space<semaphore_mem>>) src(%dma_wait3A_40 : memref<100000x128xf32, #tpu.memory_space<hbm>>) dst(%dma_wait3A_35 : memref<72x128xf32, #tpu.memory_space<vmem>>)
    %multiple_of3A_41 = arith.constant 6200 : i32
    %multiple_of3A_42 = tpu.assume_multiple %multiple_of3A_41, 8 : i32
    %add3A_43 = arith.constant 0 : i32
    %add3A_44 = arith.addi %multiple_of3A_42, %add3A_43 : i32
    %dma_start3A_45 = arith.constant 0 : i32
    %dma_start3A_46 = arith.constant 0 : i32
    %dma_start3A_47 = tpu.memref_slice %arg7[%dma_start3A_45, %dma_start3A_46] : memref<200x128xf32, #tpu.memory_space<vmem>> -> memref<128x128xf32, #tpu.memory_space<vmem>>
    %dma_start3A_48 = tpu.memref_slice %arg5[%add3A_44] : memref<6400xi32, #tpu.memory_space<vmem>> -> memref<128xi32, #tpu.memory_space<vmem>>
    %dma_start3A_49 = arith.constant 0 : i32
    %dma_start3A_50 = arith.constant 0 : i32
    %dma_start3A_51 = tpu.memref_slice %arg3[%dma_start3A_49, %dma_start3A_50] : memref<100000x128xf32, #tpu.memory_space<hbm>> -> memref<100000x128xf32, #tpu.memory_space<hbm>>
    tpu.enqueue_indirect_dma source(%dma_start3A_51 : memref<100000x128xf32, #tpu.memory_space<hbm>>) target(%dma_start3A_47 : memref<128x128xf32, #tpu.memory_space<vmem>>) offsets(%dma_start3A_48 : memref<128xi32, #tpu.memory_space<vmem>>) semaphore(%arg11 : memref<!tpu.dma_semaphore, #tpu.memory_space<semaphore_mem>>)
    %add3A_52 = arith.constant 128 : i32
    %add3A_53 = arith.addi %multiple_of3A_42, %add3A_52 : i32
    %dma_start3A_54 = arith.constant 128 : i32
    %dma_start3A_55 = arith.constant 0 : i32
    %dma_start3A_56 = tpu.memref_slice %arg7[%dma_start3A_54, %dma_start3A_55] : memref<200x128xf32, #tpu.memory_space<vmem>> -> memref<72x128xf32, #tpu.memory_space<vmem>>
    %dma_start3A_57 = tpu.memref_slice %arg5[%add3A_53] : memref<6400xi32, #tpu.memory_space<vmem>> -> memref<72xi32, #tpu.memory_space<vmem>>
    %dma_start3A_58 = arith.constant 0 : i32
    %dma_start3A_59 = arith.constant 0 : i32
    %dma_start3A_60 = tpu.memref_slice %arg3[%dma_start3A_58, %dma_start3A_59] : memref<100000x128xf32, #tpu.memory_space<hbm>> -> memref<100000x128xf32, #tpu.memory_space<hbm>>
    tpu.enqueue_indirect_dma source(%dma_start3A_60 : memref<100000x128xf32, #tpu.memory_space<hbm>>) target(%dma_start3A_56 : memref<72x128xf32, #tpu.memory_space<vmem>>) offsets(%dma_start3A_57 : memref<72xi32, #tpu.memory_space<vmem>>) semaphore(%arg11 : memref<!tpu.dma_semaphore, #tpu.memory_space<semaphore_mem>>)
    %dma_wait3A_61 = arith.constant 0 : i32
    %dma_wait3A_62 = tpu.memref_slice %arg4[%mul3A_2, %dma_wait3A_61] : memref<204800x128xf32, #tpu.memory_space<hbm>> -> memref<200x128xf32, #tpu.memory_space<hbm>>
    %dma_wait3A_63 = arith.constant 0 : i32
    %dma_wait3A_64 = tpu.memref_slice %arg4[%mul3A_2, %dma_wait3A_63] : memref<204800x128xf32, #tpu.memory_space<hbm>> -> memref<200x128xf32, #tpu.memory_space<hbm>>
    tpu.wait_dma2 semaphore(%arg12 : memref<!tpu.dma_semaphore, #tpu.memory_space<semaphore_mem>>) src(%arg8 : memref<200x128xf32, #tpu.memory_space<vmem>>) dst(%dma_wait3A_64 : memref<200x128xf32, #tpu.memory_space<hbm>>)
    %scan3A_65 = arith.constant 0 : i32
    %scan3A_66 = arith.constant 0 : i32
    %scan3A_67 = arith.constant 50 : i32
    %scan3A_68 = arith.addi %scan3A_66, %scan3A_67 : i32
    %scan3A_69 = arith.constant 1 : i32
    scf.for %scan3A_119 = %scan3A_66 to %scan3A_68 step %scan3A_69  : i32 {
      %mul3A_120 = arith.constant 4 : i32
      %mul3A_121 = arith.muli %scan3A_119, %mul3A_120 : i32
      %add3A_122 = arith.constant 0 : i32
      %add3A_123 = arith.addi %mul3A_121, %add3A_122 : i32
      %get3A = arith.index_cast %add3A_123 : i32 to index
      %get3A_124 = arith.constant 0 : index
      %get3A_125 = tpu.vector_load %arg6[%get3A, %get3A_124] {strides = array<i32>} : memref<200x128xf32, #tpu.memory_space<vmem>>, vector<1x16xf32>,
      %get3A_126 = vector.shape_cast %get3A_125 : vector<1x16xf32> to vector<16xf32>
      %mul3A_127 = arith.constant 11.3137083 : f32
      %mul3A_128 = vector.broadcast %mul3A_127 : f32 to vector<16xf32>
      %mul3A_129 = arith.mulf %get3A_126, %mul3A_128 : vector<16xf32>
      %swap3A = arith.index_cast %add3A_123 : i32 to index
      %swap3A_130 = arith.constant 0 : index
      %swap3A_131 = tpu.vector_load %arg8[%swap3A, %swap3A_130] {strides = array<i32>} : memref<200x128xf32, #tpu.memory_space<vmem>>, vector<1x16xf32>,
      %swap3A_132 = vector.shape_cast %swap3A_131 : vector<1x16xf32> to vector<16xf32>
      %swap3A_133 = vector.shape_cast %mul3A_129 : vector<16xf32> to vector<1x16xf32>
      tpu.vector_store %arg8[%swap3A, %swap3A_130], %swap3A_133 {strides = array<i32>} : memref<200x128xf32, #tpu.memory_space<vmem>>, vector<1x16xf32>,
      %get3A_134 = arith.index_cast %add3A_123 : i32 to index
      %get3A_135 = arith.constant 16 : index
      %get3A_136 = tpu.vector_load %arg6[%get3A_134, %get3A_135] {strides = array<i32>} : memref<200x128xf32, #tpu.memory_space<vmem>>, vector<1x16xf32>,
      %get3A_137 = vector.shape_cast %get3A_136 : vector<1x16xf32> to vector<16xf32>
      %mul3A_138 = arith.constant 11.3137083 : f32
      %mul3A_139 = vector.broadcast %mul3A_138 : f32 to vector<16xf32>
      %mul3A_140 = arith.mulf %get3A_137, %mul3A_139 : vector<16xf32>
      %swap3A_141 = arith.index_cast %add3A_123 : i32 to index
      %swap3A_142 = arith.constant 16 : index
      %swap3A_143 = tpu.vector_load %arg8[%swap3A_141, %swap3A_142] {strides = array<i32>} : memref<200x128xf32, #tpu.memory_space<vmem>>, vector<1x16xf32>,
      %swap3A_144 = vector.shape_cast %swap3A_143 : vector<1x16xf32> to vector<16xf32>
      %swap3A_145 = vector.shape_cast %mul3A_140 : vector<16xf32> to vector<1x16xf32>
      tpu.vector_store %arg8[%swap3A_141, %swap3A_142], %swap3A_145 {strides = array<i32>} : memref<200x128xf32, #tpu.memory_space<vmem>>, vector<1x16xf32>,
      %get3A_146 = arith.index_cast %add3A_123 : i32 to index
      %get3A_147 = arith.constant 32 : index
      %get3A_148 = tpu.vector_load %arg6[%get3A_146, %get3A_147] {strides = array<i32>} : memref<200x128xf32, #tpu.memory_space<vmem>>, vector<1x16xf32>,
      %get3A_149 = vector.shape_cast %get3A_148 : vector<1x16xf32> to vector<16xf32>
      %mul3A_150 = arith.constant 11.3137083 : f32
      %mul3A_151 = vector.broadcast %mul3A_150 : f32 to vector<16xf32>
      %mul3A_152 = arith.mulf %get3A_149, %mul3A_151 : vector<16xf32>
      %swap3A_153 = arith.index_cast %add3A_123 : i32 to index
      %swap3A_154 = arith.constant 32 : index
      %swap3A_155 = tpu.vector_load %arg8[%swap3A_153, %swap3A_154] {strides = array<i32>} : memref<200x128xf32, #tpu.memory_space<vmem>>, vector<1x16xf32>,
      %swap3A_156 = vector.shape_cast %swap3A_155 : vector<1x16xf32> to vector<16xf32>
      %swap3A_157 = vector.shape_cast %mul3A_152 : vector<16xf32> to vector<1x16xf32>
      tpu.vector_store %arg8[%swap3A_153, %swap3A_154], %swap3A_157 {strides = array<i32>} : memref<200x128xf32, #tpu.memory_space<vmem>>, vector<1x16xf32>,
      %get3A_158 = arith.index_cast %add3A_123 : i32 to index
      %get3A_159 = arith.constant 48 : index
      %get3A_160 = tpu.vector_load %arg6[%get3A_158, %get3A_159] {strides = array<i32>} : memref<200x128xf32, #tpu.memory_space<vmem>>, vector<1x16xf32>,
      %get3A_161 = vector.shape_cast %get3A_160 : vector<1x16xf32> to vector<16xf32>
      %mul3A_162 = arith.constant 11.3137083 : f32
      %mul3A_163 = vector.broadcast %mul3A_162 : f32 to vector<16xf32>
      %mul3A_164 = arith.mulf %get3A_161, %mul3A_163 : vector<16xf32>
      %swap3A_165 = arith.index_cast %add3A_123 : i32 to index
      %swap3A_166 = arith.constant 48 : index
      %swap3A_167 = tpu.vector_load %arg8[%swap3A_165, %swap3A_166] {strides = array<i32>} : memref<200x128xf32, #tpu.memory_space<vmem>>, vector<1x16xf32>,
      %swap3A_168 = vector.shape_cast %swap3A_167 : vector<1x16xf32> to vector<16xf32>
      %swap3A_169 = vector.shape_cast %mul3A_164 : vector<16xf32> to vector<1x16xf32>
      tpu.vector_store %arg8[%swap3A_165, %swap3A_166], %swap3A_169 {strides = array<i32>} : memref<200x128xf32, #tpu.memory_space<vmem>>, vector<1x16xf32>,
      %get3A_170 = arith.index_cast %add3A_123 : i32 to index
      %get3A_171 = arith.constant 64 : index
      %get3A_172 = tpu.vector_load %arg6[%get3A_170, %get3A_171] {strides = array<i32>} : memref<200x128xf32, #tpu.memory_space<vmem>>, vector<1x16xf32>,
      %get3A_173 = vector.shape_cast %get3A_172 : vector<1x16xf32> to vector<16xf32>
      %mul3A_174 = arith.constant 11.3137083 : f32
      %mul3A_175 = vector.broadcast %mul3A_174 : f32 to vector<16xf32>
      %mul3A_176 = arith.mulf %get3A_173, %mul3A_175 : vector<16xf32>
      %swap3A_177 = arith.index_cast %add3A_123 : i32 to index
      %swap3A_178 = arith.constant 64 : index
      %swap3A_179 = tpu.vector_load %arg8[%swap3A_177, %swap3A_178] {strides = array<i32>} : memref<200x128xf32, #tpu.memory_space<vmem>>, vector<1x16xf32>,
      %swap3A_180 = vector.shape_cast %swap3A_179 : vector<1x16xf32> to vector<16xf32>
      %swap3A_181 = vector.shape_cast %mul3A_176 : vector<16xf32> to vector<1x16xf32>
      tpu.vector_store %arg8[%swap3A_177, %swap3A_178], %swap3A_181 {strides = array<i32>} : memref<200x128xf32, #tpu.memory_space<vmem>>, vector<1x16xf32>,
      %get3A_182 = arith.index_cast %add3A_123 : i32 to index
      %get3A_183 = arith.constant 80 : index
      %get3A_184 = tpu.vector_load %arg6[%get3A_182, %get3A_183] {strides = array<i32>} : memref<200x128xf32, #tpu.memory_space<vmem>>, vector<1x16xf32>,
      %get3A_185 = vector.shape_cast %get3A_184 : vector<1x16xf32> to vector<16xf32>
      %mul3A_186 = arith.constant 11.3137083 : f32
      %mul3A_187 = vector.broadcast %mul3A_186 : f32 to vector<16xf32>
      %mul3A_188 = arith.mulf %get3A_185, %mul3A_187 : vector<16xf32>
      %swap3A_189 = arith.index_cast %add3A_123 : i32 to index
      %swap3A_190 = arith.constant 80 : index
      %swap3A_191 = tpu.vector_load %arg8[%swap3A_189, %swap3A_190] {strides = array<i32>} : memref<200x128xf32, #tpu.memory_space<vmem>>, vector<1x16xf32>,
      %swap3A_192 = vector.shape_cast %swap3A_191 : vector<1x16xf32> to vector<16xf32>
      %swap3A_193 = vector.shape_cast %mul3A_188 : vector<16xf32> to vector<1x16xf32>
      tpu.vector_store %arg8[%swap3A_189, %swap3A_190], %swap3A_193 {strides = array<i32>} : memref<200x128xf32, #tpu.memory_space<vmem>>, vector<1x16xf32>,
      %get3A_194 = arith.index_cast %add3A_123 : i32 to index
      %get3A_195 = arith.constant 96 : index
      %get3A_196 = tpu.vector_load %arg6[%get3A_194, %get3A_195] {strides = array<i32>} : memref<200x128xf32, #tpu.memory_space<vmem>>, vector<1x16xf32>,
      %get3A_197 = vector.shape_cast %get3A_196 : vector<1x16xf32> to vector<16xf32>
      %mul3A_198 = arith.constant 11.3137083 : f32
      %mul3A_199 = vector.broadcast %mul3A_198 : f32 to vector<16xf32>
      %mul3A_200 = arith.mulf %get3A_197, %mul3A_199 : vector<16xf32>
      %swap3A_201 = arith.index_cast %add3A_123 : i32 to index
      %swap3A_202 = arith.constant 96 : index
      %swap3A_203 = tpu.vector_load %arg8[%swap3A_201, %swap3A_202] {strides = array<i32>} : memref<200x128xf32, #tpu.memory_space<vmem>>, vector<1x16xf32>,
      %swap3A_204 = vector.shape_cast %swap3A_203 : vector<1x16xf32> to vector<16xf32>
      %swap3A_205 = vector.shape_cast %mul3A_200 : vector<16xf32> to vector<1x16xf32>
      tpu.vector_store %arg8[%swap3A_201, %swap3A_202], %swap3A_205 {strides = array<i32>} : memref<200x128xf32, #tpu.memory_space<vmem>>, vector<1x16xf32>,
      %get3A_206 = arith.index_cast %add3A_123 : i32 to index
      %get3A_207 = arith.constant 112 : index
      %get3A_208 = tpu.vector_load %arg6[%get3A_206, %get3A_207] {strides = array<i32>} : memref<200x128xf32, #tpu.memory_space<vmem>>, vector<1x16xf32>,
      %get3A_209 = vector.shape_cast %get3A_208 : vector<1x16xf32> to vector<16xf32>
      %mul3A_210 = arith.constant 11.3137083 : f32
      %mul3A_211 = vector.broadcast %mul3A_210 : f32 to vector<16xf32>
      %mul3A_212 = arith.mulf %get3A_209, %mul3A_211 : vector<16xf32>
      %swap3A_213 = arith.index_cast %add3A_123 : i32 to index
      %swap3A_214 = arith.constant 112 : index
      %swap3A_215 = tpu.vector_load %arg8[%swap3A_213, %swap3A_214] {strides = array<i32>} : memref<200x128xf32, #tpu.memory_space<vmem>>, vector<1x16xf32>,
      %swap3A_216 = vector.shape_cast %swap3A_215 : vector<1x16xf32> to vector<16xf32>
      %swap3A_217 = vector.shape_cast %mul3A_212 : vector<16xf32> to vector<1x16xf32>
      tpu.vector_store %arg8[%swap3A_213, %swap3A_214], %swap3A_217 {strides = array<i32>} : memref<200x128xf32, #tpu.memory_space<vmem>>, vector<1x16xf32>,
      %add3A_218 = arith.constant 1 : i32
      %add3A_219 = arith.addi %mul3A_121, %add3A_218 : i32
      %get3A_220 = arith.index_cast %add3A_219 : i32 to index
      %get3A_221 = arith.constant 0 : index
      %get3A_222 = tpu.vector_load %arg6[%get3A_220, %get3A_221] {strides = array<i32>} : memref<200x128xf32, #tpu.memory_space<vmem>>, vector<1x16xf32>,
      %get3A_223 = vector.shape_cast %get3A_222 : vector<1x16xf32> to vector<16xf32>
      %mul3A_224 = arith.constant 11.3137083 : f32
      %mul3A_225 = vector.broadcast %mul3A_224 : f32 to vector<16xf32>
      %mul3A_226 = arith.mulf %get3A_223, %mul3A_225 : vector<16xf32>
      %swap3A_227 = arith.index_cast %add3A_219 : i32 to index
      %swap3A_228 = arith.constant 0 : index
      %swap3A_229 = tpu.vector_load %arg8[%swap3A_227, %swap3A_228] {strides = array<i32>} : memref<200x128xf32, #tpu.memory_space<vmem>>, vector<1x16xf32>,
      %swap3A_230 = vector.shape_cast %swap3A_229 : vector<1x16xf32> to vector<16xf32>
      %swap3A_231 = vector.shape_cast %mul3A_226 : vector<16xf32> to vector<1x16xf32>
      tpu.vector_store %arg8[%swap3A_227, %swap3A_228], %swap3A_231 {strides = array<i32>} : memref<200x128xf32, #tpu.memory_space<vmem>>, vector<1x16xf32>,
      %get3A_232 = arith.index_cast %add3A_219 : i32 to index
      %get3A_233 = arith.constant 16 : index
      %get3A_234 = tpu.vector_load %arg6[%get3A_232, %get3A_233] {strides = array<i32>} : memref<200x128xf32, #tpu.memory_space<vmem>>, vector<1x16xf32>,
      %get3A_235 = vector.shape_cast %get3A_234 : vector<1x16xf32> to vector<16xf32>
      %mul3A_236 = arith.constant 11.3137083 : f32
      %mul3A_237 = vector.broadcast %mul3A_236 : f32 to vector<16xf32>
      %mul3A_238 = arith.mulf %get3A_235, %mul3A_237 : vector<16xf32>
      %swap3A_239 = arith.index_cast %add3A_219 : i32 to index
      %swap3A_240 = arith.constant 16 : index
      %swap3A_241 = tpu.vector_load %arg8[%swap3A_239, %swap3A_240] {strides = array<i32>} : memref<200x128xf32, #tpu.memory_space<vmem>>, vector<1x16xf32>,
      %swap3A_242 = vector.shape_cast %swap3A_241 : vector<1x16xf32> to vector<16xf32>
      %swap3A_243 = vector.shape_cast %mul3A_238 : vector<16xf32> to vector<1x16xf32>
      tpu.vector_store %arg8[%swap3A_239, %swap3A_240], %swap3A_243 {strides = array<i32>} : memref<200x128xf32, #tpu.memory_space<vmem>>, vector<1x16xf32>,
      %get3A_244 = arith.index_cast %add3A_219 : i32 to index
      %get3A_245 = arith.constant 32 : index
      %get3A_246 = tpu.vector_load %arg6[%get3A_244, %get3A_245] {strides = array<i32>} : memref<200x128xf32, #tpu.memory_space<vmem>>, vector<1x16xf32>,
      %get3A_247 = vector.shape_cast %get3A_246 : vector<1x16xf32> to vector<16xf32>
      %mul3A_248 = arith.constant 11.3137083 : f32
      %mul3A_249 = vector.broadcast %mul3A_248 : f32 to vector<16xf32>
      %mul3A_250 = arith.mulf %get3A_247, %mul3A_249 : vector<16xf32>
      %swap3A_251 = arith.index_cast %add3A_219 : i32 to index
      %swap3A_252 = arith.constant 32 : index
      %swap3A_253 = tpu.vector_load %arg8[%swap3A_251, %swap3A_252] {strides = array<i32>} : memref<200x128xf32, #tpu.memory_space<vmem>>, vector<1x16xf32>,
      %swap3A_254 = vector.shape_cast %swap3A_253 : vector<1x16xf32> to vector<16xf32>
      %swap3A_255 = vector.shape_cast %mul3A_250 : vector<16xf32> to vector<1x16xf32>
      tpu.vector_store %arg8[%swap3A_251, %swap3A_252], %swap3A_255 {strides = array<i32>} : memref<200x128xf32, #tpu.memory_space<vmem>>, vector<1x16xf32>,
      %get3A_256 = arith.index_cast %add3A_219 : i32 to index
      %get3A_257 = arith.constant 48 : index
      %get3A_258 = tpu.vector_load %arg6[%get3A_256, %get3A_257] {strides = array<i32>} : memref<200x128xf32, #tpu.memory_space<vmem>>, vector<1x16xf32>,
      %get3A_259 = vector.shape_cast %get3A_258 : vector<1x16xf32> to vector<16xf32>
      %mul3A_260 = arith.constant 11.3137083 : f32
      %mul3A_261 = vector.broadcast %mul3A_260 : f32 to vector<16xf32>
      %mul3A_262 = arith.mulf %get3A_259, %mul3A_261 : vector<16xf32>
      %swap3A_263 = arith.index_cast %add3A_219 : i32 to index
      %swap3A_264 = arith.constant 48 : index
      %swap3A_265 = tpu.vector_load %arg8[%swap3A_263, %swap3A_264] {strides = array<i32>} : memref<200x128xf32, #tpu.memory_space<vmem>>, vector<1x16xf32>,
      %swap3A_266 = vector.shape_cast %swap3A_265 : vector<1x16xf32> to vector<16xf32>
      %swap3A_267 = vector.shape_cast %mul3A_262 : vector<16xf32> to vector<1x16xf32>
      tpu.vector_store %arg8[%swap3A_263, %swap3A_264], %swap3A_267 {strides = array<i32>} : memref<200x128xf32, #tpu.memory_space<vmem>>, vector<1x16xf32>,
      %get3A_268 = arith.index_cast %add3A_219 : i32 to index
      %get3A_269 = arith.constant 64 : index
      %get3A_270 = tpu.vector_load %arg6[%get3A_268, %get3A_269] {strides = array<i32>} : memref<200x128xf32, #tpu.memory_space<vmem>>, vector<1x16xf32>,
      %get3A_271 = vector.shape_cast %get3A_270 : vector<1x16xf32> to vector<16xf32>
      %mul3A_272 = arith.constant 11.3137083 : f32
      %mul3A_273 = vector.broadcast %mul3A_272 : f32 to vector<16xf32>
      %mul3A_274 = arith.mulf %get3A_271, %mul3A_273 : vector<16xf32>
      %swap3A_275 = arith.index_cast %add3A_219 : i32 to index
      %swap3A_276 = arith.constant 64 : index
      %swap3A_277 = tpu.vector_load %arg8[%swap3A_275, %swap3A_276] {strides = array<i32>} : memref<200x128xf32, #tpu.memory_space<vmem>>, vector<1x16xf32>,
      %swap3A_278 = vector.shape_cast %swap3A_277 : vector<1x16xf32> to vector<16xf32>
      %swap3A_279 = vector.shape_cast %mul3A_274 : vector<16xf32> to vector<1x16xf32>
      tpu.vector_store %arg8[%swap3A_275, %swap3A_276], %swap3A_279 {strides = array<i32>} : memref<200x128xf32, #tpu.memory_space<vmem>>, vector<1x16xf32>,
      %get3A_280 = arith.index_cast %add3A_219 : i32 to index
      %get3A_281 = arith.constant 80 : index
      %get3A_282 = tpu.vector_load %arg6[%get3A_280, %get3A_281] {strides = array<i32>} : memref<200x128xf32, #tpu.memory_space<vmem>>, vector<1x16xf32>,
      %get3A_283 = vector.shape_cast %get3A_282 : vector<1x16xf32> to vector<16xf32>
      %mul3A_284 = arith.constant 11.3137083 : f32
      %mul3A_285 = vector.broadcast %mul3A_284 : f32 to vector<16xf32>
      %mul3A_286 = arith.mulf %get3A_283, %mul3A_285 : vector<16xf32>
      %swap3A_287 = arith.index_cast %add3A_219 : i32 to index
      %swap3A_288 = arith.constant 80 : index
      %swap3A_289 = tpu.vector_load %arg8[%swap3A_287, %swap3A_288] {strides = array<i32>} : memref<200x128xf32, #tpu.memory_space<vmem>>, vector<1x16xf32>,
      %swap3A_290 = vector.shape_cast %swap3A_289 : vector<1x16xf32> to vector<16xf32>
      %swap3A_291 = vector.shape_cast %mul3A_286 : vector<16xf32> to vector<1x16xf32>
      tpu.vector_store %arg8[%swap3A_287, %swap3A_288], %swap3A_291 {strides = array<i32>} : memref<200x128xf32, #tpu.memory_space<vmem>>, vector<1x16xf32>,
      %get3A_292 = arith.index_cast %add3A_219 : i32 to index
      %get3A_293 = arith.constant 96 : index
      %get3A_294 = tpu.vector_load %arg6[%get3A_292, %get3A_293] {strides = array<i32>} : memref<200x128xf32, #tpu.memory_space<vmem>>, vector<1x16xf32>,
      %get3A_295 = vector.shape_cast %get3A_294 : vector<1x16xf32> to vector<16xf32>
      %mul3A_296 = arith.constant 11.3137083 : f32
      %mul3A_297 = vector.broadcast %mul3A_296 : f32 to vector<16xf32>
      %mul3A_298 = arith.mulf %get3A_295, %mul3A_297 : vector<16xf32>
      %swap3A_299 = arith.index_cast %add3A_219 : i32 to index
      %swap3A_300 = arith.constant 96 : index
      %swap3A_301 = tpu.vector_load %arg8[%swap3A_299, %swap3A_300] {strides = array<i32>} : memref<200x128xf32, #tpu.memory_space<vmem>>, vector<1x16xf32>,
      %swap3A_302 = vector.shape_cast %swap3A_301 : vector<1x16xf32> to vector<16xf32>
      %swap3A_303 = vector.shape_cast %mul3A_298 : vector<16xf32> to vector<1x16xf32>
      tpu.vector_store %arg8[%swap3A_299, %swap3A_300], %swap3A_303 {strides = array<i32>} : memref<200x128xf32, #tpu.memory_space<vmem>>, vector<1x16xf32>,
      %get3A_304 = arith.index_cast %add3A_219 : i32 to index
      %get3A_305 = arith.constant 112 : index
      %get3A_306 = tpu.vector_load %arg6[%get3A_304, %get3A_305] {strides = array<i32>} : memref<200x128xf32, #tpu.memory_space<vmem>>, vector<1x16xf32>,
      %get3A_307 = vector.shape_cast %get3A_306 : vector<1x16xf32> to vector<16xf32>
      %mul3A_308 = arith.constant 11.3137083 : f32
      %mul3A_309 = vector.broadcast %mul3A_308 : f32 to vector<16xf32>
      %mul3A_310 = arith.mulf %get3A_307, %mul3A_309 : vector<16xf32>
      %swap3A_311 = arith.index_cast %add3A_219 : i32 to index
      %swap3A_312 = arith.constant 112 : index
      %swap3A_313 = tpu.vector_load %arg8[%swap3A_311, %swap3A_312] {strides = array<i32>} : memref<200x128xf32, #tpu.memory_space<vmem>>, vector<1x16xf32>,
      %swap3A_314 = vector.shape_cast %swap3A_313 : vector<1x16xf32> to vector<16xf32>
      %swap3A_315 = vector.shape_cast %mul3A_310 : vector<16xf32> to vector<1x16xf32>
      tpu.vector_store %arg8[%swap3A_311, %swap3A_312], %swap3A_315 {strides = array<i32>} : memref<200x128xf32, #tpu.memory_space<vmem>>, vector<1x16xf32>,
      %add3A_316 = arith.constant 2 : i32
      %add3A_317 = arith.addi %mul3A_121, %add3A_316 : i32
      %get3A_318 = arith.index_cast %add3A_317 : i32 to index
      %get3A_319 = arith.constant 0 : index
      %get3A_320 = tpu.vector_load %arg6[%get3A_318, %get3A_319] {strides = array<i32>} : memref<200x128xf32, #tpu.memory_space<vmem>>, vector<1x16xf32>,
      %get3A_321 = vector.shape_cast %get3A_320 : vector<1x16xf32> to vector<16xf32>
      %mul3A_322 = arith.constant 11.3137083 : f32
      %mul3A_323 = vector.broadcast %mul3A_322 : f32 to vector<16xf32>
      %mul3A_324 = arith.mulf %get3A_321, %mul3A_323 : vector<16xf32>
      %swap3A_325 = arith.index_cast %add3A_317 : i32 to index
      %swap3A_326 = arith.constant 0 : index
      %swap3A_327 = tpu.vector_load %arg8[%swap3A_325, %swap3A_326] {strides = array<i32>} : memref<200x128xf32, #tpu.memory_space<vmem>>, vector<1x16xf32>,
      %swap3A_328 = vector.shape_cast %swap3A_327 : vector<1x16xf32> to vector<16xf32>
      %swap3A_329 = vector.shape_cast %mul3A_324 : vector<16xf32> to vector<1x16xf32>
      tpu.vector_store %arg8[%swap3A_325, %swap3A_326], %swap3A_329 {strides = array<i32>} : memref<200x128xf32, #tpu.memory_space<vmem>>, vector<1x16xf32>,
      %get3A_330 = arith.index_cast %add3A_317 : i32 to index
      %get3A_331 = arith.constant 16 : index
      %get3A_332 = tpu.vector_load %arg6[%get3A_330, %get3A_331] {strides = array<i32>} : memref<200x128xf32, #tpu.memory_space<vmem>>, vector<1x16xf32>,
      %get3A_333 = vector.shape_cast %get3A_332 : vector<1x16xf32> to vector<16xf32>
      %mul3A_334 = arith.constant 11.3137083 : f32
      %mul3A_335 = vector.broadcast %mul3A_334 : f32 to vector<16xf32>
      %mul3A_336 = arith.mulf %get3A_333, %mul3A_335 : vector<16xf32>
      %swap3A_337 = arith.index_cast %add3A_317 : i32 to index
      %swap3A_338 = arith.constant 16 : index
      %swap3A_339 = tpu.vector_load %arg8[%swap3A_337, %swap3A_338] {strides = array<i32>} : memref<200x128xf32, #tpu.memory_space<vmem>>, vector<1x16xf32>,
      %swap3A_340 = vector.shape_cast %swap3A_339 : vector<1x16xf32> to vector<16xf32>
      %swap3A_341 = vector.shape_cast %mul3A_336 : vector<16xf32> to vector<1x16xf32>
      tpu.vector_store %arg8[%swap3A_337, %swap3A_338], %swap3A_341 {strides = array<i32>} : memref<200x128xf32, #tpu.memory_space<vmem>>, vector<1x16xf32>,
      %get3A_342 = arith.index_cast %add3A_317 : i32 to index
      %get3A_343 = arith.constant 32 : index
      %get3A_344 = tpu.vector_load %arg6[%get3A_342, %get3A_343] {strides = array<i32>} : memref<200x128xf32, #tpu.memory_space<vmem>>, vector<1x16xf32>,
      %get3A_345 = vector.shape_cast %get3A_344 : vector<1x16xf32> to vector<16xf32>
      %mul3A_346 = arith.constant 11.3137083 : f32
      %mul3A_347 = vector.broadcast %mul3A_346 : f32 to vector<16xf32>
      %mul3A_348 = arith.mulf %get3A_345, %mul3A_347 : vector<16xf32>
      %swap3A_349 = arith.index_cast %add3A_317 : i32 to index
      %swap3A_350 = arith.constant 32 : index
      %swap3A_351 = tpu.vector_load %arg8[%swap3A_349, %swap3A_350] {strides = array<i32>} : memref<200x128xf32, #tpu.memory_space<vmem>>, vector<1x16xf32>,
      %swap3A_352 = vector.shape_cast %swap3A_351 : vector<1x16xf32> to vector<16xf32>
      %swap3A_353 = vector.shape_cast %mul3A_348 : vector<16xf32> to vector<1x16xf32>
      tpu.vector_store %arg8[%swap3A_349, %swap3A_350], %swap3A_353 {strides = array<i32>} : memref<200x128xf32, #tpu.memory_space<vmem>>, vector<1x16xf32>,
      %get3A_354 = arith.index_cast %add3A_317 : i32 to index
      %get3A_355 = arith.constant 48 : index
      %get3A_356 = tpu.vector_load %arg6[%get3A_354, %get3A_355] {strides = array<i32>} : memref<200x128xf32, #tpu.memory_space<vmem>>, vector<1x16xf32>,
      %get3A_357 = vector.shape_cast %get3A_356 : vector<1x16xf32> to vector<16xf32>
      %mul3A_358 = arith.constant 11.3137083 : f32
      %mul3A_359 = vector.broadcast %mul3A_358 : f32 to vector<16xf32>
      %mul3A_360 = arith.mulf %get3A_357, %mul3A_359 : vector<16xf32>
      %swap3A_361 = arith.index_cast %add3A_317 : i32 to index
      %swap3A_362 = arith.constant 48 : index
      %swap3A_363 = tpu.vector_load %arg8[%swap3A_361, %swap3A_362] {strides = array<i32>} : memref<200x128xf32, #tpu.memory_space<vmem>>, vector<1x16xf32>,
      %swap3A_364 = vector.shape_cast %swap3A_363 : vector<1x16xf32> to vector<16xf32>
      %swap3A_365 = vector.shape_cast %mul3A_360 : vector<16xf32> to vector<1x16xf32>
      tpu.vector_store %arg8[%swap3A_361, %swap3A_362], %swap3A_365 {strides = array<i32>} : memref<200x128xf32, #tpu.memory_space<vmem>>, vector<1x16xf32>,
      %get3A_366 = arith.index_cast %add3A_317 : i32 to index
      %get3A_367 = arith.constant 64 : index
      %get3A_368 = tpu.vector_load %arg6[%get3A_366, %get3A_367] {strides = array<i32>} : memref<200x128xf32, #tpu.memory_space<vmem>>, vector<1x16xf32>,
      %get3A_369 = vector.shape_cast %get3A_368 : vector<1x16xf32> to vector<16xf32>
      %mul3A_370 = arith.constant 11.3137083 : f32
      %mul3A_371 = vector.broadcast %mul3A_370 : f32 to vector<16xf32>
      %mul3A_372 = arith.mulf %get3A_369, %mul3A_371 : vector<16xf32>
      %swap3A_373 = arith.index_cast %add3A_317 : i32 to index
      %swap3A_374 = arith.constant 64 : index
      %swap3A_375 = tpu.vector_load %arg8[%swap3A_373, %swap3A_374] {strides = array<i32>} : memref<200x128xf32, #tpu.memory_space<vmem>>, vector<1x16xf32>,
      %swap3A_376 = vector.shape_cast %swap3A_375 : vector<1x16xf32> to vector<16xf32>
      %swap3A_377 = vector.shape_cast %mul3A_372 : vector<16xf32> to vector<1x16xf32>
      tpu.vector_store %arg8[%swap3A_373, %swap3A_374], %swap3A_377 {strides = array<i32>} : memref<200x128xf32, #tpu.memory_space<vmem>>, vector<1x16xf32>,
      %get3A_378 = arith.index_cast %add3A_317 : i32 to index
      %get3A_379 = arith.constant 80 : index
      %get3A_380 = tpu.vector_load %arg6[%get3A_378, %get3A_379] {strides = array<i32>} : memref<200x128xf32, #tpu.memory_space<vmem>>, vector<1x16xf32>,
      %get3A_381 = vector.shape_cast %get3A_380 : vector<1x16xf32> to vector<16xf32>
      %mul3A_382 = arith.constant 11.3137083 : f32
      %mul3A_383 = vector.broadcast %mul3A_382 : f32 to vector<16xf32>
      %mul3A_384 = arith.mulf %get3A_381, %mul3A_383 : vector<16xf32>
      %swap3A_385 = arith.index_cast %add3A_317 : i32 to index
      %swap3A_386 = arith.constant 80 : index
      %swap3A_387 = tpu.vector_load %arg8[%swap3A_385, %swap3A_386] {strides = array<i32>} : memref<200x128xf32, #tpu.memory_space<vmem>>, vector<1x16xf32>,
      %swap3A_388 = vector.shape_cast %swap3A_387 : vector<1x16xf32> to vector<16xf32>
      %swap3A_389 = vector.shape_cast %mul3A_384 : vector<16xf32> to vector<1x16xf32>
      tpu.vector_store %arg8[%swap3A_385, %swap3A_386], %swap3A_389 {strides = array<i32>} : memref<200x128xf32, #tpu.memory_space<vmem>>, vector<1x16xf32>,
      %get3A_390 = arith.index_cast %add3A_317 : i32 to index
      %get3A_391 = arith.constant 96 : index
      %get3A_392 = tpu.vector_load %arg6[%get3A_390, %get3A_391] {strides = array<i32>} : memref<200x128xf32, #tpu.memory_space<vmem>>, vector<1x16xf32>,
      %get3A_393 = vector.shape_cast %get3A_392 : vector<1x16xf32> to vector<16xf32>
      %mul3A_394 = arith.constant 11.3137083 : f32
      %mul3A_395 = vector.broadcast %mul3A_394 : f32 to vector<16xf32>
      %mul3A_396 = arith.mulf %get3A_393, %mul3A_395 : vector<16xf32>
      %swap3A_397 = arith.index_cast %add3A_317 : i32 to index
      %swap3A_398 = arith.constant 96 : index
      %swap3A_399 = tpu.vector_load %arg8[%swap3A_397, %swap3A_398] {strides = array<i32>} : memref<200x128xf32, #tpu.memory_space<vmem>>, vector<1x16xf32>,
      %swap3A_400 = vector.shape_cast %swap3A_399 : vector<1x16xf32> to vector<16xf32>
      %swap3A_401 = vector.shape_cast %mul3A_396 : vector<16xf32> to vector<1x16xf32>
      tpu.vector_store %arg8[%swap3A_397, %swap3A_398], %swap3A_401 {strides = array<i32>} : memref<200x128xf32, #tpu.memory_space<vmem>>, vector<1x16xf32>,
      %get3A_402 = arith.index_cast %add3A_317 : i32 to index
      %get3A_403 = arith.constant 112 : index
      %get3A_404 = tpu.vector_load %arg6[%get3A_402, %get3A_403] {strides = array<i32>} : memref<200x128xf32, #tpu.memory_space<vmem>>, vector<1x16xf32>,
      %get3A_405 = vector.shape_cast %get3A_404 : vector<1x16xf32> to vector<16xf32>
      %mul3A_406 = arith.constant 11.3137083 : f32
      %mul3A_407 = vector.broadcast %mul3A_406 : f32 to vector<16xf32>
      %mul3A_408 = arith.mulf %get3A_405, %mul3A_407 : vector<16xf32>
      %swap3A_409 = arith.index_cast %add3A_317 : i32 to index
      %swap3A_410 = arith.constant 112 : index
      %swap3A_411 = tpu.vector_load %arg8[%swap3A_409, %swap3A_410] {strides = array<i32>} : memref<200x128xf32, #tpu.memory_space<vmem>>, vector<1x16xf32>,
      %swap3A_412 = vector.shape_cast %swap3A_411 : vector<1x16xf32> to vector<16xf32>
      %swap3A_413 = vector.shape_cast %mul3A_408 : vector<16xf32> to vector<1x16xf32>
      tpu.vector_store %arg8[%swap3A_409, %swap3A_410], %swap3A_413 {strides = array<i32>} : memref<200x128xf32, #tpu.memory_space<vmem>>, vector<1x16xf32>,
      %add3A_414 = arith.constant 3 : i32
      %add3A_415 = arith.addi %mul3A_121, %add3A_414 : i32
      %get3A_416 = arith.index_cast %add3A_415 : i32 to index
      %get3A_417 = arith.constant 0 : index
      %get3A_418 = tpu.vector_load %arg6[%get3A_416, %get3A_417] {strides = array<i32>} : memref<200x128xf32, #tpu.memory_space<vmem>>, vector<1x16xf32>,
      %get3A_419 = vector.shape_cast %get3A_418 : vector<1x16xf32> to vector<16xf32>
      %mul3A_420 = arith.constant 11.3137083 : f32
      %mul3A_421 = vector.broadcast %mul3A_420 : f32 to vector<16xf32>
      %mul3A_422 = arith.mulf %get3A_419, %mul3A_421 : vector<16xf32>
      %swap3A_423 = arith.index_cast %add3A_415 : i32 to index
      %swap3A_424 = arith.constant 0 : index
      %swap3A_425 = tpu.vector_load %arg8[%swap3A_423, %swap3A_424] {strides = array<i32>} : memref<200x128xf32, #tpu.memory_space<vmem>>, vector<1x16xf32>,
      %swap3A_426 = vector.shape_cast %swap3A_425 : vector<1x16xf32> to vector<16xf32>
      %swap3A_427 = vector.shape_cast %mul3A_422 : vector<16xf32> to vector<1x16xf32>
      tpu.vector_store %arg8[%swap3A_423, %swap3A_424], %swap3A_427 {strides = array<i32>} : memref<200x128xf32, #tpu.memory_space<vmem>>, vector<1x16xf32>,
      %get3A_428 = arith.index_cast %add3A_415 : i32 to index
      %get3A_429 = arith.constant 16 : index
      %get3A_430 = tpu.vector_load %arg6[%get3A_428, %get3A_429] {strides = array<i32>} : memref<200x128xf32, #tpu.memory_space<vmem>>, vector<1x16xf32>,
      %get3A_431 = vector.shape_cast %get3A_430 : vector<1x16xf32> to vector<16xf32>
      %mul3A_432 = arith.constant 11.3137083 : f32
      %mul3A_433 = vector.broadcast %mul3A_432 : f32 to vector<16xf32>
      %mul3A_434 = arith.mulf %get3A_431, %mul3A_433 : vector<16xf32>
      %swap3A_435 = arith.index_cast %add3A_415 : i32 to index
      %swap3A_436 = arith.constant 16 : index
      %swap3A_437 = tpu.vector_load %arg8[%swap3A_435, %swap3A_436] {strides = array<i32>} : memref<200x128xf32, #tpu.memory_space<vmem>>, vector<1x16xf32>,
      %swap3A_438 = vector.shape_cast %swap3A_437 : vector<1x16xf32> to vector<16xf32>
      %swap3A_439 = vector.shape_cast %mul3A_434 : vector<16xf32> to vector<1x16xf32>
      tpu.vector_store %arg8[%swap3A_435, %swap3A_436], %swap3A_439 {strides = array<i32>} : memref<200x128xf32, #tpu.memory_space<vmem>>, vector<1x16xf32>,
      %get3A_440 = arith.index_cast %add3A_415 : i32 to index
      %get3A_441 = arith.constant 32 : index
      %get3A_442 = tpu.vector_load %arg6[%get3A_440, %get3A_441] {strides = array<i32>} : memref<200x128xf32, #tpu.memory_space<vmem>>, vector<1x16xf32>,
      %get3A_443 = vector.shape_cast %get3A_442 : vector<1x16xf32> to vector<16xf32>
      %mul3A_444 = arith.constant 11.3137083 : f32
      %mul3A_445 = vector.broadcast %mul3A_444 : f32 to vector<16xf32>
      %mul3A_446 = arith.mulf %get3A_443, %mul3A_445 : vector<16xf32>
      %swap3A_447 = arith.index_cast %add3A_415 : i32 to index
      %swap3A_448 = arith.constant 32 : index
      %swap3A_449 = tpu.vector_load %arg8[%swap3A_447, %swap3A_448] {strides = array<i32>} : memref<200x128xf32, #tpu.memory_space<vmem>>, vector<1x16xf32>,
      %swap3A_450 = vector.shape_cast %swap3A_449 : vector<1x16xf32> to vector<16xf32>
      %swap3A_451 = vector.shape_cast %mul3A_446 : vector<16xf32> to vector<1x16xf32>
      tpu.vector_store %arg8[%swap3A_447, %swap3A_448], %swap3A_451 {strides = array<i32>} : memref<200x128xf32, #tpu.memory_space<vmem>>, vector<1x16xf32>,
      %get3A_452 = arith.index_cast %add3A_415 : i32 to index
      %get3A_453 = arith.constant 48 : index
      %get3A_454 = tpu.vector_load %arg6[%get3A_452, %get3A_453] {strides = array<i32>} : memref<200x128xf32, #tpu.memory_space<vmem>>, vector<1x16xf32>,
      %get3A_455 = vector.shape_cast %get3A_454 : vector<1x16xf32> to vector<16xf32>
      %mul3A_456 = arith.constant 11.3137083 : f32
      %mul3A_457 = vector.broadcast %mul3A_456 : f32 to vector<16xf32>
      %mul3A_458 = arith.mulf %get3A_455, %mul3A_457 : vector<16xf32>
      %swap3A_459 = arith.index_cast %add3A_415 : i32 to index
      %swap3A_460 = arith.constant 48 : index
      %swap3A_461 = tpu.vector_load %arg8[%swap3A_459, %swap3A_460] {strides = array<i32>} : memref<200x128xf32, #tpu.memory_space<vmem>>, vector<1x16xf32>,
      %swap3A_462 = vector.shape_cast %swap3A_461 : vector<1x16xf32> to vector<16xf32>
      %swap3A_463 = vector.shape_cast %mul3A_458 : vector<16xf32> to vector<1x16xf32>
      tpu.vector_store %arg8[%swap3A_459, %swap3A_460], %swap3A_463 {strides = array<i32>} : memref<200x128xf32, #tpu.memory_space<vmem>>, vector<1x16xf32>,
      %get3A_464 = arith.index_cast %add3A_415 : i32 to index
      %get3A_465 = arith.constant 64 : index
      %get3A_466 = tpu.vector_load %arg6[%get3A_464, %get3A_465] {strides = array<i32>} : memref<200x128xf32, #tpu.memory_space<vmem>>, vector<1x16xf32>,
      %get3A_467 = vector.shape_cast %get3A_466 : vector<1x16xf32> to vector<16xf32>
      %mul3A_468 = arith.constant 11.3137083 : f32
      %mul3A_469 = vector.broadcast %mul3A_468 : f32 to vector<16xf32>
      %mul3A_470 = arith.mulf %get3A_467, %mul3A_469 : vector<16xf32>
      %swap3A_471 = arith.index_cast %add3A_415 : i32 to index
      %swap3A_472 = arith.constant 64 : index
      %swap3A_473 = tpu.vector_load %arg8[%swap3A_471, %swap3A_472] {strides = array<i32>} : memref<200x128xf32, #tpu.memory_space<vmem>>, vector<1x16xf32>,
      %swap3A_474 = vector.shape_cast %swap3A_473 : vector<1x16xf32> to vector<16xf32>
      %swap3A_475 = vector.shape_cast %mul3A_470 : vector<16xf32> to vector<1x16xf32>
      tpu.vector_store %arg8[%swap3A_471, %swap3A_472], %swap3A_475 {strides = array<i32>} : memref<200x128xf32, #tpu.memory_space<vmem>>, vector<1x16xf32>,
      %get3A_476 = arith.index_cast %add3A_415 : i32 to index
      %get3A_477 = arith.constant 80 : index
      %get3A_478 = tpu.vector_load %arg6[%get3A_476, %get3A_477] {strides = array<i32>} : memref<200x128xf32, #tpu.memory_space<vmem>>, vector<1x16xf32>,
      %get3A_479 = vector.shape_cast %get3A_478 : vector<1x16xf32> to vector<16xf32>
      %mul3A_480 = arith.constant 11.3137083 : f32
      %mul3A_481 = vector.broadcast %mul3A_480 : f32 to vector<16xf32>
      %mul3A_482 = arith.mulf %get3A_479, %mul3A_481 : vector<16xf32>
      %swap3A_483 = arith.index_cast %add3A_415 : i32 to index
      %swap3A_484 = arith.constant 80 : index
      %swap3A_485 = tpu.vector_load %arg8[%swap3A_483, %swap3A_484] {strides = array<i32>} : memref<200x128xf32, #tpu.memory_space<vmem>>, vector<1x16xf32>,
      %swap3A_486 = vector.shape_cast %swap3A_485 : vector<1x16xf32> to vector<16xf32>
      %swap3A_487 = vector.shape_cast %mul3A_482 : vector<16xf32> to vector<1x16xf32>
      tpu.vector_store %arg8[%swap3A_483, %swap3A_484], %swap3A_487 {strides = array<i32>} : memref<200x128xf32, #tpu.memory_space<vmem>>, vector<1x16xf32>,
      %get3A_488 = arith.index_cast %add3A_415 : i32 to index
      %get3A_489 = arith.constant 96 : index
      %get3A_490 = tpu.vector_load %arg6[%get3A_488, %get3A_489] {strides = array<i32>} : memref<200x128xf32, #tpu.memory_space<vmem>>, vector<1x16xf32>,
      %get3A_491 = vector.shape_cast %get3A_490 : vector<1x16xf32> to vector<16xf32>
      %mul3A_492 = arith.constant 11.3137083 : f32
      %mul3A_493 = vector.broadcast %mul3A_492 : f32 to vector<16xf32>
      %mul3A_494 = arith.mulf %get3A_491, %mul3A_493 : vector<16xf32>
      %swap3A_495 = arith.index_cast %add3A_415 : i32 to index
      %swap3A_496 = arith.constant 96 : index
      %swap3A_497 = tpu.vector_load %arg8[%swap3A_495, %swap3A_496] {strides = array<i32>} : memref<200x128xf32, #tpu.memory_space<vmem>>, vector<1x16xf32>,
      %swap3A_498 = vector.shape_cast %swap3A_497 : vector<1x16xf32> to vector<16xf32>
      %swap3A_499 = vector.shape_cast %mul3A_494 : vector<16xf32> to vector<1x16xf32>
      tpu.vector_store %arg8[%swap3A_495, %swap3A_496], %swap3A_499 {strides = array<i32>} : memref<200x128xf32, #tpu.memory_space<vmem>>, vector<1x16xf32>,
      %get3A_500 = arith.index_cast %add3A_415 : i32 to index
      %get3A_501 = arith.constant 112 : index
      %get3A_502 = tpu.vector_load %arg6[%get3A_500, %get3A_501] {strides = array<i32>} : memref<200x128xf32, #tpu.memory_space<vmem>>, vector<1x16xf32>,
      %get3A_503 = vector.shape_cast %get3A_502 : vector<1x16xf32> to vector<16xf32>
      %mul3A_504 = arith.constant 11.3137083 : f32
      %mul3A_505 = vector.broadcast %mul3A_504 : f32 to vector<16xf32>
      %mul3A_506 = arith.mulf %get3A_503, %mul3A_505 : vector<16xf32>
      %swap3A_507 = arith.index_cast %add3A_415 : i32 to index
      %swap3A_508 = arith.constant 112 : index
      %swap3A_509 = tpu.vector_load %arg8[%swap3A_507, %swap3A_508] {strides = array<i32>} : memref<200x128xf32, #tpu.memory_space<vmem>>, vector<1x16xf32>,
      %swap3A_510 = vector.shape_cast %swap3A_509 : vector<1x16xf32> to vector<16xf32>
      %swap3A_511 = vector.shape_cast %mul3A_506 : vector<16xf32> to vector<1x16xf32>
      tpu.vector_store %arg8[%swap3A_507, %swap3A_508], %swap3A_511 {strides = array<i32>} : memref<200x128xf32, #tpu.memory_space<vmem>>, vector<1x16xf32>,
    }
    %scan3A_70 = arith.constant 50 : i32
    %multiple_of3A_71 = arith.constant 6000 : i32
    %multiple_of3A_72 = tpu.assume_multiple %multiple_of3A_71, 8 : i32
    %add3A_73 = arith.addi %mul3A_2, %multiple_of3A_72 : i32
    %dma_start3A_74 = arith.constant 0 : i32
    %dma_start3A_75 = tpu.memref_slice %arg4[%add3A_73, %dma_start3A_74] : memref<204800x128xf32, #tpu.memory_space<hbm>> -> memref<200x128xf32, #tpu.memory_space<hbm>>
    %dma_start3A_76 = arith.constant 0 : i32
    %dma_start3A_77 = tpu.memref_slice %arg4[%add3A_73, %dma_start3A_76] : memref<204800x128xf32, #tpu.memory_space<hbm>> -> memref<200x128xf32, #tpu.memory_space<hbm>>
    tpu.enqueue_dma source(%arg8 : memref<200x128xf32, #tpu.memory_space<vmem>>) target(%dma_start3A_77 : memref<200x128xf32, #tpu.memory_space<hbm>>) target_semaphore(%arg12 : memref<!tpu.dma_semaphore, #tpu.memory_space<semaphore_mem>>)
    %dma_wait3A_78 = arith.constant 0 : i32
    %dma_wait3A_79 = arith.constant 0 : i32
    %dma_wait3A_80 = tpu.memref_slice %arg7[%dma_wait3A_78, %dma_wait3A_79] : memref<200x128xf32, #tpu.memory_space<vmem>> -> memref<128x128xf32, #tpu.memory_space<vmem>>
    %dma_wait3A_81 = arith.constant 0 : i32
    %dma_wait3A_82 = tpu.memref_slice %arg5[%dma_wait3A_81] : memref<6400xi32, #tpu.memory_space<vmem>> -> memref<128xi32, #tpu.memory_space<vmem>>
    %dma_wait3A_83 = arith.constant 0 : i32
    %dma_wait3A_84 = arith.constant 0 : i32
    %dma_wait3A_85 = tpu.memref_slice %arg3[%dma_wait3A_83, %dma_wait3A_84] : memref<100000x128xf32, #tpu.memory_space<hbm>> -> memref<100000x128xf32, #tpu.memory_space<hbm>>
    tpu.wait_indirect_dma semaphore(%arg11 : memref<!tpu.dma_semaphore, #tpu.memory_space<semaphore_mem>>) src(%dma_wait3A_85 : memref<100000x128xf32, #tpu.memory_space<hbm>>) dst(%dma_wait3A_80 : memref<128x128xf32, #tpu.memory_space<vmem>>)
    %dma_wait3A_86 = arith.constant 128 : i32
    %dma_wait3A_87 = arith.constant 0 : i32
    %dma_wait3A_88 = tpu.memref_slice %arg7[%dma_wait3A_86, %dma_wait3A_87] : memref<200x128xf32, #tpu.memory_space<vmem>> -> memref<72x128xf32, #tpu.memory_space<vmem>>
    %dma_wait3A_89 = arith.constant 128 : i32
    %dma_wait3A_90 = tpu.memref_slice %arg5[%dma_wait3A_89] : memref<6400xi32, #tpu.memory_space<vmem>> -> memref<72xi32, #tpu.memory_space<vmem>>
    %dma_wait3A_91 = arith.constant 0 : i32
    %dma_wait3A_92 = arith.constant 0 : i32
    %dma_wait3A_93 = tpu.memref_slice %arg3[%dma_wait3A_91, %dma_wait3A_92] : memref<100000x128xf32, #tpu.memory_space<hbm>> -> memref<100000x128xf32, #tpu.memory_space<hbm>>
    tpu.wait_indirect_dma semaphore(%arg11 : memref<!tpu.dma_semaphore, #tpu.memory_space<semaphore_mem>>) src(%dma_wait3A_93 : memref<100000x128xf32, #tpu.memory_space<hbm>>) dst(%dma_wait3A_88 : memref<72x128xf32, #tpu.memory_space<vmem>>)
    %dma_wait3A_94 = arith.constant 0 : i32
    %dma_wait3A_95 = tpu.memref_slice %arg4[%mul3A_2, %dma_wait3A_94] : memref<204800x128xf32, #tpu.memory_space<hbm>> -> memref<200x128xf32, #tpu.memory_space<hbm>>
    %dma_wait3A_96 = arith.constant 0 : i32
    %dma_wait3A_97 = tpu.memref_slice %arg4[%mul3A_2, %dma_wait3A_96] : memref<204800x128xf32, #tpu.memory_space<hbm>> -> memref<200x128xf32, #tpu.memory_space<hbm>>
    tpu.wait_dma2 semaphore(%arg13 : memref<!tpu.dma_semaphore, #tpu.memory_space<semaphore_mem>>) src(%arg9 : memref<200x128xf32, #tpu.memory_space<vmem>>) dst(%dma_wait3A_97 : memref<200x128xf32, #tpu.memory_space<hbm>>)
    %scan3A_98 = arith.constant 0 : i32
    %scan3A_99 = arith.constant 0 : i32
    %scan3A_100 = arith.constant 50 : i32
    %scan3A_101 = arith.addi %scan3A_99, %scan3A_100 : i32
    %scan3A_102 = arith.constant 1 : i32
    scf.for %scan3A_119 = %scan3A_99 to %scan3A_101 step %scan3A_102  : i32 {
      %mul3A_120 = arith.constant 4 : i32
      %mul3A_121 = arith.muli %scan3A_119, %mul3A_120 : i32
      %add3A_122 = arith.constant 0 : i32
      %add3A_123 = arith.addi %mul3A_121, %add3A_122 : i32
      %get3A = arith.index_cast %add3A_123 : i32 to index
      %get3A_124 = arith.constant 0 : index
      %get3A_125 = tpu.vector_load %arg7[%get3A, %get3A_124] {strides = array<i32>} : memref<200x128xf32, #tpu.memory_space<vmem>>, vector<1x16xf32>,
      %get3A_126 = vector.shape_cast %get3A_125 : vector<1x16xf32> to vector<16xf32>
      %mul3A_127 = arith.constant 11.3137083 : f32
      %mul3A_128 = vector.broadcast %mul3A_127 : f32 to vector<16xf32>
      %mul3A_129 = arith.mulf %get3A_126, %mul3A_128 : vector<16xf32>
      %swap3A = arith.index_cast %add3A_123 : i32 to index
      %swap3A_130 = arith.constant 0 : index
      %swap3A_131 = tpu.vector_load %arg9[%swap3A, %swap3A_130] {strides = array<i32>} : memref<200x128xf32, #tpu.memory_space<vmem>>, vector<1x16xf32>,
      %swap3A_132 = vector.shape_cast %swap3A_131 : vector<1x16xf32> to vector<16xf32>
      %swap3A_133 = vector.shape_cast %mul3A_129 : vector<16xf32> to vector<1x16xf32>
      tpu.vector_store %arg9[%swap3A, %swap3A_130], %swap3A_133 {strides = array<i32>} : memref<200x128xf32, #tpu.memory_space<vmem>>, vector<1x16xf32>,
      %get3A_134 = arith.index_cast %add3A_123 : i32 to index
      %get3A_135 = arith.constant 16 : index
      %get3A_136 = tpu.vector_load %arg7[%get3A_134, %get3A_135] {strides = array<i32>} : memref<200x128xf32, #tpu.memory_space<vmem>>, vector<1x16xf32>,
      %get3A_137 = vector.shape_cast %get3A_136 : vector<1x16xf32> to vector<16xf32>
      %mul3A_138 = arith.constant 11.3137083 : f32
      %mul3A_139 = vector.broadcast %mul3A_138 : f32 to vector<16xf32>
      %mul3A_140 = arith.mulf %get3A_137, %mul3A_139 : vector<16xf32>
      %swap3A_141 = arith.index_cast %add3A_123 : i32 to index
      %swap3A_142 = arith.constant 16 : index
      %swap3A_143 = tpu.vector_load %arg9[%swap3A_141, %swap3A_142] {strides = array<i32>} : memref<200x128xf32, #tpu.memory_space<vmem>>, vector<1x16xf32>,
      %swap3A_144 = vector.shape_cast %swap3A_143 : vector<1x16xf32> to vector<16xf32>
      %swap3A_145 = vector.shape_cast %mul3A_140 : vector<16xf32> to vector<1x16xf32>
      tpu.vector_store %arg9[%swap3A_141, %swap3A_142], %swap3A_145 {strides = array<i32>} : memref<200x128xf32, #tpu.memory_space<vmem>>, vector<1x16xf32>,
      %get3A_146 = arith.index_cast %add3A_123 : i32 to index
      %get3A_147 = arith.constant 32 : index
      %get3A_148 = tpu.vector_load %arg7[%get3A_146, %get3A_147] {strides = array<i32>} : memref<200x128xf32, #tpu.memory_space<vmem>>, vector<1x16xf32>,
      %get3A_149 = vector.shape_cast %get3A_148 : vector<1x16xf32> to vector<16xf32>
      %mul3A_150 = arith.constant 11.3137083 : f32
      %mul3A_151 = vector.broadcast %mul3A_150 : f32 to vector<16xf32>
      %mul3A_152 = arith.mulf %get3A_149, %mul3A_151 : vector<16xf32>
      %swap3A_153 = arith.index_cast %add3A_123 : i32 to index
      %swap3A_154 = arith.constant 32 : index
      %swap3A_155 = tpu.vector_load %arg9[%swap3A_153, %swap3A_154] {strides = array<i32>} : memref<200x128xf32, #tpu.memory_space<vmem>>, vector<1x16xf32>,
      %swap3A_156 = vector.shape_cast %swap3A_155 : vector<1x16xf32> to vector<16xf32>
      %swap3A_157 = vector.shape_cast %mul3A_152 : vector<16xf32> to vector<1x16xf32>
      tpu.vector_store %arg9[%swap3A_153, %swap3A_154], %swap3A_157 {strides = array<i32>} : memref<200x128xf32, #tpu.memory_space<vmem>>, vector<1x16xf32>,
      %get3A_158 = arith.index_cast %add3A_123 : i32 to index
      %get3A_159 = arith.constant 48 : index
      %get3A_160 = tpu.vector_load %arg7[%get3A_158, %get3A_159] {strides = array<i32>} : memref<200x128xf32, #tpu.memory_space<vmem>>, vector<1x16xf32>,
      %get3A_161 = vector.shape_cast %get3A_160 : vector<1x16xf32> to vector<16xf32>
      %mul3A_162 = arith.constant 11.3137083 : f32
      %mul3A_163 = vector.broadcast %mul3A_162 : f32 to vector<16xf32>
      %mul3A_164 = arith.mulf %get3A_161, %mul3A_163 : vector<16xf32>
      %swap3A_165 = arith.index_cast %add3A_123 : i32 to index
      %swap3A_166 = arith.constant 48 : index
      %swap3A_167 = tpu.vector_load %arg9[%swap3A_165, %swap3A_166] {strides = array<i32>} : memref<200x128xf32, #tpu.memory_space<vmem>>, vector<1x16xf32>,
      %swap3A_168 = vector.shape_cast %swap3A_167 : vector<1x16xf32> to vector<16xf32>
      %swap3A_169 = vector.shape_cast %mul3A_164 : vector<16xf32> to vector<1x16xf32>
      tpu.vector_store %arg9[%swap3A_165, %swap3A_166], %swap3A_169 {strides = array<i32>} : memref<200x128xf32, #tpu.memory_space<vmem>>, vector<1x16xf32>,
      %get3A_170 = arith.index_cast %add3A_123 : i32 to index
      %get3A_171 = arith.constant 64 : index
      %get3A_172 = tpu.vector_load %arg7[%get3A_170, %get3A_171] {strides = array<i32>} : memref<200x128xf32, #tpu.memory_space<vmem>>, vector<1x16xf32>,
      %get3A_173 = vector.shape_cast %get3A_172 : vector<1x16xf32> to vector<16xf32>
      %mul3A_174 = arith.constant 11.3137083 : f32
      %mul3A_175 = vector.broadcast %mul3A_174 : f32 to vector<16xf32>
      %mul3A_176 = arith.mulf %get3A_173, %mul3A_175 : vector<16xf32>
      %swap3A_177 = arith.index_cast %add3A_123 : i32 to index
      %swap3A_178 = arith.constant 64 : index
      %swap3A_179 = tpu.vector_load %arg9[%swap3A_177, %swap3A_178] {strides = array<i32>} : memref<200x128xf32, #tpu.memory_space<vmem>>, vector<1x16xf32>,
      %swap3A_180 = vector.shape_cast %swap3A_179 : vector<1x16xf32> to vector<16xf32>
      %swap3A_181 = vector.shape_cast %mul3A_176 : vector<16xf32> to vector<1x16xf32>
      tpu.vector_store %arg9[%swap3A_177, %swap3A_178], %swap3A_181 {strides = array<i32>} : memref<200x128xf32, #tpu.memory_space<vmem>>, vector<1x16xf32>,
      %get3A_182 = arith.index_cast %add3A_123 : i32 to index
      %get3A_183 = arith.constant 80 : index
      %get3A_184 = tpu.vector_load %arg7[%get3A_182, %get3A_183] {strides = array<i32>} : memref<200x128xf32, #tpu.memory_space<vmem>>, vector<1x16xf32>,
      %get3A_185 = vector.shape_cast %get3A_184 : vector<1x16xf32> to vector<16xf32>
      %mul3A_186 = arith.constant 11.3137083 : f32
      %mul3A_187 = vector.broadcast %mul3A_186 : f32 to vector<16xf32>
      %mul3A_188 = arith.mulf %get3A_185, %mul3A_187 : vector<16xf32>
      %swap3A_189 = arith.index_cast %add3A_123 : i32 to index
      %swap3A_190 = arith.constant 80 : index
      %swap3A_191 = tpu.vector_load %arg9[%swap3A_189, %swap3A_190] {strides = array<i32>} : memref<200x128xf32, #tpu.memory_space<vmem>>, vector<1x16xf32>,
      %swap3A_192 = vector.shape_cast %swap3A_191 : vector<1x16xf32> to vector<16xf32>
      %swap3A_193 = vector.shape_cast %mul3A_188 : vector<16xf32> to vector<1x16xf32>
      tpu.vector_store %arg9[%swap3A_189, %swap3A_190], %swap3A_193 {strides = array<i32>} : memref<200x128xf32, #tpu.memory_space<vmem>>, vector<1x16xf32>,
      %get3A_194 = arith.index_cast %add3A_123 : i32 to index
      %get3A_195 = arith.constant 96 : index
      %get3A_196 = tpu.vector_load %arg7[%get3A_194, %get3A_195] {strides = array<i32>} : memref<200x128xf32, #tpu.memory_space<vmem>>, vector<1x16xf32>,
      %get3A_197 = vector.shape_cast %get3A_196 : vector<1x16xf32> to vector<16xf32>
      %mul3A_198 = arith.constant 11.3137083 : f32
      %mul3A_199 = vector.broadcast %mul3A_198 : f32 to vector<16xf32>
      %mul3A_200 = arith.mulf %get3A_197, %mul3A_199 : vector<16xf32>
      %swap3A_201 = arith.index_cast %add3A_123 : i32 to index
      %swap3A_202 = arith.constant 96 : index
      %swap3A_203 = tpu.vector_load %arg9[%swap3A_201, %swap3A_202] {strides = array<i32>} : memref<200x128xf32, #tpu.memory_space<vmem>>, vector<1x16xf32>,
      %swap3A_204 = vector.shape_cast %swap3A_203 : vector<1x16xf32> to vector<16xf32>
      %swap3A_205 = vector.shape_cast %mul3A_200 : vector<16xf32> to vector<1x16xf32>
      tpu.vector_store %arg9[%swap3A_201, %swap3A_202], %swap3A_205 {strides = array<i32>} : memref<200x128xf32, #tpu.memory_space<vmem>>, vector<1x16xf32>,
      %get3A_206 = arith.index_cast %add3A_123 : i32 to index
      %get3A_207 = arith.constant 112 : index
      %get3A_208 = tpu.vector_load %arg7[%get3A_206, %get3A_207] {strides = array<i32>} : memref<200x128xf32, #tpu.memory_space<vmem>>, vector<1x16xf32>,
      %get3A_209 = vector.shape_cast %get3A_208 : vector<1x16xf32> to vector<16xf32>
      %mul3A_210 = arith.constant 11.3137083 : f32
      %mul3A_211 = vector.broadcast %mul3A_210 : f32 to vector<16xf32>
      %mul3A_212 = arith.mulf %get3A_209, %mul3A_211 : vector<16xf32>
      %swap3A_213 = arith.index_cast %add3A_123 : i32 to index
      %swap3A_214 = arith.constant 112 : index
      %swap3A_215 = tpu.vector_load %arg9[%swap3A_213, %swap3A_214] {strides = array<i32>} : memref<200x128xf32, #tpu.memory_space<vmem>>, vector<1x16xf32>,
      %swap3A_216 = vector.shape_cast %swap3A_215 : vector<1x16xf32> to vector<16xf32>
      %swap3A_217 = vector.shape_cast %mul3A_212 : vector<16xf32> to vector<1x16xf32>
      tpu.vector_store %arg9[%swap3A_213, %swap3A_214], %swap3A_217 {strides = array<i32>} : memref<200x128xf32, #tpu.memory_space<vmem>>, vector<1x16xf32>,
      %add3A_218 = arith.constant 1 : i32
      %add3A_219 = arith.addi %mul3A_121, %add3A_218 : i32
      %get3A_220 = arith.index_cast %add3A_219 : i32 to index
      %get3A_221 = arith.constant 0 : index
      %get3A_222 = tpu.vector_load %arg7[%get3A_220, %get3A_221] {strides = array<i32>} : memref<200x128xf32, #tpu.memory_space<vmem>>, vector<1x16xf32>,
      %get3A_223 = vector.shape_cast %get3A_222 : vector<1x16xf32> to vector<16xf32>
      %mul3A_224 = arith.constant 11.3137083 : f32
      %mul3A_225 = vector.broadcast %mul3A_224 : f32 to vector<16xf32>
      %mul3A_226 = arith.mulf %get3A_223, %mul3A_225 : vector<16xf32>
      %swap3A_227 = arith.index_cast %add3A_219 : i32 to index
      %swap3A_228 = arith.constant 0 : index
      %swap3A_229 = tpu.vector_load %arg9[%swap3A_227, %swap3A_228] {strides = array<i32>} : memref<200x128xf32, #tpu.memory_space<vmem>>, vector<1x16xf32>,
      %swap3A_230 = vector.shape_cast %swap3A_229 : vector<1x16xf32> to vector<16xf32>
      %swap3A_231 = vector.shape_cast %mul3A_226 : vector<16xf32> to vector<1x16xf32>
      tpu.vector_store %arg9[%swap3A_227, %swap3A_228], %swap3A_231 {strides = array<i32>} : memref<200x128xf32, #tpu.memory_space<vmem>>, vector<1x16xf32>,
      %get3A_232 = arith.index_cast %add3A_219 : i32 to index
      %get3A_233 = arith.constant 16 : index
      %get3A_234 = tpu.vector_load %arg7[%get3A_232, %get3A_233] {strides = array<i32>} : memref<200x128xf32, #tpu.memory_space<vmem>>, vector<1x16xf32>,
      %get3A_235 = vector.shape_cast %get3A_234 : vector<1x16xf32> to vector<16xf32>
      %mul3A_236 = arith.constant 11.3137083 : f32
      %mul3A_237 = vector.broadcast %mul3A_236 : f32 to vector<16xf32>
      %mul3A_238 = arith.mulf %get3A_235, %mul3A_237 : vector<16xf32>
      %swap3A_239 = arith.index_cast %add3A_219 : i32 to index
      %swap3A_240 = arith.constant 16 : index
      %swap3A_241 = tpu.vector_load %arg9[%swap3A_239, %swap3A_240] {strides = array<i32>} : memref<200x128xf32, #tpu.memory_space<vmem>>, vector<1x16xf32>,
      %swap3A_242 = vector.shape_cast %swap3A_241 : vector<1x16xf32> to vector<16xf32>
      %swap3A_243 = vector.shape_cast %mul3A_238 : vector<16xf32> to vector<1x16xf32>
      tpu.vector_store %arg9[%swap3A_239, %swap3A_240], %swap3A_243 {strides = array<i32>} : memref<200x128xf32, #tpu.memory_space<vmem>>, vector<1x16xf32>,
      %get3A_244 = arith.index_cast %add3A_219 : i32 to index
      %get3A_245 = arith.constant 32 : index
      %get3A_246 = tpu.vector_load %arg7[%get3A_244, %get3A_245] {strides = array<i32>} : memref<200x128xf32, #tpu.memory_space<vmem>>, vector<1x16xf32>,
      %get3A_247 = vector.shape_cast %get3A_246 : vector<1x16xf32> to vector<16xf32>
      %mul3A_248 = arith.constant 11.3137083 : f32
      %mul3A_249 = vector.broadcast %mul3A_248 : f32 to vector<16xf32>
      %mul3A_250 = arith.mulf %get3A_247, %mul3A_249 : vector<16xf32>
      %swap3A_251 = arith.index_cast %add3A_219 : i32 to index
      %swap3A_252 = arith.constant 32 : index
      %swap3A_253 = tpu.vector_load %arg9[%swap3A_251, %swap3A_252] {strides = array<i32>} : memref<200x128xf32, #tpu.memory_space<vmem>>, vector<1x16xf32>,
      %swap3A_254 = vector.shape_cast %swap3A_253 : vector<1x16xf32> to vector<16xf32>
      %swap3A_255 = vector.shape_cast %mul3A_250 : vector<16xf32> to vector<1x16xf32>
      tpu.vector_store %arg9[%swap3A_251, %swap3A_252], %swap3A_255 {strides = array<i32>} : memref<200x128xf32, #tpu.memory_space<vmem>>, vector<1x16xf32>,
      %get3A_256 = arith.index_cast %add3A_219 : i32 to index
      %get3A_257 = arith.constant 48 : index
      %get3A_258 = tpu.vector_load %arg7[%get3A_256, %get3A_257] {strides = array<i32>} : memref<200x128xf32, #tpu.memory_space<vmem>>, vector<1x16xf32>,
      %get3A_259 = vector.shape_cast %get3A_258 : vector<1x16xf32> to vector<16xf32>
      %mul3A_260 = arith.constant 11.3137083 : f32
      %mul3A_261 = vector.broadcast %mul3A_260 : f32 to vector<16xf32>
      %mul3A_262 = arith.mulf %get3A_259, %mul3A_261 : vector<16xf32>
      %swap3A_263 = arith.index_cast %add3A_219 : i32 to index
      %swap3A_264 = arith.constant 48 : index
      %swap3A_265 = tpu.vector_load %arg9[%swap3A_263, %swap3A_264] {strides = array<i32>} : memref<200x128xf32, #tpu.memory_space<vmem>>, vector<1x16xf32>,
      %swap3A_266 = vector.shape_cast %swap3A_265 : vector<1x16xf32> to vector<16xf32>
      %swap3A_267 = vector.shape_cast %mul3A_262 : vector<16xf32> to vector<1x16xf32>
      tpu.vector_store %arg9[%swap3A_263, %swap3A_264], %swap3A_267 {strides = array<i32>} : memref<200x128xf32, #tpu.memory_space<vmem>>, vector<1x16xf32>,
      %get3A_268 = arith.index_cast %add3A_219 : i32 to index
      %get3A_269 = arith.constant 64 : index
      %get3A_270 = tpu.vector_load %arg7[%get3A_268, %get3A_269] {strides = array<i32>} : memref<200x128xf32, #tpu.memory_space<vmem>>, vector<1x16xf32>,
      %get3A_271 = vector.shape_cast %get3A_270 : vector<1x16xf32> to vector<16xf32>
      %mul3A_272 = arith.constant 11.3137083 : f32
      %mul3A_273 = vector.broadcast %mul3A_272 : f32 to vector<16xf32>
      %mul3A_274 = arith.mulf %get3A_271, %mul3A_273 : vector<16xf32>
      %swap3A_275 = arith.index_cast %add3A_219 : i32 to index
      %swap3A_276 = arith.constant 64 : index
      %swap3A_277 = tpu.vector_load %arg9[%swap3A_275, %swap3A_276] {strides = array<i32>} : memref<200x128xf32, #tpu.memory_space<vmem>>, vector<1x16xf32>,
      %swap3A_278 = vector.shape_cast %swap3A_277 : vector<1x16xf32> to vector<16xf32>
      %swap3A_279 = vector.shape_cast %mul3A_274 : vector<16xf32> to vector<1x16xf32>
      tpu.vector_store %arg9[%swap3A_275, %swap3A_276], %swap3A_279 {strides = array<i32>} : memref<200x128xf32, #tpu.memory_space<vmem>>, vector<1x16xf32>,
      %get3A_280 = arith.index_cast %add3A_219 : i32 to index
      %get3A_281 = arith.constant 80 : index
      %get3A_282 = tpu.vector_load %arg7[%get3A_280, %get3A_281] {strides = array<i32>} : memref<200x128xf32, #tpu.memory_space<vmem>>, vector<1x16xf32>,
      %get3A_283 = vector.shape_cast %get3A_282 : vector<1x16xf32> to vector<16xf32>
      %mul3A_284 = arith.constant 11.3137083 : f32
      %mul3A_285 = vector.broadcast %mul3A_284 : f32 to vector<16xf32>
      %mul3A_286 = arith.mulf %get3A_283, %mul3A_285 : vector<16xf32>
      %swap3A_287 = arith.index_cast %add3A_219 : i32 to index
      %swap3A_288 = arith.constant 80 : index
      %swap3A_289 = tpu.vector_load %arg9[%swap3A_287, %swap3A_288] {strides = array<i32>} : memref<200x128xf32, #tpu.memory_space<vmem>>, vector<1x16xf32>,
      %swap3A_290 = vector.shape_cast %swap3A_289 : vector<1x16xf32> to vector<16xf32>
      %swap3A_291 = vector.shape_cast %mul3A_286 : vector<16xf32> to vector<1x16xf32>
      tpu.vector_store %arg9[%swap3A_287, %swap3A_288], %swap3A_291 {strides = array<i32>} : memref<200x128xf32, #tpu.memory_space<vmem>>, vector<1x16xf32>,
      %get3A_292 = arith.index_cast %add3A_219 : i32 to index
      %get3A_293 = arith.constant 96 : index
      %get3A_294 = tpu.vector_load %arg7[%get3A_292, %get3A_293] {strides = array<i32>} : memref<200x128xf32, #tpu.memory_space<vmem>>, vector<1x16xf32>,
      %get3A_295 = vector.shape_cast %get3A_294 : vector<1x16xf32> to vector<16xf32>
      %mul3A_296 = arith.constant 11.3137083 : f32
      %mul3A_297 = vector.broadcast %mul3A_296 : f32 to vector<16xf32>
      %mul3A_298 = arith.mulf %get3A_295, %mul3A_297 : vector<16xf32>
      %swap3A_299 = arith.index_cast %add3A_219 : i32 to index
      %swap3A_300 = arith.constant 96 : index
      %swap3A_301 = tpu.vector_load %arg9[%swap3A_299, %swap3A_300] {strides = array<i32>} : memref<200x128xf32, #tpu.memory_space<vmem>>, vector<1x16xf32>,
      %swap3A_302 = vector.shape_cast %swap3A_301 : vector<1x16xf32> to vector<16xf32>
      %swap3A_303 = vector.shape_cast %mul3A_298 : vector<16xf32> to vector<1x16xf32>
      tpu.vector_store %arg9[%swap3A_299, %swap3A_300], %swap3A_303 {strides = array<i32>} : memref<200x128xf32, #tpu.memory_space<vmem>>, vector<1x16xf32>,
      %get3A_304 = arith.index_cast %add3A_219 : i32 to index
      %get3A_305 = arith.constant 112 : index
      %get3A_306 = tpu.vector_load %arg7[%get3A_304, %get3A_305] {strides = array<i32>} : memref<200x128xf32, #tpu.memory_space<vmem>>, vector<1x16xf32>,
      %get3A_307 = vector.shape_cast %get3A_306 : vector<1x16xf32> to vector<16xf32>
      %mul3A_308 = arith.constant 11.3137083 : f32
      %mul3A_309 = vector.broadcast %mul3A_308 : f32 to vector<16xf32>
      %mul3A_310 = arith.mulf %get3A_307, %mul3A_309 : vector<16xf32>
      %swap3A_311 = arith.index_cast %add3A_219 : i32 to index
      %swap3A_312 = arith.constant 112 : index
      %swap3A_313 = tpu.vector_load %arg9[%swap3A_311, %swap3A_312] {strides = array<i32>} : memref<200x128xf32, #tpu.memory_space<vmem>>, vector<1x16xf32>,
      %swap3A_314 = vector.shape_cast %swap3A_313 : vector<1x16xf32> to vector<16xf32>
      %swap3A_315 = vector.shape_cast %mul3A_310 : vector<16xf32> to vector<1x16xf32>
      tpu.vector_store %arg9[%swap3A_311, %swap3A_312], %swap3A_315 {strides = array<i32>} : memref<200x128xf32, #tpu.memory_space<vmem>>, vector<1x16xf32>,
      %add3A_316 = arith.constant 2 : i32
      %add3A_317 = arith.addi %mul3A_121, %add3A_316 : i32
      %get3A_318 = arith.index_cast %add3A_317 : i32 to index
      %get3A_319 = arith.constant 0 : index
      %get3A_320 = tpu.vector_load %arg7[%get3A_318, %get3A_319] {strides = array<i32>} : memref<200x128xf32, #tpu.memory_space<vmem>>, vector<1x16xf32>,
      %get3A_321 = vector.shape_cast %get3A_320 : vector<1x16xf32> to vector<16xf32>
      %mul3A_322 = arith.constant 11.3137083 : f32
      %mul3A_323 = vector.broadcast %mul3A_322 : f32 to vector<16xf32>
      %mul3A_324 = arith.mulf %get3A_321, %mul3A_323 : vector<16xf32>
      %swap3A_325 = arith.index_cast %add3A_317 : i32 to index
      %swap3A_326 = arith.constant 0 : index
      %swap3A_327 = tpu.vector_load %arg9[%swap3A_325, %swap3A_326] {strides = array<i32>} : memref<200x128xf32, #tpu.memory_space<vmem>>, vector<1x16xf32>,
      %swap3A_328 = vector.shape_cast %swap3A_327 : vector<1x16xf32> to vector<16xf32>
      %swap3A_329 = vector.shape_cast %mul3A_324 : vector<16xf32> to vector<1x16xf32>
      tpu.vector_store %arg9[%swap3A_325, %swap3A_326], %swap3A_329 {strides = array<i32>} : memref<200x128xf32, #tpu.memory_space<vmem>>, vector<1x16xf32>,
      %get3A_330 = arith.index_cast %add3A_317 : i32 to index
      %get3A_331 = arith.constant 16 : index
      %get3A_332 = tpu.vector_load %arg7[%get3A_330, %get3A_331] {strides = array<i32>} : memref<200x128xf32, #tpu.memory_space<vmem>>, vector<1x16xf32>,
      %get3A_333 = vector.shape_cast %get3A_332 : vector<1x16xf32> to vector<16xf32>
      %mul3A_334 = arith.constant 11.3137083 : f32
      %mul3A_335 = vector.broadcast %mul3A_334 : f32 to vector<16xf32>
      %mul3A_336 = arith.mulf %get3A_333, %mul3A_335 : vector<16xf32>
      %swap3A_337 = arith.index_cast %add3A_317 : i32 to index
      %swap3A_338 = arith.constant 16 : index
      %swap3A_339 = tpu.vector_load %arg9[%swap3A_337, %swap3A_338] {strides = array<i32>} : memref<200x128xf32, #tpu.memory_space<vmem>>, vector<1x16xf32>,
      %swap3A_340 = vector.shape_cast %swap3A_339 : vector<1x16xf32> to vector<16xf32>
      %swap3A_341 = vector.shape_cast %mul3A_336 : vector<16xf32> to vector<1x16xf32>
      tpu.vector_store %arg9[%swap3A_337, %swap3A_338], %swap3A_341 {strides = array<i32>} : memref<200x128xf32, #tpu.memory_space<vmem>>, vector<1x16xf32>,
      %get3A_342 = arith.index_cast %add3A_317 : i32 to index
      %get3A_343 = arith.constant 32 : index
      %get3A_344 = tpu.vector_load %arg7[%get3A_342, %get3A_343] {strides = array<i32>} : memref<200x128xf32, #tpu.memory_space<vmem>>, vector<1x16xf32>,
      %get3A_345 = vector.shape_cast %get3A_344 : vector<1x16xf32> to vector<16xf32>
      %mul3A_346 = arith.constant 11.3137083 : f32
      %mul3A_347 = vector.broadcast %mul3A_346 : f32 to vector<16xf32>
      %mul3A_348 = arith.mulf %get3A_345, %mul3A_347 : vector<16xf32>
      %swap3A_349 = arith.index_cast %add3A_317 : i32 to index
      %swap3A_350 = arith.constant 32 : index
      %swap3A_351 = tpu.vector_load %arg9[%swap3A_349, %swap3A_350] {strides = array<i32>} : memref<200x128xf32, #tpu.memory_space<vmem>>, vector<1x16xf32>,
      %swap3A_352 = vector.shape_cast %swap3A_351 : vector<1x16xf32> to vector<16xf32>
      %swap3A_353 = vector.shape_cast %mul3A_348 : vector<16xf32> to vector<1x16xf32>
      tpu.vector_store %arg9[%swap3A_349, %swap3A_350], %swap3A_353 {strides = array<i32>} : memref<200x128xf32, #tpu.memory_space<vmem>>, vector<1x16xf32>,
      %get3A_354 = arith.index_cast %add3A_317 : i32 to index
      %get3A_355 = arith.constant 48 : index
      %get3A_356 = tpu.vector_load %arg7[%get3A_354, %get3A_355] {strides = array<i32>} : memref<200x128xf32, #tpu.memory_space<vmem>>, vector<1x16xf32>,
      %get3A_357 = vector.shape_cast %get3A_356 : vector<1x16xf32> to vector<16xf32>
      %mul3A_358 = arith.constant 11.3137083 : f32
      %mul3A_359 = vector.broadcast %mul3A_358 : f32 to vector<16xf32>
      %mul3A_360 = arith.mulf %get3A_357, %mul3A_359 : vector<16xf32>
      %swap3A_361 = arith.index_cast %add3A_317 : i32 to index
      %swap3A_362 = arith.constant 48 : index
      %swap3A_363 = tpu.vector_load %arg9[%swap3A_361, %swap3A_362] {strides = array<i32>} : memref<200x128xf32, #tpu.memory_space<vmem>>, vector<1x16xf32>,
      %swap3A_364 = vector.shape_cast %swap3A_363 : vector<1x16xf32> to vector<16xf32>
      %swap3A_365 = vector.shape_cast %mul3A_360 : vector<16xf32> to vector<1x16xf32>
      tpu.vector_store %arg9[%swap3A_361, %swap3A_362], %swap3A_365 {strides = array<i32>} : memref<200x128xf32, #tpu.memory_space<vmem>>, vector<1x16xf32>,
      %get3A_366 = arith.index_cast %add3A_317 : i32 to index
      %get3A_367 = arith.constant 64 : index
      %get3A_368 = tpu.vector_load %arg7[%get3A_366, %get3A_367] {strides = array<i32>} : memref<200x128xf32, #tpu.memory_space<vmem>>, vector<1x16xf32>,
      %get3A_369 = vector.shape_cast %get3A_368 : vector<1x16xf32> to vector<16xf32>
      %mul3A_370 = arith.constant 11.3137083 : f32
      %mul3A_371 = vector.broadcast %mul3A_370 : f32 to vector<16xf32>
      %mul3A_372 = arith.mulf %get3A_369, %mul3A_371 : vector<16xf32>
      %swap3A_373 = arith.index_cast %add3A_317 : i32 to index
      %swap3A_374 = arith.constant 64 : index
      %swap3A_375 = tpu.vector_load %arg9[%swap3A_373, %swap3A_374] {strides = array<i32>} : memref<200x128xf32, #tpu.memory_space<vmem>>, vector<1x16xf32>,
      %swap3A_376 = vector.shape_cast %swap3A_375 : vector<1x16xf32> to vector<16xf32>
      %swap3A_377 = vector.shape_cast %mul3A_372 : vector<16xf32> to vector<1x16xf32>
      tpu.vector_store %arg9[%swap3A_373, %swap3A_374], %swap3A_377 {strides = array<i32>} : memref<200x128xf32, #tpu.memory_space<vmem>>, vector<1x16xf32>,
      %get3A_378 = arith.index_cast %add3A_317 : i32 to index
      %get3A_379 = arith.constant 80 : index
      %get3A_380 = tpu.vector_load %arg7[%get3A_378, %get3A_379] {strides = array<i32>} : memref<200x128xf32, #tpu.memory_space<vmem>>, vector<1x16xf32>,
      %get3A_381 = vector.shape_cast %get3A_380 : vector<1x16xf32> to vector<16xf32>
      %mul3A_382 = arith.constant 11.3137083 : f32
      %mul3A_383 = vector.broadcast %mul3A_382 : f32 to vector<16xf32>
      %mul3A_384 = arith.mulf %get3A_381, %mul3A_383 : vector<16xf32>
      %swap3A_385 = arith.index_cast %add3A_317 : i32 to index
      %swap3A_386 = arith.constant 80 : index
      %swap3A_387 = tpu.vector_load %arg9[%swap3A_385, %swap3A_386] {strides = array<i32>} : memref<200x128xf32, #tpu.memory_space<vmem>>, vector<1x16xf32>,
      %swap3A_388 = vector.shape_cast %swap3A_387 : vector<1x16xf32> to vector<16xf32>
      %swap3A_389 = vector.shape_cast %mul3A_384 : vector<16xf32> to vector<1x16xf32>
      tpu.vector_store %arg9[%swap3A_385, %swap3A_386], %swap3A_389 {strides = array<i32>} : memref<200x128xf32, #tpu.memory_space<vmem>>, vector<1x16xf32>,
      %get3A_390 = arith.index_cast %add3A_317 : i32 to index
      %get3A_391 = arith.constant 96 : index
      %get3A_392 = tpu.vector_load %arg7[%get3A_390, %get3A_391] {strides = array<i32>} : memref<200x128xf32, #tpu.memory_space<vmem>>, vector<1x16xf32>,
      %get3A_393 = vector.shape_cast %get3A_392 : vector<1x16xf32> to vector<16xf32>
      %mul3A_394 = arith.constant 11.3137083 : f32
      %mul3A_395 = vector.broadcast %mul3A_394 : f32 to vector<16xf32>
      %mul3A_396 = arith.mulf %get3A_393, %mul3A_395 : vector<16xf32>
      %swap3A_397 = arith.index_cast %add3A_317 : i32 to index
      %swap3A_398 = arith.constant 96 : index
      %swap3A_399 = tpu.vector_load %arg9[%swap3A_397, %swap3A_398] {strides = array<i32>} : memref<200x128xf32, #tpu.memory_space<vmem>>, vector<1x16xf32>,
      %swap3A_400 = vector.shape_cast %swap3A_399 : vector<1x16xf32> to vector<16xf32>
      %swap3A_401 = vector.shape_cast %mul3A_396 : vector<16xf32> to vector<1x16xf32>
      tpu.vector_store %arg9[%swap3A_397, %swap3A_398], %swap3A_401 {strides = array<i32>} : memref<200x128xf32, #tpu.memory_space<vmem>>, vector<1x16xf32>,
      %get3A_402 = arith.index_cast %add3A_317 : i32 to index
      %get3A_403 = arith.constant 112 : index
      %get3A_404 = tpu.vector_load %arg7[%get3A_402, %get3A_403] {strides = array<i32>} : memref<200x128xf32, #tpu.memory_space<vmem>>, vector<1x16xf32>,
      %get3A_405 = vector.shape_cast %get3A_404 : vector<1x16xf32> to vector<16xf32>
      %mul3A_406 = arith.constant 11.3137083 : f32
      %mul3A_407 = vector.broadcast %mul3A_406 : f32 to vector<16xf32>
      %mul3A_408 = arith.mulf %get3A_405, %mul3A_407 : vector<16xf32>
      %swap3A_409 = arith.index_cast %add3A_317 : i32 to index
      %swap3A_410 = arith.constant 112 : index
      %swap3A_411 = tpu.vector_load %arg9[%swap3A_409, %swap3A_410] {strides = array<i32>} : memref<200x128xf32, #tpu.memory_space<vmem>>, vector<1x16xf32>,
      %swap3A_412 = vector.shape_cast %swap3A_411 : vector<1x16xf32> to vector<16xf32>
      %swap3A_413 = vector.shape_cast %mul3A_408 : vector<16xf32> to vector<1x16xf32>
      tpu.vector_store %arg9[%swap3A_409, %swap3A_410], %swap3A_413 {strides = array<i32>} : memref<200x128xf32, #tpu.memory_space<vmem>>, vector<1x16xf32>,
      %add3A_414 = arith.constant 3 : i32
      %add3A_415 = arith.addi %mul3A_121, %add3A_414 : i32
      %get3A_416 = arith.index_cast %add3A_415 : i32 to index
      %get3A_417 = arith.constant 0 : index
      %get3A_418 = tpu.vector_load %arg7[%get3A_416, %get3A_417] {strides = array<i32>} : memref<200x128xf32, #tpu.memory_space<vmem>>, vector<1x16xf32>,
      %get3A_419 = vector.shape_cast %get3A_418 : vector<1x16xf32> to vector<16xf32>
      %mul3A_420 = arith.constant 11.3137083 : f32
      %mul3A_421 = vector.broadcast %mul3A_420 : f32 to vector<16xf32>
      %mul3A_422 = arith.mulf %get3A_419, %mul3A_421 : vector<16xf32>
      %swap3A_423 = arith.index_cast %add3A_415 : i32 to index
      %swap3A_424 = arith.constant 0 : index
      %swap3A_425 = tpu.vector_load %arg9[%swap3A_423, %swap3A_424] {strides = array<i32>} : memref<200x128xf32, #tpu.memory_space<vmem>>, vector<1x16xf32>,
      %swap3A_426 = vector.shape_cast %swap3A_425 : vector<1x16xf32> to vector<16xf32>
      %swap3A_427 = vector.shape_cast %mul3A_422 : vector<16xf32> to vector<1x16xf32>
      tpu.vector_store %arg9[%swap3A_423, %swap3A_424], %swap3A_427 {strides = array<i32>} : memref<200x128xf32, #tpu.memory_space<vmem>>, vector<1x16xf32>,
      %get3A_428 = arith.index_cast %add3A_415 : i32 to index
      %get3A_429 = arith.constant 16 : index
      %get3A_430 = tpu.vector_load %arg7[%get3A_428, %get3A_429] {strides = array<i32>} : memref<200x128xf32, #tpu.memory_space<vmem>>, vector<1x16xf32>,
      %get3A_431 = vector.shape_cast %get3A_430 : vector<1x16xf32> to vector<16xf32>
      %mul3A_432 = arith.constant 11.3137083 : f32
      %mul3A_433 = vector.broadcast %mul3A_432 : f32 to vector<16xf32>
      %mul3A_434 = arith.mulf %get3A_431, %mul3A_433 : vector<16xf32>
      %swap3A_435 = arith.index_cast %add3A_415 : i32 to index
      %swap3A_436 = arith.constant 16 : index
      %swap3A_437 = tpu.vector_load %arg9[%swap3A_435, %swap3A_436] {strides = array<i32>} : memref<200x128xf32, #tpu.memory_space<vmem>>, vector<1x16xf32>,
      %swap3A_438 = vector.shape_cast %swap3A_437 : vector<1x16xf32> to vector<16xf32>
      %swap3A_439 = vector.shape_cast %mul3A_434 : vector<16xf32> to vector<1x16xf32>
      tpu.vector_store %arg9[%swap3A_435, %swap3A_436], %swap3A_439 {strides = array<i32>} : memref<200x128xf32, #tpu.memory_space<vmem>>, vector<1x16xf32>,
      %get3A_440 = arith.index_cast %add3A_415 : i32 to index
      %get3A_441 = arith.constant 32 : index
      %get3A_442 = tpu.vector_load %arg7[%get3A_440, %get3A_441] {strides = array<i32>} : memref<200x128xf32, #tpu.memory_space<vmem>>, vector<1x16xf32>,
      %get3A_443 = vector.shape_cast %get3A_442 : vector<1x16xf32> to vector<16xf32>
      %mul3A_444 = arith.constant 11.3137083 : f32
      %mul3A_445 = vector.broadcast %mul3A_444 : f32 to vector<16xf32>
      %mul3A_446 = arith.mulf %get3A_443, %mul3A_445 : vector<16xf32>
      %swap3A_447 = arith.index_cast %add3A_415 : i32 to index
      %swap3A_448 = arith.constant 32 : index
      %swap3A_449 = tpu.vector_load %arg9[%swap3A_447, %swap3A_448] {strides = array<i32>} : memref<200x128xf32, #tpu.memory_space<vmem>>, vector<1x16xf32>,
      %swap3A_450 = vector.shape_cast %swap3A_449 : vector<1x16xf32> to vector<16xf32>
      %swap3A_451 = vector.shape_cast %mul3A_446 : vector<16xf32> to vector<1x16xf32>
      tpu.vector_store %arg9[%swap3A_447, %swap3A_448], %swap3A_451 {strides = array<i32>} : memref<200x128xf32, #tpu.memory_space<vmem>>, vector<1x16xf32>,
      %get3A_452 = arith.index_cast %add3A_415 : i32 to index
      %get3A_453 = arith.constant 48 : index
      %get3A_454 = tpu.vector_load %arg7[%get3A_452, %get3A_453] {strides = array<i32>} : memref<200x128xf32, #tpu.memory_space<vmem>>, vector<1x16xf32>,
      %get3A_455 = vector.shape_cast %get3A_454 : vector<1x16xf32> to vector<16xf32>
      %mul3A_456 = arith.constant 11.3137083 : f32
      %mul3A_457 = vector.broadcast %mul3A_456 : f32 to vector<16xf32>
      %mul3A_458 = arith.mulf %get3A_455, %mul3A_457 : vector<16xf32>
      %swap3A_459 = arith.index_cast %add3A_415 : i32 to index
      %swap3A_460 = arith.constant 48 : index
      %swap3A_461 = tpu.vector_load %arg9[%swap3A_459, %swap3A_460] {strides = array<i32>} : memref<200x128xf32, #tpu.memory_space<vmem>>, vector<1x16xf32>,
      %swap3A_462 = vector.shape_cast %swap3A_461 : vector<1x16xf32> to vector<16xf32>
      %swap3A_463 = vector.shape_cast %mul3A_458 : vector<16xf32> to vector<1x16xf32>
      tpu.vector_store %arg9[%swap3A_459, %swap3A_460], %swap3A_463 {strides = array<i32>} : memref<200x128xf32, #tpu.memory_space<vmem>>, vector<1x16xf32>,
      %get3A_464 = arith.index_cast %add3A_415 : i32 to index
      %get3A_465 = arith.constant 64 : index
      %get3A_466 = tpu.vector_load %arg7[%get3A_464, %get3A_465] {strides = array<i32>} : memref<200x128xf32, #tpu.memory_space<vmem>>, vector<1x16xf32>,
      %get3A_467 = vector.shape_cast %get3A_466 : vector<1x16xf32> to vector<16xf32>
      %mul3A_468 = arith.constant 11.3137083 : f32
      %mul3A_469 = vector.broadcast %mul3A_468 : f32 to vector<16xf32>
      %mul3A_470 = arith.mulf %get3A_467, %mul3A_469 : vector<16xf32>
      %swap3A_471 = arith.index_cast %add3A_415 : i32 to index
      %swap3A_472 = arith.constant 64 : index
      %swap3A_473 = tpu.vector_load %arg9[%swap3A_471, %swap3A_472] {strides = array<i32>} : memref<200x128xf32, #tpu.memory_space<vmem>>, vector<1x16xf32>,
      %swap3A_474 = vector.shape_cast %swap3A_473 : vector<1x16xf32> to vector<16xf32>
      %swap3A_475 = vector.shape_cast %mul3A_470 : vector<16xf32> to vector<1x16xf32>
      tpu.vector_store %arg9[%swap3A_471, %swap3A_472], %swap3A_475 {strides = array<i32>} : memref<200x128xf32, #tpu.memory_space<vmem>>, vector<1x16xf32>,
      %get3A_476 = arith.index_cast %add3A_415 : i32 to index
      %get3A_477 = arith.constant 80 : index
      %get3A_478 = tpu.vector_load %arg7[%get3A_476, %get3A_477] {strides = array<i32>} : memref<200x128xf32, #tpu.memory_space<vmem>>, vector<1x16xf32>,
      %get3A_479 = vector.shape_cast %get3A_478 : vector<1x16xf32> to vector<16xf32>
      %mul3A_480 = arith.constant 11.3137083 : f32
      %mul3A_481 = vector.broadcast %mul3A_480 : f32 to vector<16xf32>
      %mul3A_482 = arith.mulf %get3A_479, %mul3A_481 : vector<16xf32>
      %swap3A_483 = arith.index_cast %add3A_415 : i32 to index
      %swap3A_484 = arith.constant 80 : index
      %swap3A_485 = tpu.vector_load %arg9[%swap3A_483, %swap3A_484] {strides = array<i32>} : memref<200x128xf32, #tpu.memory_space<vmem>>, vector<1x16xf32>,
      %swap3A_486 = vector.shape_cast %swap3A_485 : vector<1x16xf32> to vector<16xf32>
      %swap3A_487 = vector.shape_cast %mul3A_482 : vector<16xf32> to vector<1x16xf32>
      tpu.vector_store %arg9[%swap3A_483, %swap3A_484], %swap3A_487 {strides = array<i32>} : memref<200x128xf32, #tpu.memory_space<vmem>>, vector<1x16xf32>,
      %get3A_488 = arith.index_cast %add3A_415 : i32 to index
      %get3A_489 = arith.constant 96 : index
      %get3A_490 = tpu.vector_load %arg7[%get3A_488, %get3A_489] {strides = array<i32>} : memref<200x128xf32, #tpu.memory_space<vmem>>, vector<1x16xf32>,
      %get3A_491 = vector.shape_cast %get3A_490 : vector<1x16xf32> to vector<16xf32>
      %mul3A_492 = arith.constant 11.3137083 : f32
      %mul3A_493 = vector.broadcast %mul3A_492 : f32 to vector<16xf32>
      %mul3A_494 = arith.mulf %get3A_491, %mul3A_493 : vector<16xf32>
      %swap3A_495 = arith.index_cast %add3A_415 : i32 to index
      %swap3A_496 = arith.constant 96 : index
      %swap3A_497 = tpu.vector_load %arg9[%swap3A_495, %swap3A_496] {strides = array<i32>} : memref<200x128xf32, #tpu.memory_space<vmem>>, vector<1x16xf32>,
      %swap3A_498 = vector.shape_cast %swap3A_497 : vector<1x16xf32> to vector<16xf32>
      %swap3A_499 = vector.shape_cast %mul3A_494 : vector<16xf32> to vector<1x16xf32>
      tpu.vector_store %arg9[%swap3A_495, %swap3A_496], %swap3A_499 {strides = array<i32>} : memref<200x128xf32, #tpu.memory_space<vmem>>, vector<1x16xf32>,
      %get3A_500 = arith.index_cast %add3A_415 : i32 to index
      %get3A_501 = arith.constant 112 : index
      %get3A_502 = tpu.vector_load %arg7[%get3A_500, %get3A_501] {strides = array<i32>} : memref<200x128xf32, #tpu.memory_space<vmem>>, vector<1x16xf32>,
      %get3A_503 = vector.shape_cast %get3A_502 : vector<1x16xf32> to vector<16xf32>
      %mul3A_504 = arith.constant 11.3137083 : f32
      %mul3A_505 = vector.broadcast %mul3A_504 : f32 to vector<16xf32>
      %mul3A_506 = arith.mulf %get3A_503, %mul3A_505 : vector<16xf32>
      %swap3A_507 = arith.index_cast %add3A_415 : i32 to index
      %swap3A_508 = arith.constant 112 : index
      %swap3A_509 = tpu.vector_load %arg9[%swap3A_507, %swap3A_508] {strides = array<i32>} : memref<200x128xf32, #tpu.memory_space<vmem>>, vector<1x16xf32>,
      %swap3A_510 = vector.shape_cast %swap3A_509 : vector<1x16xf32> to vector<16xf32>
      %swap3A_511 = vector.shape_cast %mul3A_506 : vector<16xf32> to vector<1x16xf32>
      tpu.vector_store %arg9[%swap3A_507, %swap3A_508], %swap3A_511 {strides = array<i32>} : memref<200x128xf32, #tpu.memory_space<vmem>>, vector<1x16xf32>,
    }
    %scan3A_103 = arith.constant 50 : i32
    %multiple_of3A_104 = arith.constant 6200 : i32
    %multiple_of3A_105 = tpu.assume_multiple %multiple_of3A_104, 8 : i32
    %add3A_106 = arith.addi %mul3A_2, %multiple_of3A_105 : i32
    %dma_start3A_107 = arith.constant 0 : i32
    %dma_start3A_108 = tpu.memref_slice %arg4[%add3A_106, %dma_start3A_107] : memref<204800x128xf32, #tpu.memory_space<hbm>> -> memref<200x128xf32, #tpu.memory_space<hbm>>
    %dma_start3A_109 = arith.constant 0 : i32
    %dma_start3A_110 = tpu.memref_slice %arg4[%add3A_106, %dma_start3A_109] : memref<204800x128xf32, #tpu.memory_space<hbm>> -> memref<200x128xf32, #tpu.memory_space<hbm>>
    tpu.enqueue_dma source(%arg9 : memref<200x128xf32, #tpu.memory_space<vmem>>) target(%dma_start3A_110 : memref<200x128xf32, #tpu.memory_space<hbm>>) target_semaphore(%arg13 : memref<!tpu.dma_semaphore, #tpu.memory_space<semaphore_mem>>)
    %dma_wait3A_111 = arith.constant 0 : i32
    %dma_wait3A_112 = tpu.memref_slice %arg4[%mul3A_2, %dma_wait3A_111] : memref<204800x128xf32, #tpu.memory_space<hbm>> -> memref<200x128xf32, #tpu.memory_space<hbm>>
    %dma_wait3A_113 = arith.constant 0 : i32
    %dma_wait3A_114 = tpu.memref_slice %arg4[%mul3A_2, %dma_wait3A_113] : memref<204800x128xf32, #tpu.memory_space<hbm>> -> memref<200x128xf32, #tpu.memory_space<hbm>>
    tpu.wait_dma2 semaphore(%arg12 : memref<!tpu.dma_semaphore, #tpu.memory_space<semaphore_mem>>) src(%arg8 : memref<200x128xf32, #tpu.memory_space<vmem>>) dst(%dma_wait3A_114 : memref<200x128xf32, #tpu.memory_space<hbm>>)
    %dma_wait3A_115 = arith.constant 0 : i32
    %dma_wait3A_116 = tpu.memref_slice %arg4[%mul3A_2, %dma_wait3A_115] : memref<204800x128xf32, #tpu.memory_space<hbm>> -> memref<200x128xf32, #tpu.memory_space<hbm>>
    %dma_wait3A_117 = arith.constant 0 : i32
    %dma_wait3A_118 = tpu.memref_slice %arg4[%mul3A_2, %dma_wait3A_117] : memref<204800x128xf32, #tpu.memory_space<hbm>> -> memref<200x128xf32, #tpu.memory_space<hbm>>
    tpu.wait_dma2 semaphore(%arg13 : memref<!tpu.dma_semaphore, #tpu.memory_space<semaphore_mem>>) src(%arg9 : memref<200x128xf32, #tpu.memory_space<vmem>>) dst(%dma_wait3A_118 : memref<200x128xf32, #tpu.memory_space<hbm>>)
    return
  }
}

</mosaic_0001>

<sc_bundles>
// kernel: kernel.3.cloned.1.call-start
scs
__scs_entry_jumppad:
0x0: {  	(pc) =	sbr.rel $0x88, $3  }
0x1: {  	(tag) =	ssettag $0x0;
	lr =	simm.s32 $0x1  }
0x2: {  	[smem:$0x3F9F] =	sst lr;
	_ =	strace $0xD0000000  }
0x3: {  	_ = 	snop  }
0x4: {  	_ = 	snop  }
0x5: {  	_ = 	snop  }
0x6: {  	_ = 	snop  }
0x7: {  	_ = 	snop  }
__scs_overlays_trampoline_lowered:
0x8: {  	[smem:$0x3FAE] =	sst s0  }
0x9: {  	[smem:$0x3FAF] =	sst s1  }
0xa: {  	[smem:$0x3FB0] =	sst s2  }
0xb: {  	[smem:$0x3FB1] =	sst s3  }
0xc: {  	[smem:$0x3FB2] =	sst s4  }
0xd: {  	[smem:$0x3FB3] =	sst s5  }
0xe: {  	[smem:$0x3FB4] =	sst s6  }
0xf: {  	[smem:$0x3FB5] =	sst s7  }
0x10: {  	[smem:$0x3FB6] =	sst s8  }
0x11: {  	[smem:$0x3FB7] =	sst s9;
	s0 =	simm.s32 @!p0 $0x0  }
0x12: {  	s1 =	sld [smem:$0x3F9D];
	s0 =	simm.s32 @p0 $0x1  }
0x13: {  	[smem:$0x3FB8] =	sst s0;
	s0 =	simm.s32 @!p1 $0x0  }
0x14: {  	s2 =	sld [smem:$0x3F9C];
	s0 =	simm.s32 @p1 $0x1  }
0x15: {  	[smem:$0x3FB9] =	sst s0;
	s0 =	simm.s32 @!p2 $0x0  }
0x16: {  	s3 =	sld [smem:$0x3FDB];
	s0 =	simm.s32 @p2 $0x1  }
0x17: {  	s4 =	simm.s32 $0x1BF5;
	[smem:$0x3FBB] =	sst s0  }
0x18: {  	s0 =	sld [smem:$0x3F9E];
	_ =	swait.ge [sflag:s4], $0x0  }
0x19: {  	s7 =	sld [smem:$0x3F9F]  }
0x1a: {  	s8 =	sadd.s32 $0xFFFFE003, lr  }
0x1b: {  	s9 =	sadd.s32 $0xFFFFFEF7, lr;
	s5 =	simm.s32 $0xFFFFFFFF;
	p2 =	slt.u32 s8, $0xFFFFF086  }
0x1c: {  	p1 =	slt.u32 s9, $0xF7A;
	s5 =	simm.s32 @!p2 $0x0  }
0x1d: {  	s5 =	simm.s32 @p1 $0x1;
	p0 =	seq.s32 s7, s2  }
0x1e: {  	s7 =	smul.u32 @!p0 $0xF7A, s2;
	p2 =	seq.s32 @!p0 s5, $0x0  }
0x1f: {  	s9 =	smul.u32 $0xF7A, s1;
	s8 =	simm.s32 @!p0 $0x1BF5;
	p2 =	por !p2, p0  }
0x20: {  	[sflag:s8] =	ssyncset.s32 @!p0 $0xFFFFF086;
	s6 =	sadd.s32 @!p0 s3, s7;
	s7 =	simm.s32 @!p0 $0x108  }
0x21: {  	s3 =	sadd.s32 s3, s9;
	s6 =	sadd.s32 @!p0 $0x88, s6;
	s7 =	simm.s32 @p2 $0x1082  }
0x22: {  	[simem:s7], [sflag:s8] =	dma.local @!p0 [hbm:s6], $0xF7A  }
0x23: {  	s9 =	sor.u32 $0xD0000000, s2;
	s6 =	simm.s32 $0x108;
	_ =	swait.ge @!p0 [sflag:s8], $0x0  }
0x24: {  	s3 =	sadd.s32 $0x88, s3;
	s6 =	simm.s32 @!p1 $0x1082;
	[sflag:s4] =	ssyncset.s32 $0xFFFFF086  }
0x25: {  	[simem:s6], [sflag:s4] =	dma.local [hbm:s3], $0xF7A  }
0x26: {  	[smem:$0x3F9F] =	sst s1;
	(tag) =	ssettag s2;
	_ =	strace s9  }
0x27: {  	s1 =	sld [smem:$0x3FAF]  }
0x28: {  	s2 =	sld [smem:$0x3FB0]  }
0x29: {  	s4 =	sld [smem:$0x3FB2]  }
0x2a: {  	p0 =	seq.s32 s5, $0x0;
	s5 =	sld [smem:$0x3FB3]  }
0x2b: {  	s6 =	sld [smem:$0x3FB4]  }
0x2c: {  	s7 =	sld [smem:$0x3FB5]  }
0x2d: {  	s3 =	simm.s32 $0x108;
	s8 =	sld [smem:$0x3FB6]  }
0x2e: {  	s3 =	simm.s32 @!p0 $0x1082;
	s9 =	sld [smem:$0x3FB7]  }
0x2f: {  	lr =	sadd.s32 s0, s3;
	s0 =	sld [smem:$0x3FAE]  }
0x30: {  	s3 =	sld [smem:$0x3FB1]  }
0x31: {  	[smem:$0x3FBA] =	sst s10  }
0x32: {  	s10 =	sld [smem:$0x3FB8];
	_ =	sdelay $0x3  }
0x33: {  	p0 =	seq.s32 s10, $0x1;
	s10 =	sld [smem:$0x3FBA];
	_ =	sdelay $0x3  }
0x34: {  	[smem:$0x3FBA] =	sst s10  }
0x35: {  	s10 =	sld [smem:$0x3FB9];
	_ =	sdelay $0x3  }
0x36: {  	p1 =	seq.s32 s10, $0x1;
	s10 =	sld [smem:$0x3FBA];
	_ =	sdelay $0x3  }
0x37: {  	[smem:$0x3FBA] =	sst s10  }
0x38: {  	s10 =	sld [smem:$0x3FBB]  }
0x39: {  	_ = 	snop;
	(pc) =	sbr.ind lr, $3  }
0x3a: {  	_ = 	snop  }
0x3b: {  	_ = 	snop  }
0x3c: {  	p2 =	seq.s32 s10, $0x1;
	s10 =	sld [smem:$0x3FBA]  }
0x3d: {  	_ =	shalt  }
0x3e: {  	_ =	shalt  }
0x3f: {  	_ =	shalt  }
0x40: {  	_ =	shalt  }
0x41: {  	_ =	shalt  }
0x42: {  	_ =	shalt  }
0x43: {  	_ =	shalt  }
0x44: {  	_ =	shalt  }
0x45: {  	_ =	shalt  }
0x46: {  	_ =	shalt  }
0x47: {  	_ =	shalt  }
0x48: {  	_ =	shalt  }
0x49: {  	_ =	shalt  }
0x4a: {  	_ =	shalt  }
0x4b: {  	_ =	shalt  }
0x4c: {  	_ =	shalt  }
0x4d: {  	_ =	shalt  }
0x4e: {  	_ =	shalt  }
0x4f: {  	_ =	shalt  }
0x50: {  	_ =	shalt  }
0x51: {  	_ =	shalt  }
0x52: {  	_ =	shalt  }
0x53: {  	_ =	shalt  }
0x54: {  	_ =	shalt  }
0x55: {  	_ =	shalt  }
0x56: {  	_ =	shalt  }
0x57: {  	_ =	shalt  }
0x58: {  	_ =	shalt  }
0x59: {  	_ =	shalt  }
0x5a: {  	_ =	shalt  }
0x5b: {  	_ =	shalt  }
0x5c: {  	_ =	shalt  }
0x5d: {  	_ =	shalt  }
0x5e: {  	_ =	shalt  }
0x5f: {  	_ =	shalt  }
0x60: {  	_ =	shalt  }
0x61: {  	_ =	shalt  }
0x62: {  	_ =	shalt  }
0x63: {  	_ =	shalt  }
0x64: {  	_ =	shalt  }
0x65: {  	_ =	shalt  }
0x66: {  	_ =	shalt  }
0x67: {  	_ =	shalt  }
0x68: {  	_ =	shalt  }
0x69: {  	_ =	shalt  }
0x6a: {  	_ =	shalt  }
0x6b: {  	_ =	shalt  }
0x6c: {  	_ =	shalt  }
0x6d: {  	_ =	shalt  }
0x6e: {  	_ =	shalt  }
0x6f: {  	_ =	shalt  }
0x70: {  	_ =	shalt  }
0x71: {  	_ =	shalt  }
0x72: {  	_ =	shalt  }
0x73: {  	_ =	shalt  }
0x74: {  	_ =	shalt  }
0x75: {  	_ =	shalt  }
0x76: {  	_ =	shalt  }
0x77: {  	_ =	shalt  }
0x78: {  	_ =	shalt  }
0x79: {  	_ =	shalt  }
0x7a: {  	_ =	shalt  }
0x7b: {  	_ =	shalt  }
0x7c: {  	_ =	shalt  }
0x7d: {  	_ =	shalt  }
0x7e: {  	_ =	shalt  }
0x7f: {  	_ =	shalt  }
0x80: {  	_ =	shalt  }
0x81: {  	_ =	shalt  }
0x82: {  	_ =	shalt  }
0x83: {  	_ =	shalt  }
0x84: {  	_ =	shalt  }
0x85: {  	_ =	shalt  }
0x86: {  	_ =	shalt  }
0x87: {  	_ =	shalt  }
.Lfunc_end0:
.L_simem_size_0:
called_computation_lowered:
.L_overlay_start_0:
0x88: {  	s2 =	sld [smem:$0x3FD9]  }
0x89: {  	s3 =	sld [smem:$0x3FFE];
	_ =	sdelay $0x1  }
0x8a: {  	s1 =	srdreg.scid  }
0x8b: {  	s0 =	sand.u32 $0x1, s1  }
0x8c: {  	s17 =	sshll.u32 s0, $0xA;
	s2 =	sadd.s32 s3, s2  }
0x8d: {  	s2 =	sadd.s32 s2, s17  }
0x8e: {  	[smem:$0x3FC6] =	sst s2  }
0x8f: {  	_ = 	snop  }
0x90: {  	s2 =	sld [smem:$0x3FC8]  }
0x91: {  	s18 =	sld [smem:$0x3FD0];
	(tm) =	ssettm $0x1  }
0x92: {  	s4 =	sld [smem:$0x3FFB];
	_ =	sdelay $0x3  }
0x93: {  	_ =	strace s4  }
0x94: {  	s4 =	sld [smem:$0x3FFC];
	_ =	sdelay $0x3  }
0x95: {  	_ =	strace s4  }
0x96: {  	s4 =	sld [smem:$0x3FFD];
	_ =	sdelay $0x3  }
0x97: {  	_ =	strace s4  }
0x98: {  	_ =	strace $0x8FFFFFFF  }
0x99: {  	s19 =	sld [smem:$0x3FDB];
	_ =	sdelay $0x1  }
0x9a: {  	s5 =	simm.s32 $_scs_section_size  }
0x9b: {  	s6 =	simm.s32 $_size__tile_overlayer_lowered;
	s7 =	simm.s32 $_tile_overlayer_lowered  }
0x9c: {  	s22 =	simm.s32 $0x1BFF;
	s21 =	sshll.u32 s7, $0x1;
	s4 =	sadd.s32 s5, s19  }
0x9d: {  	s8 =	simm.s32 $0x0;
	s20 =	sshll.u32 s6, $0x1;
	s6 =	sadd.s32 s21, s4  }
0x9e: {  	[timem:s8], [sflag:s22] =	dma.local [hbm:s6], s20  }
0x9f: {  	_ =	swait.ge [sflag:s22], s20  }
0xa0: {  	s5 =	ssub.s32 $0x0, s20;
	[sflag:s22] =	ssyncset.done $0x0  }
0xa1: {  	[sflag:s22] =	ssyncadd.s32 s5;
	_ =	sdelay $0x1  }
0xa2: {  	s23 =	simm.s32 $0x1B8B  }
0xa3: {  	_ =	swait.ge [sflag:s23], $0x1  }
0xa4: {  	[sflag:s23] =	ssyncset.done $0x0  }
0xa5: {  	s25 =	simm.s32 $0x1B8E;
	s24 =	sld [smem:$0x3FFE];
	[sflag:s23] =	ssyncadd.s32 $0xFFFFFFFF  }
0xa6: {  	s26 =	simm.s32 $execute0_lowered;
	[smem:$0x3FD2] =	sst s25  }
0xa7: {  	s6 =	sshll.u32 s26, $0x1;
	_ =	strace $0x80000046;
	[dreg:$0x1] =	wrdreg $0xFFFFFFFF  }
0xa8: {  	s28 =	simm.s32 $_size_execute0_lowered;
	s4 =	sadd.s32 s4, s6;
	[dreg:$0x0] =	wrdreg $0x0  }
0xa9: {  	s6 =	sshll.u32 s28, $0x1;
	[dreg:$0x2] =	wrdreg s4  }
0xaa: {  	[dreg:$0x3] =	wrdreg s6  }
0xab: {  	[dreg:$0x4] =	wrdreg $0xC0  }
0xac: {  	_ =	task [dreg:s8], $0x5FFFF  }
0xad: {  	[dreg:$0x1] =	wrdreg $0xFFFFFFFF  }
0xae: {  	[dreg:$0x0] =	wrdreg $0x60  }
0xaf: {  	[dreg:$0x2] =	wrdreg s24  }
0xb0: {  	[dreg:$0x3] =	wrdreg s2  }
0xb1: {  	[dreg:$0x4] =	wrdreg s18  }
0xb2: {  	[dreg:$0x5] =	wrdreg $0x9  }
0xb3: {  	_ =	task.clear_ibuf [dreg:s8], $0x6FFFF;
	_ =	strace $0x90000046  }
0xb4: {  	s29 =	simm.s32 $0x9;
	_ =	strace $0x80000048  }
0xb5: {  	_ =	swait.ge [sflag:s29], $0x1  }
0xb6: {  	[sflag:s29] =	ssyncadd.s32 $0xFFFFFFFF  }
0xb7: {  	_ =	strace $0x90000048  }
0xb8: {  	_ =	sfence  }
0xb9: {  	s30 =	sld [smem:$0x0];
	_ =	sdelay $0x2  }
0xba: {  	s31 =	sshll.u32 s1, $0xD;
	s1 =	sshrl.u32 s1, $0x2  }
0xbb: {  	s3 =	sand.u32 $0x4000, s31;
	s1 =	sadd.s32 s1, s30  }
0xbc: {  	s0 =	sor.u32 s3, s0;
	s1 =	sshll.u32 s1, $0x11  }
0xbd: {  	s0 =	sor.u32 s1, s0  }
0xbe: {  	s0 =	sadd.s32 $0x8F2B, s0  }
0xbf: {  	[sflag:s0] =	ssyncadd.remote.s32 $0x1  }
0xc0: {  	_ =	sfence.sel $0xFFFF  }
0xc1: {  	[dreg:$0x0] =	wrdreg $0xFFFFFFFF;
	(pc) =	sbr.abs _section_cstart, $3  }
0xc2: {  	[dreg:$0x1] =	wrdreg $0xFFFFFFFF  }
0xc3: {  	_ =	task.clear_ibuf [dreg:s8], $0x2FFFF;
	_ =	strace $0x9FFFFFFF  }
0xc4: {  	(tm) =	ssettm $0x7FFFFFFF  }
0xc5: {  	_ =	shalt  }
tec
execute0_lowered:
.L_overlay_start_1:
0x0: {  	(tag) =	ssettag $0x1  }
0x1: {  	s1 =	rddreg [dreg:$0x0];
	s3 =	srdreg.scid  }
0x2: {  	s0 =	stileid.u32;
	s2 =	rddreg [dreg:$0x1]  }
0x3: {  	s11 =	simm.s32 $0x80;
	s12 =	simm.s32 $0x1900;
	s13 =	simm.s32 $0x48  }
0x4: {  	s14 =	simm.s32 $0x5900;
	s15 =	simm.s32 $0x1;
	s16 =	simm.s32 $0x7D00  }
0x5: {  	s17 =	simm.s32 $0xBD00;
	s18 =	simm.s32 $0xE100;
	s19 =	simm.s32 $0x2  }
0x6: {  	s20 =	simm.s32 $0x14500;
	s6 =	sand.u32 $0x1, s3;
	s4 =	sshll.u32 s0, $0x1  }
0x7: {  	s21 =	simm.s32 $0x1838;
	s22 =	simm.s32 $0x18B8;
	s7 =	sor.u32 s6, s4  }
0x8: {  	s23 =	simm.s32 $0x3;
	s24 =	simm.s32 $0x4;
	s5 =	smul.u32 $0x1900, s7  }
0x9: {  	s3 =	rddreg [dreg:$0x2];
	s4 =	simm.s32 $0x0;
	s7 =	smul.u32 $0xC8000, s7  }
0xa: {  	s25 =	simm.s32 $0x0;
	s6 =	ssub.s32 $0x2, s6;
	[smem:$0x7FF] =	sst s4  }
0xb: {  	s31 =	sshrl.u32 s6, $0x1;
	s8 =	sshrl.u32 s5, $0x3;
	s7 =	sshrl.u32 s7, $0x3  }
0xc: {  	_ =	strace $0x80000047;
	s1 =	sadd.s32 s8, s1;
	s9 =	sadd.s32 s3, s7  }
0xd: {  	s10 =	ssub.s32 s6, s31;
	s6 =	sadd.s32 $0x400, s1;
	s7 =	sadd.s32 $0x17700, s9  }
0xe: {  	s8 =	sadd.s32 $0x18380, s9;
	s9 =	smax.u32 s10, $0x1;
	s10 =	simm.s32 $0x5  }
.LBB2_1:
0xf: {  	[tilespmem:s4], [sflag:$0x5] =	stream.linear.gather [hbm4b:s6+s4], $0x1900, $0x38;
	[tilespmem:$0x1A900] =	vst v63  }
0x10: {  	_ =	swait.ge [sflag:s10], $0x1900  }
0x11: {  	[sflag:s10] =	ssyncset.done $0x0  }
0x12: {  	[sflag:s10] =	ssyncadd.s32 $0xFFFFE700  }
0x13: {  	[tilespmem:s12], [sflag:$0x1] =	stream.indirect.gather [hbm4b:s2+s11], $0x80, s4, s11, $0xb8;
	[tilespmem:$0x1A900] =	vst v63  }
0x14: {  	s26 =	simm.s32 $0x0  }
0x15: {  	[tilespmem:s14], [sflag:$0x1] =	stream.indirect.gather [hbm4b:s2+s13], $0x80, s11, s13, $0xb8;
	[tilespmem:$0x1A900] =	vst v63  }
.LBB2_2:
0x16: {  	_ =	swait.ge [sflag:s15], $0x4000  }
0x17: {  	[sflag:s15] =	ssyncset.done $0x0  }
0x18: {  	[sflag:s15] =	ssyncadd.s32 $0xFFFFC000  }
0x19: {  	s29 =	smul.u32 $0x190, s26;
	_ =	swait.ge [sflag:s15], $0x2400  }
0x1a: {  	[sflag:s15] =	ssyncset.done $0x0  }
0x1b: {  	s28 =	sadd.s32 $0xC8, s29;
	[sflag:s15] =	ssyncadd.s32 $0xFFFFDC00  }
0x1c: {  	[tilespmem:s16], [sflag:$0x2] =	stream.indirect.gather [hbm4b:s2+s11], $0x80, s28, s11, $0xb8;
	[tilespmem:$0x1A900] =	vst v63  }
0x1d: {  	p0 =	seq.s32 s26, $0x0;
	s1 =	sadd.s32 $0x148, s29  }
0x1e: {  	[tilespmem:s17], [sflag:$0x2] =	stream.indirect.gather [hbm4b:s2+s13], $0x80, s1, s13, $0xb8;
	[tilespmem:$0x1A900] =	vst v63  }
0x1f: {  	s1 =	simm.s32 @!p0 $0x3  }
0x20: {  	_ =	swait.ge @!p0 [sflag:s1], $0x6400  }
0x21: {  	[sflag:s1] =	ssyncset.done @!p0 $0x0  }
0x22: {  	s30 =	simm.s32 $0x0;
	[sflag:s1] =	ssyncadd.s32 @!p0 $0xFFFF9C00  }
0x23: {  	v0 =	vld [tilespmem:s30+$0x1AF0]  }
0x24: {  	v1 =	vld [tilespmem:s30+$0x1900];
	_ =	sdelay $0x1  }
0x25: {  	v2 =	vld [tilespmem:s30+$0x1910]  }
0x26: {  	v3 =	vld [tilespmem:s30+$0x1920]  }
0x27: {  	v4 =	vld [tilespmem:s30+$0x1930];
	v0 =	vmul.f32 $1.131370830e+01, v0  }
0x28: {  	v5 =	vld [tilespmem:s30+$0x1940];
	v1 =	vmul.f32 $1.131370830e+01, v1  }
0x29: {  	v6 =	vld [tilespmem:s30+$0x1950];
	[tilespmem:s30+$0xE2F0] =	vst v0  }
0x2a: {  	v0 =	vmul.f32 $1.131370830e+01, v2;
	[tilespmem:s30+$0xE100] =	vst v1;
	v1 =	vld [tilespmem:s30+$0x1970]  }
0x2b: {  	v7 =	vld [tilespmem:s30+$0x1960];
	v2 =	vmul.f32 $1.131370830e+01, v3  }
0x2c: {  	v3 =	vmul.f32 $1.131370830e+01, v4;
	[tilespmem:s30+$0xE110] =	vst v0;
	v0 =	vld [tilespmem:s30+$0x1980]  }
0x2d: {  	v4 =	vmul.f32 $1.131370830e+01, v5;
	[tilespmem:s30+$0xE120] =	vst v2;
	v2 =	vld [tilespmem:s30+$0x1990]  }
0x2e: {  	v5 =	vmul.f32 $1.131370830e+01, v6;
	[tilespmem:s30+$0xE130] =	vst v3;
	v3 =	vld [tilespmem:s30+$0x19A0]  }
0x2f: {  	[tilespmem:s30+$0xE140] =	vst v4;
	v4 =	vld [tilespmem:s30+$0x19B0];
	v1 =	vmul.f32 $1.131370830e+01, v1  }
0x30: {  	v6 =	vmul.f32 $1.131370830e+01, v7;
	[tilespmem:s30+$0xE150] =	vst v5;
	v5 =	vld [tilespmem:s30+$0x19C0]  }
0x31: {  	v0 =	vmul.f32 $1.131370830e+01, v0;
	[tilespmem:s30+$0xE170] =	vst v1;
	v1 =	vld [tilespmem:s30+$0x19E0]  }
0x32: {  	[tilespmem:s30+$0xE160] =	vst v6;
	v6 =	vld [tilespmem:s30+$0x19D0];
	v2 =	vmul.f32 $1.131370830e+01, v2  }
0x33: {  	v3 =	vmul.f32 $1.131370830e+01, v3;
	[tilespmem:s30+$0xE180] =	vst v0;
	v0 =	vld [tilespmem:s30+$0x19F0]  }
0x34: {  	v4 =	vmul.f32 $1.131370830e+01, v4;
	[tilespmem:s30+$0xE190] =	vst v2;
	v2 =	vld [tilespmem:s30+$0x1A00]  }
0x35: {  	v5 =	vmul.f32 $1.131370830e+01, v5;
	[tilespmem:s30+$0xE1A0] =	vst v3;
	v3 =	vld [tilespmem:s30+$0x1A10]  }
0x36: {  	[tilespmem:s30+$0xE1B0] =	vst v4;
	v4 =	vld [tilespmem:s30+$0x1A20];
	v1 =	vmul.f32 $1.131370830e+01, v1  }
0x37: {  	v6 =	vmul.f32 $1.131370830e+01, v6;
	[tilespmem:s30+$0xE1C0] =	vst v5;
	v5 =	vld [tilespmem:s30+$0x1A30]  }
0x38: {  	v0 =	vmul.f32 $1.131370830e+01, v0;
	[tilespmem:s30+$0xE1E0] =	vst v1;
	v1 =	vld [tilespmem:s30+$0x1A50]  }
0x39: {  	[tilespmem:s30+$0xE1D0] =	vst v6;
	v6 =	vld [tilespmem:s30+$0x1A40];
	v2 =	vmul.f32 $1.131370830e+01, v2  }
0x3a: {  	[tilespmem:s30+$0xE1F0] =	vst v0;
	v0 =	vmul.f32 $1.131370830e+01, v3;
	v3 =	vld [tilespmem:s30+$0x1A70]  }
0x3b: {  	v7 =	vld [tilespmem:s30+$0x1A60];
	[tilespmem:s30+$0xE200] =	vst v2;
	v2 =	vmul.f32 $1.131370830e+01, v4  }
0x3c: {  	v4 =	vld [tilespmem:s30+$0x1A80];
	[tilespmem:s30+$0xE210] =	vst v0;
	v0 =	vmul.f32 $1.131370830e+01, v5  }
0x3d: {  	v8 =	vld [tilespmem:s30+$0x1A90];
	[tilespmem:s30+$0xE220] =	vst v2;
	v5 =	vmul.f32 $1.131370830e+01, v1  }
0x3e: {  	v2 =	vmul.f32 $1.131370830e+01, v6;
	[tilespmem:s30+$0xE230] =	vst v0;
	v0 =	vld [tilespmem:s30+$0x1AA0]  }
0x3f: {  	v1 =	vld [tilespmem:s30+$0x1AB0];
	[tilespmem:s30+$0xE250] =	vst v5;
	v5 =	vmul.f32 $1.131370830e+01, v3  }
0x40: {  	v6 =	vmul.f32 $1.131370830e+01, v7;
	[tilespmem:s30+$0xE240] =	vst v2;
	v2 =	vld [tilespmem:s30+$0x1AC0]  }
0x41: {  	v3 =	vld [tilespmem:s30+$0x1AD0];
	[tilespmem:s30+$0xE270] =	vst v5;
	v5 =	vmul.f32 $1.131370830e+01, v4  }
0x42: {  	s31 =	simm.s32 $0x200;
	s1 =	simm.s32 $0x1000;
	[tilespmem:s30+$0xE260] =	vst v6;
	v6 =	vmul.f32 $1.131370830e+01, v8;
	v4 =	vld [tilespmem:s30+$0x1AE0]  }
.LBB2_3:
0x43: {  	p1 =	sne.s32 s1, $0x18800;
	v7 =	vld [tilespmem:s31+$0x1AF0];
	[tilespmem:s30+$0xE280] =	vst v5;
	v0 =	vmul.f32 $1.131370830e+01, v0  }
0x44: {  	v5 =	vld [tilespmem:s31+$0x1900];
	[tilespmem:s30+$0xE290] =	vst v6;
	v1 =	vmul.f32 $1.131370830e+01, v1  }
0x45: {  	v6 =	vld [tilespmem:s31+$0x1910];
	[tilespmem:s30+$0xE2A0] =	vst v0;
	v0 =	vmul.f32 $1.131370830e+01, v2  }
0x46: {  	v2 =	vld [tilespmem:s31+$0x1920];
	[tilespmem:s30+$0xE2B0] =	vst v1;
	v1 =	vmul.f32 $1.131370830e+01, v3  }
0x47: {  	v3 =	vld [tilespmem:s31+$0x1930];
	[tilespmem:s30+$0xE2C0] =	vst v0;
	v0 =	vmul.f32 $1.131370830e+01, v4  }
0x48: {  	v4 =	vld [tilespmem:s31+$0x1940];
	v7 =	vmul.f32 $1.131370830e+01, v7;
	[tilespmem:s30+$0xE2D0] =	vst v1  }
0x49: {  	v1 =	vmul.f32 $1.131370830e+01, v5;
	v5 =	vld [tilespmem:s31+$0x1950];
	[tilespmem:s30+$0xE2E0] =	vst v0;
	s30 =	smov.u32 s31  }
0x4a: {  	v0 =	vmul.f32 $1.131370830e+01, v6;
	v6 =	vld [tilespmem:s30+$0x1960];
	[tilespmem:s30+$0xE2F0] =	vst v7  }
0x4b: {  	[tilespmem:s30+$0xE100] =	vst v1;
	v1 =	vmul.f32 $1.131370830e+01, v2;
	v2 =	vld [tilespmem:s30+$0x1970]  }
0x4c: {  	[tilespmem:s30+$0xE110] =	vst v0;
	v0 =	vmul.f32 $1.131370830e+01, v3;
	v3 =	vld [tilespmem:s30+$0x1980]  }
0x4d: {  	[tilespmem:s30+$0xE120] =	vst v1;
	v1 =	vmul.f32 $1.131370830e+01, v4;
	v4 =	vld [tilespmem:s30+$0x1990]  }
0x4e: {  	[tilespmem:s30+$0xE130] =	vst v0;
	v0 =	vmul.f32 $1.131370830e+01, v5;
	v5 =	vld [tilespmem:s30+$0x19A0]  }
0x4f: {  	[tilespmem:s30+$0xE140] =	vst v1;
	v1 =	vmul.f32 $1.131370830e+01, v6;
	v6 =	vld [tilespmem:s30+$0x19B0]  }
0x50: {  	[tilespmem:s30+$0xE150] =	vst v0;
	v0 =	vmul.f32 $1.131370830e+01, v2;
	v2 =	vld [tilespmem:s30+$0x19C0]  }
0x51: {  	[tilespmem:s30+$0xE160] =	vst v1;
	v1 =	vmul.f32 $1.131370830e+01, v3;
	v3 =	vld [tilespmem:s30+$0x19D0]  }
0x52: {  	[tilespmem:s30+$0xE170] =	vst v0;
	v0 =	vmul.f32 $1.131370830e+01, v4;
	v4 =	vld [tilespmem:s30+$0x19E0]  }
0x53: {  	[tilespmem:s30+$0xE180] =	vst v1;
	v1 =	vmul.f32 $1.131370830e+01, v5;
	v5 =	vld [tilespmem:s30+$0x19F0]  }
0x54: {  	[tilespmem:s30+$0xE190] =	vst v0;
	v0 =	vmul.f32 $1.131370830e+01, v6;
	v6 =	vld [tilespmem:s30+$0x1A00]  }
0x55: {  	[tilespmem:s30+$0xE1A0] =	vst v1;
	v1 =	vmul.f32 $1.131370830e+01, v2;
	v2 =	vld [tilespmem:s30+$0x1A10]  }
0x56: {  	[tilespmem:s30+$0xE1B0] =	vst v0;
	v0 =	vmul.f32 $1.131370830e+01, v3;
	v3 =	vld [tilespmem:s30+$0x1A20]  }
0x57: {  	[tilespmem:s30+$0xE1C0] =	vst v1;
	v1 =	vmul.f32 $1.131370830e+01, v4;
	v4 =	vld [tilespmem:s30+$0x1A30]  }
0x58: {  	[tilespmem:s30+$0xE1D0] =	vst v0;
	v0 =	vmul.f32 $1.131370830e+01, v5;
	v5 =	vld [tilespmem:s30+$0x1A40]  }
0x59: {  	[tilespmem:s30+$0xE1E0] =	vst v1;
	v1 =	vmul.f32 $1.131370830e+01, v6;
	v6 =	vld [tilespmem:s30+$0x1A50]  }
0x5a: {  	[tilespmem:s30+$0xE1F0] =	vst v0;
	v0 =	vmul.f32 $1.131370830e+01, v2;
	v2 =	vld [tilespmem:s30+$0x1A60]  }
0x5b: {  	[tilespmem:s30+$0xE200] =	vst v1;
	v1 =	vmul.f32 $1.131370830e+01, v3;
	v3 =	vld [tilespmem:s30+$0x1A70]  }
0x5c: {  	[tilespmem:s30+$0xE210] =	vst v0;
	v0 =	vmul.f32 $1.131370830e+01, v4;
	v4 =	vld [tilespmem:s30+$0x1A80]  }
0x5d: {  	[tilespmem:s30+$0xE220] =	vst v1;
	v1 =	vmul.f32 $1.131370830e+01, v5;
	v7 =	vld [tilespmem:s30+$0x1A90]  }
.Ltmp0:
0x5e: {  	[tilespmem:s30+$0xE230] =	vst v0;
	v5 =	vmul.f32 $1.131370830e+01, v6;
	v0 =	vld [tilespmem:s30+$0x1AA0];
	(pc) =	sbr.rel @p1 .LBB2_3-.Ltmp0, $4  }
0x5f: {  	[tilespmem:s30+$0xE240] =	vst v1;
	v6 =	vmul.f32 $1.131370830e+01, v2;
	v1 =	vld [tilespmem:s30+$0x1AB0]  }
0x60: {  	[tilespmem:s30+$0xE250] =	vst v5;
	v8 =	vmul.f32 $1.131370830e+01, v3;
	v2 =	vld [tilespmem:s30+$0x1AC0]  }
0x61: {  	[tilespmem:s30+$0xE260] =	vst v6;
	v5 =	vmul.f32 $1.131370830e+01, v4;
	v3 =	vld [tilespmem:s30+$0x1AD0]  }
0x62: {  	s31 =	sshra.s32 s1, $0x2;
	s1 =	sadd.s32 $0x800, s1;
	[tilespmem:s30+$0xE270] =	vst v8;
	v6 =	vmul.f32 $1.131370830e+01, v7;
	v4 =	vld [tilespmem:s30+$0x1AE0]  }
0x63: {  	v7 =	vld [tilespmem:s31+$0x1AF0];
	[tilespmem:s30+$0xE280] =	vst v5;
	v0 =	vmul.f32 $1.131370830e+01, v0  }
0x64: {  	v5 =	vld [tilespmem:s31+$0x1900];
	[tilespmem:s30+$0xE290] =	vst v6;
	v1 =	vmul.f32 $1.131370830e+01, v1  }
0x65: {  	v6 =	vld [tilespmem:s31+$0x1910];
	[tilespmem:s30+$0xE2A0] =	vst v0;
	v2 =	vmul.f32 $1.131370830e+01, v2  }
0x66: {  	v0 =	vld [tilespmem:s31+$0x1920];
	[tilespmem:s30+$0xE2B0] =	vst v1;
	v3 =	vmul.f32 $1.131370830e+01, v3  }
0x67: {  	v1 =	vld [tilespmem:s31+$0x1930];
	[tilespmem:s30+$0xE2C0] =	vst v2;
	v4 =	vmul.f32 $1.131370830e+01, v4  }
0x68: {  	v2 =	vld [tilespmem:s31+$0x1940];
	[tilespmem:s30+$0xE2D0] =	vst v3;
	v7 =	vmul.f32 $1.131370830e+01, v7  }
0x69: {  	v3 =	vld [tilespmem:s31+$0x1950];
	[tilespmem:s30+$0xE2E0] =	vst v4;
	v4 =	vmul.f32 $1.131370830e+01, v5  }
0x6a: {  	v5 =	vld [tilespmem:s31+$0x1960];
	[tilespmem:s31+$0xE2F0] =	vst v7;
	v6 =	vmul.f32 $1.131370830e+01, v6  }
0x6b: {  	[tilespmem:s31+$0xE100] =	vst v4;
	v4 =	vld [tilespmem:s31+$0x1970];
	v0 =	vmul.f32 $1.131370830e+01, v0  }
0x6c: {  	[tilespmem:s31+$0xE110] =	vst v6;
	v6 =	vld [tilespmem:s31+$0x1980];
	v1 =	vmul.f32 $1.131370830e+01, v1  }
0x6d: {  	[tilespmem:s31+$0xE120] =	vst v0;
	v0 =	vld [tilespmem:s31+$0x1990];
	v2 =	vmul.f32 $1.131370830e+01, v2  }
0x6e: {  	[tilespmem:s31+$0xE130] =	vst v1;
	v1 =	vld [tilespmem:s31+$0x19A0];
	v3 =	vmul.f32 $1.131370830e+01, v3  }
0x6f: {  	[tilespmem:s31+$0xE140] =	vst v2;
	v2 =	vld [tilespmem:s31+$0x19B0];
	v5 =	vmul.f32 $1.131370830e+01, v5  }
0x70: {  	[tilespmem:s31+$0xE150] =	vst v3;
	v3 =	vld [tilespmem:s31+$0x19C0];
	v4 =	vmul.f32 $1.131370830e+01, v4  }
0x71: {  	[tilespmem:s31+$0xE160] =	vst v5;
	v5 =	vld [tilespmem:s31+$0x19D0];
	v6 =	vmul.f32 $1.131370830e+01, v6  }
0x72: {  	[tilespmem:s31+$0xE170] =	vst v4;
	v4 =	vld [tilespmem:s31+$0x19E0];
	v0 =	vmul.f32 $1.131370830e+01, v0  }
0x73: {  	[tilespmem:s31+$0xE180] =	vst v6;
	v6 =	vld [tilespmem:s31+$0x19F0];
	v1 =	vmul.f32 $1.131370830e+01, v1  }
0x74: {  	[tilespmem:s31+$0xE190] =	vst v0;
	v0 =	vld [tilespmem:s31+$0x1A00];
	v2 =	vmul.f32 $1.131370830e+01, v2  }
0x75: {  	[tilespmem:s31+$0xE1A0] =	vst v1;
	v1 =	vld [tilespmem:s31+$0x1A10];
	v3 =	vmul.f32 $1.131370830e+01, v3  }
0x76: {  	[tilespmem:s31+$0xE1B0] =	vst v2;
	v2 =	vld [tilespmem:s31+$0x1A20];
	v5 =	vmul.f32 $1.131370830e+01, v5  }
0x77: {  	[tilespmem:s31+$0xE1C0] =	vst v3;
	v3 =	vld [tilespmem:s31+$0x1A30];
	v4 =	vmul.f32 $1.131370830e+01, v4  }
0x78: {  	[tilespmem:s31+$0xE1D0] =	vst v5;
	v5 =	vld [tilespmem:s31+$0x1A40];
	v6 =	vmul.f32 $1.131370830e+01, v6  }
0x79: {  	[tilespmem:s31+$0xE1E0] =	vst v4;
	v4 =	vld [tilespmem:s31+$0x1A50];
	v0 =	vmul.f32 $1.131370830e+01, v0  }
0x7a: {  	[tilespmem:s31+$0xE1F0] =	vst v6;
	v6 =	vld [tilespmem:s31+$0x1A60];
	v1 =	vmul.f32 $1.131370830e+01, v1  }
0x7b: {  	[tilespmem:s31+$0xE200] =	vst v0;
	v0 =	vld [tilespmem:s31+$0x1A70];
	v2 =	vmul.f32 $1.131370830e+01, v2  }
0x7c: {  	[tilespmem:s31+$0xE210] =	vst v1;
	v1 =	vld [tilespmem:s31+$0x1A80];
	v3 =	vmul.f32 $1.131370830e+01, v3  }
0x7d: {  	[tilespmem:s31+$0xE220] =	vst v2;
	v2 =	vld [tilespmem:s31+$0x1A90];
	v5 =	vmul.f32 $1.131370830e+01, v5  }
0x7e: {  	[tilespmem:s31+$0xE230] =	vst v3;
	v3 =	vld [tilespmem:s31+$0x1AA0];
	v4 =	vmul.f32 $1.131370830e+01, v4  }
0x7f: {  	[tilespmem:s31+$0xE240] =	vst v5;
	v5 =	vld [tilespmem:s31+$0x1AB0];
	v6 =	vmul.f32 $1.131370830e+01, v6  }
0x80: {  	[tilespmem:s31+$0xE250] =	vst v4;
	v4 =	vld [tilespmem:s31+$0x1AC0];
	v0 =	vmul.f32 $1.131370830e+01, v0  }
0x81: {  	[tilespmem:s31+$0xE260] =	vst v6;
	v6 =	vld [tilespmem:s31+$0x1AD0];
	v1 =	vmul.f32 $1.131370830e+01, v1  }
0x82: {  	[tilespmem:s31+$0xE270] =	vst v0;
	v0 =	vmul.f32 $1.131370830e+01, v2;
	v2 =	vld [tilespmem:s31+$0x1AE0]  }
0x83: {  	[tilespmem:s31+$0xE280] =	vst v1;
	v1 =	vmul.f32 $1.131370830e+01, v3  }
0x84: {  	[tilespmem:s31+$0xE290] =	vst v0;
	v0 =	vmul.f32 $1.131370830e+01, v5  }
0x85: {  	[tilespmem:s31+$0xE2A0] =	vst v1;
	v1 =	vmul.f32 $1.131370830e+01, v4  }
0x86: {  	[tilespmem:s31+$0xE2B0] =	vst v0;
	v0 =	vmul.f32 $1.131370830e+01, v6  }
0x87: {  	s1 =	sadd.s32 s5, s29;
	[tilespmem:s31+$0xE2C0] =	vst v1;
	v1 =	vmul.f32 $1.131370830e+01, v2  }
0x88: {  	s1 =	sshll.u32 s1, $0x4;
	[tilespmem:s31+$0xE2D0] =	vst v0  }
0x89: {  	s1 =	sadd.s32 s3, s1;
	[tilespmem:s31+$0xE2E0] =	vst v1  }
0x8a: {  	[hbm4b:s1+s4] =	stream.linear.scatter [tilespmem:s18], [sflag:$0x3], $0x6400, $0x38;
	[tilespmem:$0x1A900] =	vst v63  }
0x8b: {  	_ =	swait.ge [sflag:s19], $0x4000  }
0x8c: {  	[sflag:s19] =	ssyncset.done $0x0  }
0x8d: {  	[sflag:s19] =	ssyncadd.s32 $0xFFFFC000  }
0x8e: {  	_ =	swait.ge [sflag:s19], $0x2400  }
0x8f: {  	[sflag:s19] =	ssyncset.done $0x0  }
0x90: {  	s31 =	sadd.s32 $0x190, s29;
	[sflag:s19] =	ssyncadd.s32 $0xFFFFDC00  }
0x91: {  	[tilespmem:s12], [sflag:$0x1] =	stream.indirect.gather [hbm4b:s2+s11], $0x80, s31, s11, $0xb8;
	[tilespmem:$0x1A900] =	vst v63  }
0x92: {  	s1 =	simm.s32 @!p0 $0x4;
	s31 =	sadd.s32 $0x210, s29  }
0x93: {  	[tilespmem:s14], [sflag:$0x1] =	stream.indirect.gather [hbm4b:s2+s13], $0x80, s31, s13, $0xb8;
	[tilespmem:$0x1A900] =	vst v63  }
0x94: {  	_ =	swait.ge @!p0 [sflag:s1], $0x6400  }
0x95: {  	[sflag:s1] =	ssyncset.done @!p0 $0x0  }
0x96: {  	s29 =	simm.s32 $0x0;
	[sflag:s1] =	ssyncadd.s32 @!p0 $0xFFFF9C00  }
0x97: {  	v0 =	vld [tilespmem:s29+$0x7EF0]  }
0x98: {  	v1 =	vld [tilespmem:s29+$0x7D00];
	_ =	sdelay $0x1  }
0x99: {  	v2 =	vld [tilespmem:s29+$0x7D10]  }
0x9a: {  	v3 =	vld [tilespmem:s29+$0x7D20]  }
0x9b: {  	v4 =	vld [tilespmem:s29+$0x7D30];
	v0 =	vmul.f32 $1.131370830e+01, v0  }
0x9c: {  	v5 =	vld [tilespmem:s29+$0x7D40];
	v1 =	vmul.f32 $1.131370830e+01, v1  }
0x9d: {  	v6 =	vld [tilespmem:s29+$0x7D50];
	[tilespmem:s29+$0x146F0] =	vst v0  }
0x9e: {  	v0 =	vmul.f32 $1.131370830e+01, v2;
	[tilespmem:s29+$0x14500] =	vst v1;
	v1 =	vld [tilespmem:s29+$0x7D70]  }
0x9f: {  	v7 =	vld [tilespmem:s29+$0x7D60];
	v2 =	vmul.f32 $1.131370830e+01, v3  }
0xa0: {  	v3 =	vmul.f32 $1.131370830e+01, v4;
	[tilespmem:s29+$0x14510] =	vst v0;
	v0 =	vld [tilespmem:s29+$0x7D80]  }
0xa1: {  	v4 =	vmul.f32 $1.131370830e+01, v5;
	[tilespmem:s29+$0x14520] =	vst v2;
	v2 =	vld [tilespmem:s29+$0x7D90]  }
0xa2: {  	v5 =	vmul.f32 $1.131370830e+01, v6;
	[tilespmem:s29+$0x14530] =	vst v3;
	v3 =	vld [tilespmem:s29+$0x7DA0]  }
0xa3: {  	[tilespmem:s29+$0x14540] =	vst v4;
	v4 =	vld [tilespmem:s29+$0x7DB0];
	v1 =	vmul.f32 $1.131370830e+01, v1  }
0xa4: {  	v6 =	vmul.f32 $1.131370830e+01, v7;
	[tilespmem:s29+$0x14550] =	vst v5;
	v5 =	vld [tilespmem:s29+$0x7DC0]  }
0xa5: {  	v0 =	vmul.f32 $1.131370830e+01, v0;
	[tilespmem:s29+$0x14570] =	vst v1;
	v1 =	vld [tilespmem:s29+$0x7DE0]  }
0xa6: {  	[tilespmem:s29+$0x14560] =	vst v6;
	v6 =	vld [tilespmem:s29+$0x7DD0];
	v2 =	vmul.f32 $1.131370830e+01, v2  }
0xa7: {  	v3 =	vmul.f32 $1.131370830e+01, v3;
	[tilespmem:s29+$0x14580] =	vst v0;
	v0 =	vld [tilespmem:s29+$0x7DF0]  }
0xa8: {  	v4 =	vmul.f32 $1.131370830e+01, v4;
	[tilespmem:s29+$0x14590] =	vst v2;
	v2 =	vld [tilespmem:s29+$0x7E00]  }
0xa9: {  	v5 =	vmul.f32 $1.131370830e+01, v5;
	[tilespmem:s29+$0x145A0] =	vst v3;
	v3 =	vld [tilespmem:s29+$0x7E10]  }
0xaa: {  	[tilespmem:s29+$0x145B0] =	vst v4;
	v4 =	vld [tilespmem:s29+$0x7E20];
	v1 =	vmul.f32 $1.131370830e+01, v1  }
0xab: {  	v6 =	vmul.f32 $1.131370830e+01, v6;
	[tilespmem:s29+$0x145C0] =	vst v5;
	v5 =	vld [tilespmem:s29+$0x7E30]  }
0xac: {  	v0 =	vmul.f32 $1.131370830e+01, v0;
	[tilespmem:s29+$0x145E0] =	vst v1;
	v1 =	vld [tilespmem:s29+$0x7E50]  }
0xad: {  	[tilespmem:s29+$0x145D0] =	vst v6;
	v6 =	vld [tilespmem:s29+$0x7E40];
	v2 =	vmul.f32 $1.131370830e+01, v2  }
0xae: {  	[tilespmem:s29+$0x145F0] =	vst v0;
	v0 =	vmul.f32 $1.131370830e+01, v3;
	v3 =	vld [tilespmem:s29+$0x7E70]  }
0xaf: {  	v7 =	vld [tilespmem:s29+$0x7E60];
	[tilespmem:s29+$0x14600] =	vst v2;
	v2 =	vmul.f32 $1.131370830e+01, v4  }
0xb0: {  	v4 =	vld [tilespmem:s29+$0x7E80];
	[tilespmem:s29+$0x14610] =	vst v0;
	v0 =	vmul.f32 $1.131370830e+01, v5  }
0xb1: {  	v8 =	vld [tilespmem:s29+$0x7E90];
	[tilespmem:s29+$0x14620] =	vst v2;
	v5 =	vmul.f32 $1.131370830e+01, v1  }
0xb2: {  	v2 =	vmul.f32 $1.131370830e+01, v6;
	[tilespmem:s29+$0x14630] =	vst v0;
	v0 =	vld [tilespmem:s29+$0x7EA0]  }
0xb3: {  	v1 =	vld [tilespmem:s29+$0x7EB0];
	[tilespmem:s29+$0x14650] =	vst v5;
	v5 =	vmul.f32 $1.131370830e+01, v3  }
0xb4: {  	v6 =	vmul.f32 $1.131370830e+01, v7;
	[tilespmem:s29+$0x14640] =	vst v2;
	v2 =	vld [tilespmem:s29+$0x7EC0]  }
0xb5: {  	v3 =	vld [tilespmem:s29+$0x7ED0];
	[tilespmem:s29+$0x14670] =	vst v5;
	v5 =	vmul.f32 $1.131370830e+01, v4  }
0xb6: {  	s30 =	simm.s32 $0x200;
	s1 =	simm.s32 $0x1000;
	[tilespmem:s29+$0x14660] =	vst v6;
	v6 =	vmul.f32 $1.131370830e+01, v8;
	v4 =	vld [tilespmem:s29+$0x7EE0]  }
.LBB2_5:
0xb7: {  	p0 =	sne.s32 s1, $0x18800;
	v7 =	vld [tilespmem:s30+$0x7EF0];
	[tilespmem:s29+$0x14680] =	vst v5;
	v0 =	vmul.f32 $1.131370830e+01, v0  }
0xb8: {  	v5 =	vld [tilespmem:s30+$0x7D00];
	[tilespmem:s29+$0x14690] =	vst v6;
	v1 =	vmul.f32 $1.131370830e+01, v1  }
0xb9: {  	v6 =	vld [tilespmem:s30+$0x7D10];
	[tilespmem:s29+$0x146A0] =	vst v0;
	v0 =	vmul.f32 $1.131370830e+01, v2  }
0xba: {  	v2 =	vld [tilespmem:s30+$0x7D20];
	[tilespmem:s29+$0x146B0] =	vst v1;
	v1 =	vmul.f32 $1.131370830e+01, v3  }
0xbb: {  	v3 =	vld [tilespmem:s30+$0x7D30];
	[tilespmem:s29+$0x146C0] =	vst v0;
	v0 =	vmul.f32 $1.131370830e+01, v4  }
0xbc: {  	v4 =	vld [tilespmem:s30+$0x7D40];
	v7 =	vmul.f32 $1.131370830e+01, v7;
	[tilespmem:s29+$0x146D0] =	vst v1  }
0xbd: {  	v1 =	vmul.f32 $1.131370830e+01, v5;
	v5 =	vld [tilespmem:s30+$0x7D50];
	[tilespmem:s29+$0x146E0] =	vst v0;
	s29 =	smov.u32 s30  }
0xbe: {  	v0 =	vmul.f32 $1.131370830e+01, v6;
	v6 =	vld [tilespmem:s29+$0x7D60];
	[tilespmem:s29+$0x146F0] =	vst v7  }
0xbf: {  	[tilespmem:s29+$0x14500] =	vst v1;
	v1 =	vmul.f32 $1.131370830e+01, v2;
	v2 =	vld [tilespmem:s29+$0x7D70]  }
0xc0: {  	[tilespmem:s29+$0x14510] =	vst v0;
	v0 =	vmul.f32 $1.131370830e+01, v3;
	v3 =	vld [tilespmem:s29+$0x7D80]  }
0xc1: {  	[tilespmem:s29+$0x14520] =	vst v1;
	v1 =	vmul.f32 $1.131370830e+01, v4;
	v4 =	vld [tilespmem:s29+$0x7D90]  }
0xc2: {  	[tilespmem:s29+$0x14530] =	vst v0;
	v0 =	vmul.f32 $1.131370830e+01, v5;
	v5 =	vld [tilespmem:s29+$0x7DA0]  }
0xc3: {  	[tilespmem:s29+$0x14540] =	vst v1;
	v1 =	vmul.f32 $1.131370830e+01, v6;
	v6 =	vld [tilespmem:s29+$0x7DB0]  }
0xc4: {  	[tilespmem:s29+$0x14550] =	vst v0;
	v0 =	vmul.f32 $1.131370830e+01, v2;
	v2 =	vld [tilespmem:s29+$0x7DC0]  }
0xc5: {  	[tilespmem:s29+$0x14560] =	vst v1;
	v1 =	vmul.f32 $1.131370830e+01, v3;
	v3 =	vld [tilespmem:s29+$0x7DD0]  }
0xc6: {  	[tilespmem:s29+$0x14570] =	vst v0;
	v0 =	vmul.f32 $1.131370830e+01, v4;
	v4 =	vld [tilespmem:s29+$0x7DE0]  }
0xc7: {  	[tilespmem:s29+$0x14580] =	vst v1;
	v1 =	vmul.f32 $1.131370830e+01, v5;
	v5 =	vld [tilespmem:s29+$0x7DF0]  }
0xc8: {  	[tilespmem:s29+$0x14590] =	vst v0;
	v0 =	vmul.f32 $1.131370830e+01, v6;
	v6 =	vld [tilespmem:s29+$0x7E00]  }
0xc9: {  	[tilespmem:s29+$0x145A0] =	vst v1;
	v1 =	vmul.f32 $1.131370830e+01, v2;
	v2 =	vld [tilespmem:s29+$0x7E10]  }
0xca: {  	[tilespmem:s29+$0x145B0] =	vst v0;
	v0 =	vmul.f32 $1.131370830e+01, v3;
	v3 =	vld [tilespmem:s29+$0x7E20]  }
0xcb: {  	[tilespmem:s29+$0x145C0] =	vst v1;
	v1 =	vmul.f32 $1.131370830e+01, v4;
	v4 =	vld [tilespmem:s29+$0x7E30]  }
0xcc: {  	[tilespmem:s29+$0x145D0] =	vst v0;
	v0 =	vmul.f32 $1.131370830e+01, v5;
	v5 =	vld [tilespmem:s29+$0x7E40]  }
0xcd: {  	[tilespmem:s29+$0x145E0] =	vst v1;
	v1 =	vmul.f32 $1.131370830e+01, v6;
	v6 =	vld [tilespmem:s29+$0x7E50]  }
0xce: {  	[tilespmem:s29+$0x145F0] =	vst v0;
	v0 =	vmul.f32 $1.131370830e+01, v2;
	v2 =	vld [tilespmem:s29+$0x7E60]  }
0xcf: {  	[tilespmem:s29+$0x14600] =	vst v1;
	v1 =	vmul.f32 $1.131370830e+01, v3;
	v3 =	vld [tilespmem:s29+$0x7E70]  }
0xd0: {  	[tilespmem:s29+$0x14610] =	vst v0;
	v0 =	vmul.f32 $1.131370830e+01, v4;
	v4 =	vld [tilespmem:s29+$0x7E80]  }
0xd1: {  	[tilespmem:s29+$0x14620] =	vst v1;
	v1 =	vmul.f32 $1.131370830e+01, v5;
	v7 =	vld [tilespmem:s29+$0x7E90]  }
.Ltmp1:
0xd2: {  	[tilespmem:s29+$0x14630] =	vst v0;
	v5 =	vmul.f32 $1.131370830e+01, v6;
	v0 =	vld [tilespmem:s29+$0x7EA0];
	(pc) =	sbr.rel @p0 .LBB2_5-.Ltmp1, $4  }
0xd3: {  	[tilespmem:s29+$0x14640] =	vst v1;
	v6 =	vmul.f32 $1.131370830e+01, v2;
	v1 =	vld [tilespmem:s29+$0x7EB0]  }
0xd4: {  	[tilespmem:s29+$0x14650] =	vst v5;
	v8 =	vmul.f32 $1.131370830e+01, v3;
	v2 =	vld [tilespmem:s29+$0x7EC0]  }
0xd5: {  	[tilespmem:s29+$0x14660] =	vst v6;
	v5 =	vmul.f32 $1.131370830e+01, v4;
	v3 =	vld [tilespmem:s29+$0x7ED0]  }
0xd6: {  	s30 =	sshra.s32 s1, $0x2;
	s1 =	sadd.s32 $0x800, s1;
	[tilespmem:s29+$0x14670] =	vst v8;
	v6 =	vmul.f32 $1.131370830e+01, v7;
	v4 =	vld [tilespmem:s29+$0x7EE0]  }
0xd7: {  	v7 =	vld [tilespmem:s30+$0x7EF0];
	[tilespmem:s29+$0x14680] =	vst v5;
	v0 =	vmul.f32 $1.131370830e+01, v0  }
0xd8: {  	v5 =	vld [tilespmem:s30+$0x7D00];
	[tilespmem:s29+$0x14690] =	vst v6;
	v1 =	vmul.f32 $1.131370830e+01, v1  }
0xd9: {  	v6 =	vld [tilespmem:s30+$0x7D10];
	[tilespmem:s29+$0x146A0] =	vst v0;
	v2 =	vmul.f32 $1.131370830e+01, v2  }
0xda: {  	v0 =	vld [tilespmem:s30+$0x7D20];
	[tilespmem:s29+$0x146B0] =	vst v1;
	v3 =	vmul.f32 $1.131370830e+01, v3  }
0xdb: {  	v1 =	vld [tilespmem:s30+$0x7D30];
	[tilespmem:s29+$0x146C0] =	vst v2;
	v4 =	vmul.f32 $1.131370830e+01, v4  }
0xdc: {  	v2 =	vld [tilespmem:s30+$0x7D40];
	[tilespmem:s29+$0x146D0] =	vst v3;
	v7 =	vmul.f32 $1.131370830e+01, v7  }
0xdd: {  	v3 =	vld [tilespmem:s30+$0x7D50];
	[tilespmem:s29+$0x146E0] =	vst v4;
	v32 =	vmul.f32 $1.131370830e+01, v5  }
0xde: {  	v33 =	vld [tilespmem:s30+$0x7D60];
	[tilespmem:s30+$0x146F0] =	vst v7;
	v6 =	vmul.f32 $1.131370830e+01, v6  }
0xdf: {  	v34 =	vld [tilespmem:s30+$0x7D70];
	[tilespmem:s30+$0x14500] =	vst v32;
	v0 =	vmul.f32 $1.131370830e+01, v0  }
0xe0: {  	v35 =	vld [tilespmem:s30+$0x7D80];
	[tilespmem:s30+$0x14510] =	vst v6;
	v1 =	vmul.f32 $1.131370830e+01, v1  }
0xe1: {  	v36 =	vld [tilespmem:s30+$0x7D90];
	[tilespmem:s30+$0x14520] =	vst v0;
	v2 =	vmul.f32 $1.131370830e+01, v2  }
0xe2: {  	v37 =	vld [tilespmem:s30+$0x7DA0];
	[tilespmem:s30+$0x14530] =	vst v1;
	v3 =	vmul.f32 $1.131370830e+01, v3  }
0xe3: {  	v38 =	vld [tilespmem:s30+$0x7DB0];
	[tilespmem:s30+$0x14540] =	vst v2;
	v5 =	vmul.f32 $1.131370830e+01, v33  }
0xe4: {  	v52 =	vld [tilespmem:s30+$0x7E90];
	v4 =	vmul.f32 $1.131370830e+01, v34;
	[tilespmem:s30+$0x14550] =	vst v3  }
0xe5: {  	v53 =	vld [tilespmem:s30+$0x7EA0];
	v6 =	vmul.f32 $1.131370830e+01, v35;
	[tilespmem:s30+$0x14560] =	vst v5  }
0xe6: {  	v54 =	vld [tilespmem:s30+$0x7EB0];
	v0 =	vmul.f32 $1.131370830e+01, v36;
	[tilespmem:s30+$0x14570] =	vst v4  }
0xe7: {  	v55 =	vld [tilespmem:s30+$0x7EC0];
	v1 =	vmul.f32 $1.131370830e+01, v37;
	[tilespmem:s30+$0x14580] =	vst v6  }
0xe8: {  	v56 =	vld [tilespmem:s30+$0x7ED0];
	v2 =	vmul.f32 $1.131370830e+01, v38;
	[tilespmem:s30+$0x14590] =	vst v0  }
0xe9: {  	v58 =	vld [tilespmem:s30+$0x7EE0];
	v57 =	vmul.f32 $1.131370830e+01, v52;
	[tilespmem:s30+$0x145A0] =	vst v1  }
0xea: {  	v39 =	vld [tilespmem:s30+$0x7DC0];
	v59 =	vmul.f32 $1.131370830e+01, v53;
	[tilespmem:s30+$0x145B0] =	vst v2  }
0xeb: {  	v40 =	vld [tilespmem:s30+$0x7DD0];
	v60 =	vmul.f32 $1.131370830e+01, v54;
	[tilespmem:s30+$0x14690] =	vst v57  }
0xec: {  	v41 =	vld [tilespmem:s30+$0x7DE0];
	v61 =	vmul.f32 $1.131370830e+01, v55;
	[tilespmem:s30+$0x146A0] =	vst v59  }
0xed: {  	v42 =	vld [tilespmem:s30+$0x7DF0];
	v62 =	vmul.f32 $1.131370830e+01, v56;
	[tilespmem:s30+$0x146B0] =	vst v60  }
0xee: {  	v43 =	vld [tilespmem:s30+$0x7E00];
	v63 =	vmul.f32 $1.131370830e+01, v58;
	[tilespmem:s30+$0x146C0] =	vst v61  }
0xef: {  	v44 =	vld [tilespmem:s30+$0x7E10];
	v3 =	vmul.f32 $1.131370830e+01, v39;
	[tilespmem:s30+$0x146D0] =	vst v62  }
0xf0: {  	v45 =	vld [tilespmem:s30+$0x7E20];
	v5 =	vmul.f32 $1.131370830e+01, v40;
	[tilespmem:s30+$0x146E0] =	vst v63  }
0xf1: {  	v46 =	vld [tilespmem:s30+$0x7E30];
	v4 =	vmul.f32 $1.131370830e+01, v41;
	[tilespmem:s30+$0x145C0] =	vst v3  }
0xf2: {  	v47 =	vld [tilespmem:s30+$0x7E40];
	v6 =	vmul.f32 $1.131370830e+01, v42;
	[tilespmem:s30+$0x145D0] =	vst v5  }
0xf3: {  	v48 =	vld [tilespmem:s30+$0x7E50];
	v0 =	vmul.f32 $1.131370830e+01, v43;
	[tilespmem:s30+$0x145E0] =	vst v4  }
0xf4: {  	v49 =	vld [tilespmem:s30+$0x7E60];
	v1 =	vmul.f32 $1.131370830e+01, v44;
	[tilespmem:s30+$0x145F0] =	vst v6  }
0xf5: {  	v50 =	vld [tilespmem:s30+$0x7E70];
	v2 =	vmul.f32 $1.131370830e+01, v45;
	[tilespmem:s30+$0x14600] =	vst v0  }
0xf6: {  	v51 =	vld [tilespmem:s30+$0x7E80];
	v3 =	vmul.f32 $1.131370830e+01, v46;
	[tilespmem:s30+$0x14610] =	vst v1  }
0xf7: {  	[tilespmem:s30+$0x14620] =	vst v2;
	v5 =	vmul.f32 $1.131370830e+01, v47  }
0xf8: {  	s26 =	sadd.s32 $0x1, s26;
	v4 =	vmul.f32 $1.131370830e+01, v48;
	[tilespmem:s30+$0x14630] =	vst v3  }
0xf9: {  	p0 =	sne.s32 s26, $0xF;
	v6 =	vmul.f32 $1.131370830e+01, v49;
	[tilespmem:s30+$0x14640] =	vst v5  }
.Ltmp2:
0xfa: {  	v0 =	vmul.f32 $1.131370830e+01, v50;
	[tilespmem:s30+$0x14650] =	vst v4;
	(pc) =	sbr.rel @p0 .LBB2_2-.Ltmp2, $4  }
0xfb: {  	s1 =	sadd.s32 s5, s28;
	v1 =	vmul.f32 $1.131370830e+01, v51;
	[tilespmem:s30+$0x14660] =	vst v6  }
0xfc: {  	s1 =	sshll.u32 s1, $0x4;
	[tilespmem:s30+$0x14670] =	vst v0  }
0xfd: {  	s1 =	sadd.s32 s3, s1;
	[tilespmem:s30+$0x14680] =	vst v1  }
0xfe: {  	[hbm4b:s1+s4] =	stream.linear.scatter [tilespmem:s20], [sflag:$0x4], $0x6400, $0x38;
	[tilespmem:$0x1A900] =	vst v63  }
0xff: {  	_ =	swait.ge [sflag:s15], $0x4000  }
0x100: {  	[sflag:s15] =	ssyncset.done $0x0  }
0x101: {  	[sflag:s15] =	ssyncadd.s32 $0xFFFFC000  }
0x102: {  	_ =	swait.ge [sflag:s15], $0x2400  }
0x103: {  	[sflag:s15] =	ssyncset.done $0x0  }
0x104: {  	[sflag:s15] =	ssyncadd.s32 $0xFFFFDC00  }
0x105: {  	[tilespmem:s16], [sflag:$0x2] =	stream.indirect.gather [hbm4b:s2+s11], $0x80, s21, s11, $0xb8;
	[tilespmem:$0x1A900] =	vst v63  }
0x106: {  	_ = 	snop  }
0x107: {  	[tilespmem:s17], [sflag:$0x2] =	stream.indirect.gather [hbm4b:s2+s13], $0x80, s22, s13, $0xb8;
	[tilespmem:$0x1A900] =	vst v63  }
0x108: {  	_ =	swait.ge [sflag:s23], $0x6400  }
0x109: {  	[sflag:s23] =	ssyncset.done $0x0  }
0x10a: {  	s26 =	simm.s32 $0x0;
	[sflag:s23] =	ssyncadd.s32 $0xFFFF9C00  }
0x10b: {  	v0 =	vld [tilespmem:s26+$0x1AF0]  }
0x10c: {  	v1 =	vld [tilespmem:s26+$0x1900];
	_ =	sdelay $0x1  }
0x10d: {  	v2 =	vld [tilespmem:s26+$0x1910]  }
0x10e: {  	v3 =	vld [tilespmem:s26+$0x1920]  }
0x10f: {  	v4 =	vld [tilespmem:s26+$0x1930];
	v0 =	vmul.f32 $1.131370830e+01, v0  }
0x110: {  	v5 =	vld [tilespmem:s26+$0x1940];
	v1 =	vmul.f32 $1.131370830e+01, v1  }
0x111: {  	v6 =	vld [tilespmem:s26+$0x1950];
	[tilespmem:s26+$0xE2F0] =	vst v0  }
0x112: {  	v0 =	vmul.f32 $1.131370830e+01, v2;
	[tilespmem:s26+$0xE100] =	vst v1;
	v1 =	vld [tilespmem:s26+$0x1970]  }
0x113: {  	v7 =	vld [tilespmem:s26+$0x1960];
	v2 =	vmul.f32 $1.131370830e+01, v3  }
0x114: {  	v3 =	vmul.f32 $1.131370830e+01, v4;
	[tilespmem:s26+$0xE110] =	vst v0;
	v0 =	vld [tilespmem:s26+$0x1980]  }
0x115: {  	v4 =	vmul.f32 $1.131370830e+01, v5;
	[tilespmem:s26+$0xE120] =	vst v2;
	v2 =	vld [tilespmem:s26+$0x1990]  }
0x116: {  	v5 =	vmul.f32 $1.131370830e+01, v6;
	[tilespmem:s26+$0xE130] =	vst v3;
	v3 =	vld [tilespmem:s26+$0x19A0]  }
0x117: {  	[tilespmem:s26+$0xE140] =	vst v4;
	v4 =	vld [tilespmem:s26+$0x19B0];
	v1 =	vmul.f32 $1.131370830e+01, v1  }
0x118: {  	v6 =	vmul.f32 $1.131370830e+01, v7;
	[tilespmem:s26+$0xE150] =	vst v5;
	v5 =	vld [tilespmem:s26+$0x19C0]  }
0x119: {  	v0 =	vmul.f32 $1.131370830e+01, v0;
	[tilespmem:s26+$0xE170] =	vst v1;
	v1 =	vld [tilespmem:s26+$0x19E0]  }
0x11a: {  	[tilespmem:s26+$0xE160] =	vst v6;
	v6 =	vld [tilespmem:s26+$0x19D0];
	v2 =	vmul.f32 $1.131370830e+01, v2  }
0x11b: {  	v3 =	vmul.f32 $1.131370830e+01, v3;
	[tilespmem:s26+$0xE180] =	vst v0;
	v0 =	vld [tilespmem:s26+$0x19F0]  }
0x11c: {  	v4 =	vmul.f32 $1.131370830e+01, v4;
	[tilespmem:s26+$0xE190] =	vst v2;
	v2 =	vld [tilespmem:s26+$0x1A00]  }
0x11d: {  	v5 =	vmul.f32 $1.131370830e+01, v5;
	[tilespmem:s26+$0xE1A0] =	vst v3;
	v3 =	vld [tilespmem:s26+$0x1A10]  }
0x11e: {  	[tilespmem:s26+$0xE1B0] =	vst v4;
	v4 =	vld [tilespmem:s26+$0x1A20];
	v1 =	vmul.f32 $1.131370830e+01, v1  }
0x11f: {  	v6 =	vmul.f32 $1.131370830e+01, v6;
	[tilespmem:s26+$0xE1C0] =	vst v5;
	v5 =	vld [tilespmem:s26+$0x1A30]  }
0x120: {  	v0 =	vmul.f32 $1.131370830e+01, v0;
	[tilespmem:s26+$0xE1E0] =	vst v1;
	v1 =	vld [tilespmem:s26+$0x1A50]  }
0x121: {  	[tilespmem:s26+$0xE1D0] =	vst v6;
	v6 =	vld [tilespmem:s26+$0x1A40];
	v2 =	vmul.f32 $1.131370830e+01, v2  }
0x122: {  	[tilespmem:s26+$0xE1F0] =	vst v0;
	v0 =	vmul.f32 $1.131370830e+01, v3;
	v3 =	vld [tilespmem:s26+$0x1A70]  }
0x123: {  	v7 =	vld [tilespmem:s26+$0x1A60];
	[tilespmem:s26+$0xE200] =	vst v2;
	v2 =	vmul.f32 $1.131370830e+01, v4  }
0x124: {  	v4 =	vld [tilespmem:s26+$0x1A80];
	[tilespmem:s26+$0xE210] =	vst v0;
	v0 =	vmul.f32 $1.131370830e+01, v5  }
0x125: {  	v8 =	vld [tilespmem:s26+$0x1A90];
	[tilespmem:s26+$0xE220] =	vst v2;
	v5 =	vmul.f32 $1.131370830e+01, v1  }
0x126: {  	v2 =	vmul.f32 $1.131370830e+01, v6;
	[tilespmem:s26+$0xE230] =	vst v0;
	v0 =	vld [tilespmem:s26+$0x1AA0]  }
0x127: {  	v1 =	vld [tilespmem:s26+$0x1AB0];
	[tilespmem:s26+$0xE250] =	vst v5;
	v5 =	vmul.f32 $1.131370830e+01, v3  }
0x128: {  	v6 =	vmul.f32 $1.131370830e+01, v7;
	[tilespmem:s26+$0xE240] =	vst v2;
	v2 =	vld [tilespmem:s26+$0x1AC0]  }
0x129: {  	v3 =	vld [tilespmem:s26+$0x1AD0];
	[tilespmem:s26+$0xE270] =	vst v5;
	v5 =	vmul.f32 $1.131370830e+01, v4  }
0x12a: {  	s28 =	simm.s32 $0x200;
	s1 =	simm.s32 $0x1000;
	[tilespmem:s26+$0xE260] =	vst v6;
	v6 =	vmul.f32 $1.131370830e+01, v8;
	v4 =	vld [tilespmem:s26+$0x1AE0]  }
.LBB2_8:
0x12b: {  	p0 =	sne.s32 s1, $0x18800;
	v7 =	vld [tilespmem:s28+$0x1AF0];
	[tilespmem:s26+$0xE280] =	vst v5;
	v0 =	vmul.f32 $1.131370830e+01, v0  }
0x12c: {  	v5 =	vld [tilespmem:s28+$0x1900];
	[tilespmem:s26+$0xE290] =	vst v6;
	v1 =	vmul.f32 $1.131370830e+01, v1  }
0x12d: {  	v6 =	vld [tilespmem:s28+$0x1910];
	[tilespmem:s26+$0xE2A0] =	vst v0;
	v0 =	vmul.f32 $1.131370830e+01, v2  }
0x12e: {  	v2 =	vld [tilespmem:s28+$0x1920];
	[tilespmem:s26+$0xE2B0] =	vst v1;
	v1 =	vmul.f32 $1.131370830e+01, v3  }
0x12f: {  	v3 =	vld [tilespmem:s28+$0x1930];
	[tilespmem:s26+$0xE2C0] =	vst v0;
	v0 =	vmul.f32 $1.131370830e+01, v4  }
0x130: {  	v4 =	vld [tilespmem:s28+$0x1940];
	v7 =	vmul.f32 $1.131370830e+01, v7;
	[tilespmem:s26+$0xE2D0] =	vst v1  }
0x131: {  	v1 =	vmul.f32 $1.131370830e+01, v5;
	v5 =	vld [tilespmem:s28+$0x1950];
	[tilespmem:s26+$0xE2E0] =	vst v0;
	s26 =	smov.u32 s28  }
0x132: {  	v0 =	vmul.f32 $1.131370830e+01, v6;
	v6 =	vld [tilespmem:s26+$0x1960];
	[tilespmem:s26+$0xE2F0] =	vst v7  }
0x133: {  	[tilespmem:s26+$0xE100] =	vst v1;
	v1 =	vmul.f32 $1.131370830e+01, v2;
	v2 =	vld [tilespmem:s26+$0x1970]  }
0x134: {  	[tilespmem:s26+$0xE110] =	vst v0;
	v0 =	vmul.f32 $1.131370830e+01, v3;
	v3 =	vld [tilespmem:s26+$0x1980]  }
0x135: {  	[tilespmem:s26+$0xE120] =	vst v1;
	v1 =	vmul.f32 $1.131370830e+01, v4;
	v4 =	vld [tilespmem:s26+$0x1990]  }
0x136: {  	[tilespmem:s26+$0xE130] =	vst v0;
	v0 =	vmul.f32 $1.131370830e+01, v5;
	v5 =	vld [tilespmem:s26+$0x19A0]  }
0x137: {  	[tilespmem:s26+$0xE140] =	vst v1;
	v1 =	vmul.f32 $1.131370830e+01, v6;
	v6 =	vld [tilespmem:s26+$0x19B0]  }
0x138: {  	[tilespmem:s26+$0xE150] =	vst v0;
	v0 =	vmul.f32 $1.131370830e+01, v2;
	v2 =	vld [tilespmem:s26+$0x19C0]  }
0x139: {  	[tilespmem:s26+$0xE160] =	vst v1;
	v1 =	vmul.f32 $1.131370830e+01, v3;
	v3 =	vld [tilespmem:s26+$0x19D0]  }
0x13a: {  	[tilespmem:s26+$0xE170] =	vst v0;
	v0 =	vmul.f32 $1.131370830e+01, v4;
	v4 =	vld [tilespmem:s26+$0x19E0]  }
0x13b: {  	[tilespmem:s26+$0xE180] =	vst v1;
	v1 =	vmul.f32 $1.131370830e+01, v5;
	v5 =	vld [tilespmem:s26+$0x19F0]  }
0x13c: {  	[tilespmem:s26+$0xE190] =	vst v0;
	v0 =	vmul.f32 $1.131370830e+01, v6;
	v6 =	vld [tilespmem:s26+$0x1A00]  }
0x13d: {  	[tilespmem:s26+$0xE1A0] =	vst v1;
	v1 =	vmul.f32 $1.131370830e+01, v2;
	v2 =	vld [tilespmem:s26+$0x1A10]  }
0x13e: {  	[tilespmem:s26+$0xE1B0] =	vst v0;
	v0 =	vmul.f32 $1.131370830e+01, v3;
	v3 =	vld [tilespmem:s26+$0x1A20]  }
0x13f: {  	[tilespmem:s26+$0xE1C0] =	vst v1;
	v1 =	vmul.f32 $1.131370830e+01, v4;
	v4 =	vld [tilespmem:s26+$0x1A30]  }
0x140: {  	[tilespmem:s26+$0xE1D0] =	vst v0;
	v0 =	vmul.f32 $1.131370830e+01, v5;
	v5 =	vld [tilespmem:s26+$0x1A40]  }
0x141: {  	[tilespmem:s26+$0xE1E0] =	vst v1;
	v1 =	vmul.f32 $1.131370830e+01, v6;
	v6 =	vld [tilespmem:s26+$0x1A50]  }
0x142: {  	[tilespmem:s26+$0xE1F0] =	vst v0;
	v0 =	vmul.f32 $1.131370830e+01, v2;
	v2 =	vld [tilespmem:s26+$0x1A60]  }
0x143: {  	[tilespmem:s26+$0xE200] =	vst v1;
	v1 =	vmul.f32 $1.131370830e+01, v3;
	v3 =	vld [tilespmem:s26+$0x1A70]  }
0x144: {  	[tilespmem:s26+$0xE210] =	vst v0;
	v0 =	vmul.f32 $1.131370830e+01, v4;
	v4 =	vld [tilespmem:s26+$0x1A80]  }
0x145: {  	[tilespmem:s26+$0xE220] =	vst v1;
	v1 =	vmul.f32 $1.131370830e+01, v5;
	v7 =	vld [tilespmem:s26+$0x1A90]  }
.Ltmp3:
0x146: {  	[tilespmem:s26+$0xE230] =	vst v0;
	v5 =	vmul.f32 $1.131370830e+01, v6;
	v0 =	vld [tilespmem:s26+$0x1AA0];
	(pc) =	sbr.rel @p0 .LBB2_8-.Ltmp3, $4  }
0x147: {  	[tilespmem:s26+$0xE240] =	vst v1;
	v6 =	vmul.f32 $1.131370830e+01, v2;
	v1 =	vld [tilespmem:s26+$0x1AB0]  }
0x148: {  	[tilespmem:s26+$0xE250] =	vst v5;
	v8 =	vmul.f32 $1.131370830e+01, v3;
	v2 =	vld [tilespmem:s26+$0x1AC0]  }
0x149: {  	[tilespmem:s26+$0xE260] =	vst v6;
	v5 =	vmul.f32 $1.131370830e+01, v4;
	v3 =	vld [tilespmem:s26+$0x1AD0]  }
0x14a: {  	s28 =	sshra.s32 s1, $0x2;
	s1 =	sadd.s32 $0x800, s1;
	[tilespmem:s26+$0xE270] =	vst v8;
	v6 =	vmul.f32 $1.131370830e+01, v7;
	v4 =	vld [tilespmem:s26+$0x1AE0]  }
0x14b: {  	v7 =	vld [tilespmem:s28+$0x1AF0];
	[tilespmem:s26+$0xE280] =	vst v5;
	v0 =	vmul.f32 $1.131370830e+01, v0  }
0x14c: {  	v5 =	vld [tilespmem:s28+$0x1900];
	[tilespmem:s26+$0xE290] =	vst v6;
	v1 =	vmul.f32 $1.131370830e+01, v1  }
0x14d: {  	v6 =	vld [tilespmem:s28+$0x1910];
	[tilespmem:s26+$0xE2A0] =	vst v0;
	v2 =	vmul.f32 $1.131370830e+01, v2  }
0x14e: {  	v0 =	vld [tilespmem:s28+$0x1920];
	[tilespmem:s26+$0xE2B0] =	vst v1;
	v3 =	vmul.f32 $1.131370830e+01, v3  }
0x14f: {  	v1 =	vld [tilespmem:s28+$0x1930];
	[tilespmem:s26+$0xE2C0] =	vst v2;
	v4 =	vmul.f32 $1.131370830e+01, v4  }
0x150: {  	v2 =	vld [tilespmem:s28+$0x1940];
	[tilespmem:s26+$0xE2D0] =	vst v3;
	v7 =	vmul.f32 $1.131370830e+01, v7  }
0x151: {  	v3 =	vld [tilespmem:s28+$0x1950];
	[tilespmem:s26+$0xE2E0] =	vst v4;
	v4 =	vmul.f32 $1.131370830e+01, v5  }
0x152: {  	v5 =	vld [tilespmem:s28+$0x1960];
	[tilespmem:s28+$0xE2F0] =	vst v7;
	v6 =	vmul.f32 $1.131370830e+01, v6  }
0x153: {  	[tilespmem:s28+$0xE100] =	vst v4;
	v4 =	vld [tilespmem:s28+$0x1970];
	v0 =	vmul.f32 $1.131370830e+01, v0  }
0x154: {  	[tilespmem:s28+$0xE110] =	vst v6;
	v6 =	vld [tilespmem:s28+$0x1980];
	v1 =	vmul.f32 $1.131370830e+01, v1  }
0x155: {  	[tilespmem:s28+$0xE120] =	vst v0;
	v0 =	vld [tilespmem:s28+$0x1990];
	v2 =	vmul.f32 $1.131370830e+01, v2  }
0x156: {  	[tilespmem:s28+$0xE130] =	vst v1;
	v1 =	vld [tilespmem:s28+$0x19A0];
	v3 =	vmul.f32 $1.131370830e+01, v3  }
0x157: {  	[tilespmem:s28+$0xE140] =	vst v2;
	v2 =	vld [tilespmem:s28+$0x19B0];
	v5 =	vmul.f32 $1.131370830e+01, v5  }
0x158: {  	[tilespmem:s28+$0xE150] =	vst v3;
	v3 =	vld [tilespmem:s28+$0x19C0];
	v4 =	vmul.f32 $1.131370830e+01, v4  }
0x159: {  	[tilespmem:s28+$0xE160] =	vst v5;
	v5 =	vld [tilespmem:s28+$0x19D0];
	v6 =	vmul.f32 $1.131370830e+01, v6  }
0x15a: {  	[tilespmem:s28+$0xE170] =	vst v4;
	v4 =	vld [tilespmem:s28+$0x19E0];
	v0 =	vmul.f32 $1.131370830e+01, v0  }
0x15b: {  	[tilespmem:s28+$0xE180] =	vst v6;
	v6 =	vld [tilespmem:s28+$0x19F0];
	v1 =	vmul.f32 $1.131370830e+01, v1  }
0x15c: {  	[tilespmem:s28+$0xE190] =	vst v0;
	v0 =	vld [tilespmem:s28+$0x1A00];
	v2 =	vmul.f32 $1.131370830e+01, v2  }
0x15d: {  	[tilespmem:s28+$0xE1A0] =	vst v1;
	v1 =	vld [tilespmem:s28+$0x1A10];
	v3 =	vmul.f32 $1.131370830e+01, v3  }
0x15e: {  	[tilespmem:s28+$0xE1B0] =	vst v2;
	v2 =	vld [tilespmem:s28+$0x1A20];
	v5 =	vmul.f32 $1.131370830e+01, v5  }
0x15f: {  	[tilespmem:s28+$0xE1C0] =	vst v3;
	v3 =	vld [tilespmem:s28+$0x1A30];
	v4 =	vmul.f32 $1.131370830e+01, v4  }
0x160: {  	[tilespmem:s28+$0xE1D0] =	vst v5;
	v5 =	vld [tilespmem:s28+$0x1A40];
	v6 =	vmul.f32 $1.131370830e+01, v6  }
0x161: {  	[tilespmem:s28+$0xE1E0] =	vst v4;
	v4 =	vld [tilespmem:s28+$0x1A50];
	v0 =	vmul.f32 $1.131370830e+01, v0  }
0x162: {  	[tilespmem:s28+$0xE1F0] =	vst v6;
	v6 =	vld [tilespmem:s28+$0x1A60];
	v1 =	vmul.f32 $1.131370830e+01, v1  }
0x163: {  	[tilespmem:s28+$0xE200] =	vst v0;
	v0 =	vld [tilespmem:s28+$0x1A70];
	v2 =	vmul.f32 $1.131370830e+01, v2  }
0x164: {  	[tilespmem:s28+$0xE210] =	vst v1;
	v1 =	vld [tilespmem:s28+$0x1A80];
	v3 =	vmul.f32 $1.131370830e+01, v3  }
0x165: {  	[tilespmem:s28+$0xE220] =	vst v2;
	v2 =	vld [tilespmem:s28+$0x1A90];
	v5 =	vmul.f32 $1.131370830e+01, v5  }
0x166: {  	[tilespmem:s28+$0xE230] =	vst v3;
	v3 =	vld [tilespmem:s28+$0x1AA0];
	v4 =	vmul.f32 $1.131370830e+01, v4  }
0x167: {  	[tilespmem:s28+$0xE240] =	vst v5;
	v5 =	vld [tilespmem:s28+$0x1AB0];
	v6 =	vmul.f32 $1.131370830e+01, v6  }
0x168: {  	[tilespmem:s28+$0xE250] =	vst v4;
	v4 =	vld [tilespmem:s28+$0x1AC0];
	v0 =	vmul.f32 $1.131370830e+01, v0  }
0x169: {  	[tilespmem:s28+$0xE260] =	vst v6;
	v6 =	vld [tilespmem:s28+$0x1AD0];
	v1 =	vmul.f32 $1.131370830e+01, v1  }
0x16a: {  	[tilespmem:s28+$0xE270] =	vst v0;
	v0 =	vmul.f32 $1.131370830e+01, v2;
	v2 =	vld [tilespmem:s28+$0x1AE0]  }
0x16b: {  	[tilespmem:s28+$0xE280] =	vst v1;
	v1 =	vmul.f32 $1.131370830e+01, v3  }
0x16c: {  	[tilespmem:s28+$0xE290] =	vst v0;
	v0 =	vmul.f32 $1.131370830e+01, v5  }
0x16d: {  	[tilespmem:s28+$0xE2A0] =	vst v1;
	v1 =	vmul.f32 $1.131370830e+01, v4  }
0x16e: {  	[tilespmem:s28+$0xE2B0] =	vst v0;
	v0 =	vmul.f32 $1.131370830e+01, v6  }
0x16f: {  	[tilespmem:s28+$0xE2C0] =	vst v1;
	v1 =	vmul.f32 $1.131370830e+01, v2  }
0x170: {  	[tilespmem:s28+$0xE2D0] =	vst v0  }
0x171: {  	s1 =	simm.s32 $0x0;
	[tilespmem:s28+$0xE2E0] =	vst v1  }
0x172: {  	[hbm4b:s7+s1] =	stream.linear.scatter [tilespmem:s18], [sflag:$0x3], $0x6400, $0x38;
	[tilespmem:$0x1A900] =	vst v63  }
0x173: {  	_ =	swait.ge [sflag:s19], $0x4000  }
0x174: {  	[sflag:s19] =	ssyncset.done $0x0  }
0x175: {  	[sflag:s19] =	ssyncadd.s32 $0xFFFFC000  }
0x176: {  	_ =	swait.ge [sflag:s19], $0x2400  }
0x177: {  	[sflag:s19] =	ssyncset.done $0x0  }
0x178: {  	[sflag:s19] =	ssyncadd.s32 $0xFFFFDC00  }
0x179: {  	_ =	swait.ge [sflag:s24], $0x6400  }
0x17a: {  	[sflag:s24] =	ssyncset.done $0x0  }
0x17b: {  	s26 =	simm.s32 $0x0;
	[sflag:s24] =	ssyncadd.s32 $0xFFFF9C00  }
0x17c: {  	v0 =	vld [tilespmem:s26+$0x7EF0]  }
0x17d: {  	v1 =	vld [tilespmem:s26+$0x7D00];
	_ =	sdelay $0x1  }
0x17e: {  	v2 =	vld [tilespmem:s26+$0x7D10]  }
0x17f: {  	v3 =	vld [tilespmem:s26+$0x7D20]  }
0x180: {  	v4 =	vld [tilespmem:s26+$0x7D30];
	v0 =	vmul.f32 $1.131370830e+01, v0  }
0x181: {  	v5 =	vld [tilespmem:s26+$0x7D40];
	v1 =	vmul.f32 $1.131370830e+01, v1  }
0x182: {  	v6 =	vld [tilespmem:s26+$0x7D50];
	[tilespmem:s26+$0x146F0] =	vst v0  }
0x183: {  	v0 =	vmul.f32 $1.131370830e+01, v2;
	[tilespmem:s26+$0x14500] =	vst v1;
	v1 =	vld [tilespmem:s26+$0x7D70]  }
0x184: {  	v7 =	vld [tilespmem:s26+$0x7D60];
	v2 =	vmul.f32 $1.131370830e+01, v3  }
0x185: {  	v3 =	vmul.f32 $1.131370830e+01, v4;
	[tilespmem:s26+$0x14510] =	vst v0;
	v0 =	vld [tilespmem:s26+$0x7D80]  }
0x186: {  	v4 =	vmul.f32 $1.131370830e+01, v5;
	[tilespmem:s26+$0x14520] =	vst v2;
	v2 =	vld [tilespmem:s26+$0x7D90]  }
0x187: {  	v5 =	vmul.f32 $1.131370830e+01, v6;
	[tilespmem:s26+$0x14530] =	vst v3;
	v3 =	vld [tilespmem:s26+$0x7DA0]  }
0x188: {  	[tilespmem:s26+$0x14540] =	vst v4;
	v4 =	vld [tilespmem:s26+$0x7DB0];
	v1 =	vmul.f32 $1.131370830e+01, v1  }
0x189: {  	v6 =	vmul.f32 $1.131370830e+01, v7;
	[tilespmem:s26+$0x14550] =	vst v5;
	v5 =	vld [tilespmem:s26+$0x7DC0]  }
0x18a: {  	v0 =	vmul.f32 $1.131370830e+01, v0;
	[tilespmem:s26+$0x14570] =	vst v1;
	v1 =	vld [tilespmem:s26+$0x7DE0]  }
0x18b: {  	[tilespmem:s26+$0x14560] =	vst v6;
	v6 =	vld [tilespmem:s26+$0x7DD0];
	v2 =	vmul.f32 $1.131370830e+01, v2  }
0x18c: {  	v3 =	vmul.f32 $1.131370830e+01, v3;
	[tilespmem:s26+$0x14580] =	vst v0;
	v0 =	vld [tilespmem:s26+$0x7DF0]  }
0x18d: {  	v4 =	vmul.f32 $1.131370830e+01, v4;
	[tilespmem:s26+$0x14590] =	vst v2;
	v2 =	vld [tilespmem:s26+$0x7E00]  }
0x18e: {  	v5 =	vmul.f32 $1.131370830e+01, v5;
	[tilespmem:s26+$0x145A0] =	vst v3;
	v3 =	vld [tilespmem:s26+$0x7E10]  }
0x18f: {  	[tilespmem:s26+$0x145B0] =	vst v4;
	v4 =	vld [tilespmem:s26+$0x7E20];
	v1 =	vmul.f32 $1.131370830e+01, v1  }
0x190: {  	v6 =	vmul.f32 $1.131370830e+01, v6;
	[tilespmem:s26+$0x145C0] =	vst v5;
	v5 =	vld [tilespmem:s26+$0x7E30]  }
0x191: {  	v0 =	vmul.f32 $1.131370830e+01, v0;
	[tilespmem:s26+$0x145E0] =	vst v1;
	v1 =	vld [tilespmem:s26+$0x7E50]  }
0x192: {  	[tilespmem:s26+$0x145D0] =	vst v6;
	v6 =	vld [tilespmem:s26+$0x7E40];
	v2 =	vmul.f32 $1.131370830e+01, v2  }
0x193: {  	[tilespmem:s26+$0x145F0] =	vst v0;
	v0 =	vmul.f32 $1.131370830e+01, v3;
	v3 =	vld [tilespmem:s26+$0x7E70]  }
0x194: {  	v7 =	vld [tilespmem:s26+$0x7E60];
	[tilespmem:s26+$0x14600] =	vst v2;
	v2 =	vmul.f32 $1.131370830e+01, v4  }
0x195: {  	v4 =	vld [tilespmem:s26+$0x7E80];
	[tilespmem:s26+$0x14610] =	vst v0;
	v0 =	vmul.f32 $1.131370830e+01, v5  }
0x196: {  	v8 =	vld [tilespmem:s26+$0x7E90];
	[tilespmem:s26+$0x14620] =	vst v2;
	v5 =	vmul.f32 $1.131370830e+01, v1  }
0x197: {  	v2 =	vmul.f32 $1.131370830e+01, v6;
	[tilespmem:s26+$0x14630] =	vst v0;
	v0 =	vld [tilespmem:s26+$0x7EA0]  }
0x198: {  	v1 =	vld [tilespmem:s26+$0x7EB0];
	[tilespmem:s26+$0x14650] =	vst v5;
	v5 =	vmul.f32 $1.131370830e+01, v3  }
0x199: {  	v6 =	vmul.f32 $1.131370830e+01, v7;
	[tilespmem:s26+$0x14640] =	vst v2;
	v2 =	vld [tilespmem:s26+$0x7EC0]  }
0x19a: {  	v3 =	vld [tilespmem:s26+$0x7ED0];
	[tilespmem:s26+$0x14670] =	vst v5;
	v5 =	vmul.f32 $1.131370830e+01, v4  }
0x19b: {  	s28 =	simm.s32 $0x200;
	s1 =	simm.s32 $0x1000;
	[tilespmem:s26+$0x14660] =	vst v6;
	v6 =	vmul.f32 $1.131370830e+01, v8;
	v4 =	vld [tilespmem:s26+$0x7EE0]  }
.LBB2_10:
0x19c: {  	p0 =	sne.s32 s1, $0x18800;
	v7 =	vld [tilespmem:s28+$0x7EF0];
	[tilespmem:s26+$0x14680] =	vst v5;
	v0 =	vmul.f32 $1.131370830e+01, v0  }
0x19d: {  	v5 =	vld [tilespmem:s28+$0x7D00];
	[tilespmem:s26+$0x14690] =	vst v6;
	v1 =	vmul.f32 $1.131370830e+01, v1  }
0x19e: {  	v6 =	vld [tilespmem:s28+$0x7D10];
	[tilespmem:s26+$0x146A0] =	vst v0;
	v0 =	vmul.f32 $1.131370830e+01, v2  }
0x19f: {  	v2 =	vld [tilespmem:s28+$0x7D20];
	[tilespmem:s26+$0x146B0] =	vst v1;
	v1 =	vmul.f32 $1.131370830e+01, v3  }
0x1a0: {  	v3 =	vld [tilespmem:s28+$0x7D30];
	[tilespmem:s26+$0x146C0] =	vst v0;
	v0 =	vmul.f32 $1.131370830e+01, v4  }
0x1a1: {  	v4 =	vld [tilespmem:s28+$0x7D40];
	v7 =	vmul.f32 $1.131370830e+01, v7;
	[tilespmem:s26+$0x146D0] =	vst v1  }
0x1a2: {  	v1 =	vmul.f32 $1.131370830e+01, v5;
	v5 =	vld [tilespmem:s28+$0x7D50];
	[tilespmem:s26+$0x146E0] =	vst v0;
	s26 =	smov.u32 s28  }
0x1a3: {  	v0 =	vmul.f32 $1.131370830e+01, v6;
	v6 =	vld [tilespmem:s26+$0x7D60];
	[tilespmem:s26+$0x146F0] =	vst v7  }
0x1a4: {  	[tilespmem:s26+$0x14500] =	vst v1;
	v1 =	vmul.f32 $1.131370830e+01, v2;
	v2 =	vld [tilespmem:s26+$0x7D70]  }
0x1a5: {  	[tilespmem:s26+$0x14510] =	vst v0;
	v0 =	vmul.f32 $1.131370830e+01, v3;
	v3 =	vld [tilespmem:s26+$0x7D80]  }
0x1a6: {  	[tilespmem:s26+$0x14520] =	vst v1;
	v1 =	vmul.f32 $1.131370830e+01, v4;
	v4 =	vld [tilespmem:s26+$0x7D90]  }
0x1a7: {  	[tilespmem:s26+$0x14530] =	vst v0;
	v0 =	vmul.f32 $1.131370830e+01, v5;
	v5 =	vld [tilespmem:s26+$0x7DA0]  }
0x1a8: {  	[tilespmem:s26+$0x14540] =	vst v1;
	v1 =	vmul.f32 $1.131370830e+01, v6;
	v6 =	vld [tilespmem:s26+$0x7DB0]  }
0x1a9: {  	[tilespmem:s26+$0x14550] =	vst v0;
	v0 =	vmul.f32 $1.131370830e+01, v2;
	v2 =	vld [tilespmem:s26+$0x7DC0]  }
0x1aa: {  	[tilespmem:s26+$0x14560] =	vst v1;
	v1 =	vmul.f32 $1.131370830e+01, v3;
	v3 =	vld [tilespmem:s26+$0x7DD0]  }
0x1ab: {  	[tilespmem:s26+$0x14570] =	vst v0;
	v0 =	vmul.f32 $1.131370830e+01, v4;
	v4 =	vld [tilespmem:s26+$0x7DE0]  }
0x1ac: {  	[tilespmem:s26+$0x14580] =	vst v1;
	v1 =	vmul.f32 $1.131370830e+01, v5;
	v5 =	vld [tilespmem:s26+$0x7DF0]  }
0x1ad: {  	[tilespmem:s26+$0x14590] =	vst v0;
	v0 =	vmul.f32 $1.131370830e+01, v6;
	v6 =	vld [tilespmem:s26+$0x7E00]  }
0x1ae: {  	[tilespmem:s26+$0x145A0] =	vst v1;
	v1 =	vmul.f32 $1.131370830e+01, v2;
	v2 =	vld [tilespmem:s26+$0x7E10]  }
0x1af: {  	[tilespmem:s26+$0x145B0] =	vst v0;
	v0 =	vmul.f32 $1.131370830e+01, v3;
	v3 =	vld [tilespmem:s26+$0x7E20]  }
0x1b0: {  	[tilespmem:s26+$0x145C0] =	vst v1;
	v1 =	vmul.f32 $1.131370830e+01, v4;
	v4 =	vld [tilespmem:s26+$0x7E30]  }
0x1b1: {  	[tilespmem:s26+$0x145D0] =	vst v0;
	v0 =	vmul.f32 $1.131370830e+01, v5;
	v5 =	vld [tilespmem:s26+$0x7E40]  }
0x1b2: {  	[tilespmem:s26+$0x145E0] =	vst v1;
	v1 =	vmul.f32 $1.131370830e+01, v6;
	v6 =	vld [tilespmem:s26+$0x7E50]  }
0x1b3: {  	[tilespmem:s26+$0x145F0] =	vst v0;
	v0 =	vmul.f32 $1.131370830e+01, v2;
	v2 =	vld [tilespmem:s26+$0x7E60]  }
0x1b4: {  	[tilespmem:s26+$0x14600] =	vst v1;
	v1 =	vmul.f32 $1.131370830e+01, v3;
	v3 =	vld [tilespmem:s26+$0x7E70]  }
0x1b5: {  	[tilespmem:s26+$0x14610] =	vst v0;
	v0 =	vmul.f32 $1.131370830e+01, v4;
	v4 =	vld [tilespmem:s26+$0x7E80]  }
0x1b6: {  	[tilespmem:s26+$0x14620] =	vst v1;
	v1 =	vmul.f32 $1.131370830e+01, v5;
	v7 =	vld [tilespmem:s26+$0x7E90]  }
.Ltmp4:
0x1b7: {  	[tilespmem:s26+$0x14630] =	vst v0;
	v5 =	vmul.f32 $1.131370830e+01, v6;
	v0 =	vld [tilespmem:s26+$0x7EA0];
	(pc) =	sbr.rel @p0 .LBB2_10-.Ltmp4, $4  }
0x1b8: {  	[tilespmem:s26+$0x14640] =	vst v1;
	v6 =	vmul.f32 $1.131370830e+01, v2;
	v1 =	vld [tilespmem:s26+$0x7EB0]  }
0x1b9: {  	[tilespmem:s26+$0x14650] =	vst v5;
	v8 =	vmul.f32 $1.131370830e+01, v3;
	v2 =	vld [tilespmem:s26+$0x7EC0]  }
0x1ba: {  	[tilespmem:s26+$0x14660] =	vst v6;
	v5 =	vmul.f32 $1.131370830e+01, v4;
	v3 =	vld [tilespmem:s26+$0x7ED0]  }
0x1bb: {  	s28 =	sshra.s32 s1, $0x2;
	s1 =	sadd.s32 $0x800, s1;
	[tilespmem:s26+$0x14670] =	vst v8;
	v6 =	vmul.f32 $1.131370830e+01, v7;
	v4 =	vld [tilespmem:s26+$0x7EE0]  }
0x1bc: {  	v7 =	vld [tilespmem:s28+$0x7EF0];
	[tilespmem:s26+$0x14680] =	vst v5;
	v0 =	vmul.f32 $1.131370830e+01, v0  }
0x1bd: {  	v5 =	vld [tilespmem:s28+$0x7D00];
	[tilespmem:s26+$0x14690] =	vst v6;
	v1 =	vmul.f32 $1.131370830e+01, v1  }
0x1be: {  	v6 =	vld [tilespmem:s28+$0x7D10];
	[tilespmem:s26+$0x146A0] =	vst v0;
	v2 =	vmul.f32 $1.131370830e+01, v2  }
0x1bf: {  	v0 =	vld [tilespmem:s28+$0x7D20];
	[tilespmem:s26+$0x146B0] =	vst v1;
	v3 =	vmul.f32 $1.131370830e+01, v3  }
0x1c0: {  	v1 =	vld [tilespmem:s28+$0x7D30];
	[tilespmem:s26+$0x146C0] =	vst v2;
	v4 =	vmul.f32 $1.131370830e+01, v4  }
0x1c1: {  	v2 =	vld [tilespmem:s28+$0x7D40];
	[tilespmem:s26+$0x146D0] =	vst v3;
	v7 =	vmul.f32 $1.131370830e+01, v7  }
0x1c2: {  	v3 =	vld [tilespmem:s28+$0x7D50];
	[tilespmem:s26+$0x146E0] =	vst v4;
	v32 =	vmul.f32 $1.131370830e+01, v5  }
0x1c3: {  	v33 =	vld [tilespmem:s28+$0x7D60];
	[tilespmem:s28+$0x146F0] =	vst v7;
	v6 =	vmul.f32 $1.131370830e+01, v6  }
0x1c4: {  	v34 =	vld [tilespmem:s28+$0x7D70];
	[tilespmem:s28+$0x14500] =	vst v32;
	v0 =	vmul.f32 $1.131370830e+01, v0  }
0x1c5: {  	v35 =	vld [tilespmem:s28+$0x7D80];
	[tilespmem:s28+$0x14510] =	vst v6;
	v1 =	vmul.f32 $1.131370830e+01, v1  }
0x1c6: {  	v36 =	vld [tilespmem:s28+$0x7D90];
	[tilespmem:s28+$0x14520] =	vst v0;
	v2 =	vmul.f32 $1.131370830e+01, v2  }
0x1c7: {  	v37 =	vld [tilespmem:s28+$0x7DA0];
	[tilespmem:s28+$0x14530] =	vst v1;
	v3 =	vmul.f32 $1.131370830e+01, v3  }
0x1c8: {  	v38 =	vld [tilespmem:s28+$0x7DB0];
	[tilespmem:s28+$0x14540] =	vst v2;
	v5 =	vmul.f32 $1.131370830e+01, v33  }
0x1c9: {  	v52 =	vld [tilespmem:s28+$0x7E90];
	v4 =	vmul.f32 $1.131370830e+01, v34;
	[tilespmem:s28+$0x14550] =	vst v3  }
0x1ca: {  	v53 =	vld [tilespmem:s28+$0x7EA0];
	v6 =	vmul.f32 $1.131370830e+01, v35;
	[tilespmem:s28+$0x14560] =	vst v5  }
0x1cb: {  	v54 =	vld [tilespmem:s28+$0x7EB0];
	v0 =	vmul.f32 $1.131370830e+01, v36;
	[tilespmem:s28+$0x14570] =	vst v4  }
0x1cc: {  	v55 =	vld [tilespmem:s28+$0x7EC0];
	v1 =	vmul.f32 $1.131370830e+01, v37;
	[tilespmem:s28+$0x14580] =	vst v6  }
0x1cd: {  	v56 =	vld [tilespmem:s28+$0x7ED0];
	v2 =	vmul.f32 $1.131370830e+01, v38;
	[tilespmem:s28+$0x14590] =	vst v0  }
0x1ce: {  	v58 =	vld [tilespmem:s28+$0x7EE0];
	v57 =	vmul.f32 $1.131370830e+01, v52;
	[tilespmem:s28+$0x145A0] =	vst v1  }
0x1cf: {  	v39 =	vld [tilespmem:s28+$0x7DC0];
	v59 =	vmul.f32 $1.131370830e+01, v53;
	[tilespmem:s28+$0x145B0] =	vst v2  }
0x1d0: {  	v40 =	vld [tilespmem:s28+$0x7DD0];
	v60 =	vmul.f32 $1.131370830e+01, v54;
	[tilespmem:s28+$0x14690] =	vst v57  }
0x1d1: {  	v41 =	vld [tilespmem:s28+$0x7DE0];
	v61 =	vmul.f32 $1.131370830e+01, v55;
	[tilespmem:s28+$0x146A0] =	vst v59  }
0x1d2: {  	v42 =	vld [tilespmem:s28+$0x7DF0];
	v62 =	vmul.f32 $1.131370830e+01, v56;
	[tilespmem:s28+$0x146B0] =	vst v60  }
0x1d3: {  	v43 =	vld [tilespmem:s28+$0x7E00];
	v63 =	vmul.f32 $1.131370830e+01, v58;
	[tilespmem:s28+$0x146C0] =	vst v61  }
0x1d4: {  	v44 =	vld [tilespmem:s28+$0x7E10];
	v3 =	vmul.f32 $1.131370830e+01, v39;
	[tilespmem:s28+$0x146D0] =	vst v62  }
0x1d5: {  	v45 =	vld [tilespmem:s28+$0x7E20];
	v5 =	vmul.f32 $1.131370830e+01, v40;
	[tilespmem:s28+$0x146E0] =	vst v63  }
0x1d6: {  	v46 =	vld [tilespmem:s28+$0x7E30];
	v4 =	vmul.f32 $1.131370830e+01, v41;
	[tilespmem:s28+$0x145C0] =	vst v3  }
0x1d7: {  	v47 =	vld [tilespmem:s28+$0x7E40];
	v6 =	vmul.f32 $1.131370830e+01, v42;
	[tilespmem:s28+$0x145D0] =	vst v5  }
0x1d8: {  	v48 =	vld [tilespmem:s28+$0x7E50];
	v0 =	vmul.f32 $1.131370830e+01, v43;
	[tilespmem:s28+$0x145E0] =	vst v4  }
0x1d9: {  	v49 =	vld [tilespmem:s28+$0x7E60];
	v1 =	vmul.f32 $1.131370830e+01, v44;
	[tilespmem:s28+$0x145F0] =	vst v6  }
0x1da: {  	v50 =	vld [tilespmem:s28+$0x7E70];
	v2 =	vmul.f32 $1.131370830e+01, v45;
	[tilespmem:s28+$0x14600] =	vst v0  }
0x1db: {  	v51 =	vld [tilespmem:s28+$0x7E80];
	v3 =	vmul.f32 $1.131370830e+01, v46;
	[tilespmem:s28+$0x14610] =	vst v1  }
0x1dc: {  	[tilespmem:s28+$0x14620] =	vst v2;
	v5 =	vmul.f32 $1.131370830e+01, v47  }
0x1dd: {  	v4 =	vmul.f32 $1.131370830e+01, v48;
	[tilespmem:s28+$0x14630] =	vst v3  }
0x1de: {  	v6 =	vmul.f32 $1.131370830e+01, v49;
	[tilespmem:s28+$0x14640] =	vst v5  }
0x1df: {  	v0 =	vmul.f32 $1.131370830e+01, v50;
	[tilespmem:s28+$0x14650] =	vst v4  }
0x1e0: {  	v1 =	vmul.f32 $1.131370830e+01, v51;
	[tilespmem:s28+$0x14660] =	vst v6  }
0x1e1: {  	[tilespmem:s28+$0x14670] =	vst v0  }
0x1e2: {  	s25 =	sadd.s32 $0x1, s25;
	[tilespmem:s28+$0x14680] =	vst v1  }
0x1e3: {  	[hbm4b:s8+s4] =	stream.linear.scatter [tilespmem:s20], [sflag:$0x4], $0x6400, $0x38;
	[tilespmem:$0x1A900] =	vst v63  }
0x1e4: {  	p0 =	sne.s32 s25, s9;
	_ =	swait.ge [sflag:s23], $0x6400  }
.Ltmp5:
0x1e5: {  	[sflag:s23] =	ssyncset.done $0x0;
	(pc) =	sbr.rel @p0 .LBB2_1-.Ltmp5, $4  }
0x1e6: {  	[sflag:s23] =	ssyncadd.s32 $0xFFFF9C00  }
0x1e7: {  	_ =	swait.ge [sflag:s24], $0x6400  }
0x1e8: {  	[sflag:s24] =	ssyncset.done $0x0  }
0x1e9: {  	[sflag:s24] =	ssyncadd.s32 $0xFFFF9C00  }
0x1ea: {  	_ =	sfence.sel $0x180000  }
0x1eb: {  	[bflag:$0x0] =	sbarrier.arrive $0xFFFF  }
0x1ec: {  	_ =	strace $0x90000047  }
0x1ed: {  	[bflag:$0x2] =	sbarrier.arrive $0xFFFF  }
0x1ee: {  	p0 =	sne.s32 s0, $0x0;
	s0 =	rddreg [dreg:$0x3]  }
0x1ef: {  	s0 =	sadd.s32 @!p0 $0x100000, s0  }
0x1f0: {  	[sflag:s0] =	ssyncadd.tile.s32 @!p0 $0x1;
	_ =	shalt  }
.Lfunc_end2:
_tile_overlayer_lowered:
.L_overlay_start_2:
0x1f1: {  	(tag) =	ssettag $0x2  }
0x1f2: {  	s0 =	rddreg [dreg:$0x0];
	s2 =	stileid.u32  }
0x1f3: {  	s1 =	rddreg [dreg:$0x1];
	p0 =	sne.s32 s2, $0x0  }
0x1f4: {  	s3 =	rddreg [dreg:$0x2];
	[bflag:$0x3] =	sbarrier.arrive $0xFFFF;
	s2 =	simm.s32 @!p0 $0x1C05  }
0x1f5: {  	[timem:s3], [sflag:s2] =	dma.local @!p0 [hbm:s0], s1  }
0x1f6: {  	s0 =	simm.s32 @!p0 $0x5  }
0x1f7: {  	_ =	swait.ge @!p0 [sflag:s0], s1  }
0x1f8: {  	s1 =	ssub.s32 @!p0 $0x0, s1;
	[sflag:s0] =	ssyncset.done @!p0 $0x0  }
0x1f9: {  	[sflag:s0] =	ssyncadd.s32 @!p0 s1  }
0x1fa: {  	[bflag:$0x3] =	sbarrier.arrive $0xFFFF  }
0x1fb: {  	_ =	shalt  }

</sc_bundles>
